<compile_context>
chip_gen: v7x
topology: tpu7x:2x2x1
jax: 0.10.2.dev20260603
libtpu: 0.0.44.dev20260713+nightly
codegen_flags: <defaults>
</compile_context>

<pallas_src>
import functools

import jax
import jax.numpy as jnp
from jax import lax
from jax.experimental import pallas as pl
from jax.experimental.pallas import tpu as pltpu
from jax.experimental.pallas import tpu_sc as plsc

_N = 10000
_E = 320000
_D = 128

_RNG = 320
_NPAD = 32 * _RNG
_CH = 2000
_G2 = 80
_EPT = _E // 16
_GB = 32
_GB_LOG2 = 5



def _tables_body(feat_ref, wa_ref, ba_ref, out_ref):
    x = feat_ref[...]
    dn = (((1,), (1,)), ((), ()))
    std = lax.dot_general(x, wa_ref[0], dn, preferred_element_type=jnp.float32)
    std = std + ba_ref[2:3, :]
    mx = lax.dot_general(x, wa_ref[1], dn, preferred_element_type=jnp.float32)
    mx = mx + ba_ref[3:4, :]
    out_ref[0] = x
    out_ref[1] = std * std
    out_ref[2] = mx


def _build_tables(feat, WA, B_all):
    return pl.pallas_call(
        _tables_body,
        grid=(25,),
        in_specs=[
            pl.BlockSpec((400, _D), lambda i: (i, 0)),
            pl.BlockSpec((2, _D, _D), lambda i: (0, 0, 0)),
            pl.BlockSpec((8, _D), lambda i: (0, 0)),
        ],
        out_specs=pl.BlockSpec((3, 400, _D), lambda i: (0, i, 0)),
        out_shape=jax.ShapeDtypeStruct((3, _N, _D), jnp.float32),
    )(feat, WA, B_all)



_sc_mesh = plsc.VectorSubcoreMesh(core_axis_name="c", subcore_axis_name="s")


@functools.partial(
    pl.kernel,
    out_type=[
        jax.ShapeDtypeStruct((2 * _NPAD, _D), jnp.float32),
    ],
    mesh=_sc_mesh,
    scratch_types=[
        pltpu.VMEM((_CH + 16,), jnp.int32),
        pltpu.VMEM((_CH + 16,), jnp.int32),
        pltpu.VMEM((_CH + 16,), jnp.float32),
        pltpu.VMEM((2, _G2), jnp.int32),
        pltpu.VMEM((2, _G2), jnp.int32),
        pltpu.VMEM((2, _G2, _D), jnp.float32),
        pltpu.VMEM((40, _D), jnp.float32),
        pltpu.VMEM_SHARED((_NPAD, _D), jnp.float32),
        pltpu.SemaphoreType.DMA,
        pltpu.SemaphoreType.DMA,
        pltpu.SemaphoreType.DMA,
    ],
    compiler_params=pltpu.CompilerParams(needs_layout_passes=False),
)
def _sc_sum(src_hbm, dst_hbm, w_hbm, t3_hbm, outs_hbm,
            dstg, srcg, wg, srcb, dstb, grow, zbuf, sacc, semst, semg0, semg1):
    c = lax.axis_index("c")
    s = lax.axis_index("s")
    zero16 = jnp.zeros((16,), jnp.float32)
    semg = (semg0, semg1)
    nq = _CH // _G2

    def zrow(r, carry):
        for k in range(8):
            zbuf[r, pl.ds(k * 16, 16)] = zero16
        return carry
    lax.fori_loop(0, 40, zrow, 0)
    for t in range(16):
        pltpu.sync_copy(zbuf, sacc.at[pl.ds(s * 640 + t * 40, 40)])
    plsc.subcore_barrier()

    coff = jnp.full((16,), c * _N, jnp.int32)

    def fire(q, p):
        for k in range(_G2 // 16):
            srcb[p, pl.ds(k * 16, 16)] = srcg[pl.ds(q * _G2 + k * 16, 16)] + coff
            dstb[p, pl.ds(k * 16, 16)] = dstg[pl.ds(q * _G2 + k * 16, 16)]
        pltpu.async_copy(t3_hbm.at[srcb.at[p]], grow.at[p], semg[p])

    def process(q, p):
        pltpu.make_async_copy(t3_hbm.at[srcb.at[p]], grow.at[p], semg[p]).wait()

        def p2_edge(e2, carry3):
            for h in range(2):
                e = e2 * 2 + h
                ws = wg[pl.ds(q * _G2 + e, 16)][0]
                wv = jnp.full((16,), ws, jnp.float32)
                for j in range(8):
                    grow[p, e, pl.ds(j * 16, 16)] = grow[p, e, pl.ds(j * 16, 16)] * wv
            return carry3
        lax.fori_loop(0, _G2 // 2, p2_edge, 0)
        pltpu.sync_copy(grow.at[p], sacc.at[dstb.at[p]], add=True)

    def p2_super(i, carry):
        base = s * _EPT + i * _CH
        cp1 = pltpu.async_copy(src_hbm.at[pl.ds(base, _CH)], srcg.at[pl.ds(0, _CH)], semst)
        cp2 = pltpu.async_copy(dst_hbm.at[pl.ds(base, _CH)], dstg.at[pl.ds(0, _CH)], semst)
        cp3 = pltpu.async_copy(w_hbm.at[pl.ds(base, _CH)], wg.at[pl.ds(0, _CH)], semst)
        cp1.wait(); cp2.wait(); cp3.wait()
        fire(0, 0)

        def p2_pair(j, carry2):
            q = j * 2
            fire(q + 1, 1)
            process(q, 0)
            fire(q + 2, 0)
            process(q + 1, 1)
            return carry2
        lax.fori_loop(0, nq // 2, p2_pair, 0)
        process(nq - 1, 0)
        return carry
    lax.fori_loop(0, _EPT // _CH, p2_super, 0)

    plsc.subcore_barrier()
    for t in range(4):
        r0 = s * 640 + t * 160
        pltpu.sync_copy(sacc.at[pl.ds(r0, 160)],
                        outs_hbm.at[pl.ds(c * _NPAD + r0, 160)])


@functools.partial(
    pl.kernel,
    out_type=[
        jax.ShapeDtypeStruct((_NPAD, _D), jnp.float32),
        jax.ShapeDtypeStruct((_NPAD * 16,), jnp.float32),
    ],
    mesh=_sc_mesh,
    scratch_types=[
        pltpu.VMEM((_RNG + 1, _D), jnp.float32),
        pltpu.VMEM((16 * (_RNG + 1),), jnp.float32),
        pltpu.VMEM((_CH + 16,), jnp.int32),
        pltpu.VMEM((_CH + 16,), jnp.int32),
        pltpu.VMEM((_CH + 16,), jnp.float32),
        pltpu.VMEM((_CH + 96,), jnp.int32),
        pltpu.VMEM((_CH + 96,), jnp.int32),
        pltpu.VMEM((_CH + 96,), jnp.float32),
        pltpu.VMEM((16, _D), jnp.float32),
        pltpu.VMEM((16,), jnp.int32),
        pltpu.SemaphoreType.DMA,
        pltpu.SemaphoreType.DMA,
    ],
    compiler_params=pltpu.CompilerParams(needs_layout_passes=False),
)
def _sc_max(src_hbm, dst_hbm, w_hbm, t3_hbm, outm_hbm, outd_hbm,
            acc, deg2, dstg, srcg, wg, crel, csrc, cw, gbuf, idxg,
            semst, semg):
    c = lax.axis_index("c")
    s = lax.axis_index("s")
    wid = s * 2 + c

    lanes = lax.iota(jnp.int32, 16)
    zero16 = jnp.zeros((16,), jnp.float32)
    neginf = jnp.full((16,), -jnp.inf, jnp.float32)
    m0 = lanes == 0
    m1f = jnp.where(lanes == 1, 1.0, 0.0).astype(jnp.float32)

    def initrow(r, carry):
        for k in range(8):
            acc[r, pl.ds(k * 16, 16)] = neginf
        deg2[pl.ds(r * 16, 16)] = zero16
        return carry
    lax.fori_loop(0, _RNG + 1, initrow, 0)

    lo = wid * _RNG
    lov = jnp.full((16,), lo, jnp.int32)
    hiv = jnp.full((16,), lo + _RNG, jnp.int32)
    toff = jnp.full((16,), 2 * _N, jnp.int32)
    padrel = jnp.full((16,), _RNG, jnp.int32)

    def p1_chunk(i, carry):
        base = i * _CH
        cp1 = pltpu.async_copy(dst_hbm.at[pl.ds(base, _CH)], dstg.at[pl.ds(0, _CH)], semst)
        cp2 = pltpu.async_copy(src_hbm.at[pl.ds(base, _CH)], srcg.at[pl.ds(0, _CH)], semst)
        cp3 = pltpu.async_copy(w_hbm.at[pl.ds(base, _CH)], wg.at[pl.ds(0, _CH)], semst)
        cp1.wait(); cp2.wait(); cp3.wait()
        def scan_step(k, cnt):
            vd = dstg[pl.ds(k * 16, 16)]
            m = (vd >= lov) & (vd < hiv)
            vs = srcg[pl.ds(k * 16, 16)]
            vw = wg[pl.ds(k * 16, 16)]
            plsc.store_compressed(crel.at[pl.ds(cnt, 16)], vd - lov, mask=m)
            plsc.store_compressed(csrc.at[pl.ds(cnt, 16)], vs + toff, mask=m)
            plsc.store_compressed(cw.at[pl.ds(cnt, 16)], vw, mask=m)
            return cnt + plsc.all_reduce_population_count(m)[0]
        cnt = lax.fori_loop(0, _CH // 16, scan_step, jnp.int32(0))
        crel[pl.ds(cnt, 16)] = padrel
        csrc[pl.ds(cnt, 16)] = toff
        cw[pl.ds(cnt, 16)] = zero16
        n16 = lax.shift_right_logical(cnt + 15, 4)

        def p1_group(g, carry2):
            idxg[...] = csrc[pl.ds(g * 16, 16)]
            pltpu.async_copy(t3_hbm.at[idxg], gbuf, semg).wait()

            def p1_edge(e, carry3):
                ce = g * 16 + e
                rel = crel[pl.ds(ce, 16)][0]
                ws = cw[pl.ds(ce, 16)][0]
                wv = jnp.full((16,), ws, jnp.float32)
                deg2[pl.ds(rel * 16, 16)] = (deg2[pl.ds(rel * 16, 16)]
                                             + jnp.where(m0, wv, m1f))
                for j in range(8):
                    v = gbuf[e, pl.ds(j * 16, 16)] * wv
                    acc[rel, pl.ds(j * 16, 16)] = jnp.maximum(
                        acc[rel, pl.ds(j * 16, 16)], v)
                return carry3
            lax.fori_loop(0, 16, p1_edge, 0)
            return carry2
        lax.fori_loop(0, n16, p1_group, 0)
        return carry
    lax.fori_loop(0, _E // _CH, p1_chunk, 0)

    pltpu.sync_copy(acc.at[pl.ds(0, _RNG)], outm_hbm.at[pl.ds(lo, _RNG)])
    pltpu.sync_copy(deg2.at[pl.ds(0, _RNG * 16)], outd_hbm.at[pl.ds(lo * 16, _RNG * 16)])



def _final_body(feat_ref, sfeat_ref, sstd2_ref, mmax_ref, dp_ref,
                wb_ref, ba_ref, out_ref):
    dn = (((1,), (1,)), ((), ()))
    x = feat_ref[...]
    S = sfeat_ref[...]
    dp = dp_ref[...]
    degw = dp[:, 0:1]
    deg = dp[:, 1:2]
    dsafe = jnp.maximum(deg, 1.0)
    pos = deg > 0.0

    nsum = lax.dot_general(S, wb_ref[0], dn, preferred_element_type=jnp.float32)
    nsum = nsum + degw * ba_ref[0:1, :]
    nmean = lax.dot_general(S, wb_ref[1], dn, preferred_element_type=jnp.float32)
    nmean = (nmean + degw * ba_ref[1:2, :]) / dsafe
    t1 = lax.dot_general(S, wb_ref[2], dn, preferred_element_type=jnp.float32)
    t1 = (t1 + degw * ba_ref[2:3, :]) / dsafe
    t2 = sstd2_ref[...] / dsafe
    nstd = t2 - t1 * t1
    nmax = mmax_ref[...]

    zero = jnp.zeros_like(nsum)
    nsum = jnp.where(pos, nsum, zero)
    nmean = jnp.where(pos, nmean, zero)
    nmax = jnp.where(pos, nmax, zero)
    nstd = jnp.where(pos, nstd, zero)

    out = lax.dot_general(x, wb_ref[3], dn, preferred_element_type=jnp.float32)
    out = out + lax.dot_general(nsum, wb_ref[4], dn, preferred_element_type=jnp.float32)
    out = out + lax.dot_general(nmean, wb_ref[5], dn, preferred_element_type=jnp.float32)
    out = out + lax.dot_general(nmax, wb_ref[6], dn, preferred_element_type=jnp.float32)
    out = out + lax.dot_general(nstd, wb_ref[7], dn, preferred_element_type=jnp.float32)
    out_ref[...] = out + ba_ref[4:5, :]


def _final(feat, S_feat, S_std2, M_max, dp, WB, B_all):
    blk = lambda i: (i, 0)
    return pl.pallas_call(
        _final_body,
        grid=(25,),
        in_specs=[
            pl.BlockSpec((400, _D), blk),
            pl.BlockSpec((400, _D), blk),
            pl.BlockSpec((400, _D), blk),
            pl.BlockSpec((400, _D), blk),
            pl.BlockSpec((400, 2), blk),
            pl.BlockSpec((8, _D, _D), lambda i: (0, 0, 0)),
            pl.BlockSpec((8, _D), lambda i: (0, 0)),
        ],
        out_specs=pl.BlockSpec((400, _D), blk),
        out_shape=jax.ShapeDtypeStruct((_N, _D), jnp.float32),
    )(feat, S_feat, S_std2, M_max, dp, WB, B_all)



def kernel(feat, edge_index, edge_weight, W_src, b_src, W_neigh, b_neigh):
    src = edge_index[0]
    dst = edge_index[1]
    d = _D

    Wsum, Wmean, Wmax, Wstd = (W_src[0:d], W_src[d:2 * d],
                               W_src[2 * d:3 * d], W_src[3 * d:4 * d])
    bsum, bmean, bmax, bstd = (b_src[0:d], b_src[d:2 * d],
                               b_src[2 * d:3 * d], b_src[3 * d:4 * d])
    z = jnp.zeros((d,), jnp.float32)
    B_all = jnp.stack([bsum, bmean, bstd, bmax, b_neigh, z, z, z])
    WA = jnp.stack([Wstd, Wmax])
    WB = jnp.stack([Wsum, Wmean, Wstd,
                    W_neigh[:, 0:d], W_neigh[:, d:2 * d], W_neigh[:, 2 * d:3 * d],
                    W_neigh[:, 3 * d:4 * d], W_neigh[:, 4 * d:5 * d]])

    t3 = _build_tables(feat, WA, B_all).reshape(3 * _N, d)
    (outs,) = _sc_sum(src, dst, edge_weight, t3)
    outm, outd = _sc_max(src, dst, edge_weight, t3)

    S_feat = outs[:_N]
    dp = outd.reshape(_NPAD, 16)[:_N, 0:2]
    S_std2 = outs[_NPAD:_NPAD + _N]
    M_max = outm[:_N]

    return _final(feat, S_feat, S_std2, M_max, dp, WB, B_all)

# --- scband reference (transcript-rebuilt; emitter-appended) ---
"""Pipeline reference for scband-conv-84018150245195 (READ-ONLY COPY).

The authoritative reference and input builder live on the scoring server;
editing this copy changes nothing except your own understanding.
"""

import jax, jax.numpy as jnp
import numpy as np

N = 10000
E = 320000
D = 128
OUT = 128


def setup_inputs(seed: int = 0) -> dict:
    key = jax.random.key(seed)
    ks = jax.random.split(key, 8)
    feat = jax.random.normal(ks[0], (N, D), dtype=jnp.float32)
    edge_index = jax.random.randint(ks[1], (2, E), 0, N, dtype=jnp.int32)
    edge_weight = jax.random.uniform(ks[2], (E,), dtype=jnp.float32)
    gain = float(np.sqrt(2.0))  # calculate_gain('relu')
    lim_src = gain * float(np.sqrt(6.0 / (D + 4 * D)))
    W_src = jax.random.uniform(ks[3], (4 * D, D), minval=-lim_src, maxval=lim_src, dtype=jnp.float32)
    b_src = jnp.zeros((4 * D,), dtype=jnp.float32)
    lim_neigh = gain * float(np.sqrt(6.0 / (5 * D + OUT)))
    W_neigh = jax.random.uniform(ks[4], (OUT, 5 * D), minval=-lim_neigh, maxval=lim_neigh, dtype=jnp.float32)
    b_neigh = jnp.zeros((OUT,), dtype=jnp.float32)
    return {"feat": feat, "edge_index": edge_index, "edge_weight": edge_weight,
            "W_src": W_src, "b_src": b_src, "W_neigh": W_neigh, "b_neigh": b_neigh}


def reference(feat, edge_index, edge_weight, W_src, b_src, W_neigh, b_neigh):
    n = feat.shape[0]
    d = D
    src = edge_index[0]
    dst = edge_index[1]
    # fc_pool_src
    h = feat @ W_src.T + b_src  # [N, 4d]
    h_sum = h[:, 0 * d:1 * d]
    h_mean = h[:, 1 * d:2 * d]
    h_max = h[:, 2 * d:3 * d]
    h_std = h[:, 3 * d:4 * d]
    h_std2 = h_std ** 2
    w = edge_weight[:, None]
    deg = jax.ops.segment_sum(jnp.ones((src.shape[0],), dtype=jnp.float32), dst, num_segments=n)
    deg_safe = jnp.maximum(deg, 1.0)[:, None]
    # u_mul_e + sum
    neigh_sum = jax.ops.segment_sum(h_sum[src] * w, dst, num_segments=n)
    # u_mul_e + mean
    neigh_mean = jax.ops.segment_sum(h_mean[src] * w, dst, num_segments=n) / deg_safe
    # u_mul_e + max
    neigh_max = jax.ops.segment_max(h_max[src] * w, dst, num_segments=n)
    neigh_max = jnp.where(deg[:, None] > 0, neigh_max, 0.0)
    # std channel: mean(m) and mean(m^2)
    neigh_std1 = jax.ops.segment_sum(h_std[src] * w, dst, num_segments=n) / deg_safe
    neigh_std2 = jax.ops.segment_sum(h_std2[src] * w, dst, num_segments=n) / deg_safe
    neigh_std = neigh_std2 - neigh_std1 ** 2
    h_neigh = jnp.concatenate([neigh_sum, neigh_mean, neigh_max, neigh_std], axis=-1)
    # zero out nodes with no in-edges
    h_neigh = jnp.where(deg[:, None] > 0, h_neigh, 0.0)
    rst = jnp.concatenate([feat, h_neigh], axis=1) @ W_neigh.T + b_neigh
    return rst

if __name__ == "__main__":
    import jax
    _d = setup_inputs()
    print(jax.jit(kernel)(*tuple(_d.values())))

</pallas_src>

<mosaic_0001>
#map = affine_map<(d0, d1) -> (0)>
#map1 = affine_map<(d0, d1) -> (0, 0)>
module attributes {stable_mosaic.version = 14 : i64} {
  func.func @_sc_max(%arg0: i32, %arg1: i32, %arg2: memref<320000xi32, #tpu.memory_space<hbm>>, %arg3: memref<320000xi32, #tpu.memory_space<hbm>>, %arg4: memref<320000xf32, #tpu.memory_space<hbm>>, %arg5: memref<30000x128xf32, #tpu.memory_space<hbm>>, %arg6: memref<10240x128xf32, #tpu.memory_space<hbm>>, %arg7: memref<163840xf32, #tpu.memory_space<hbm>>, %arg8: memref<321x128xf32, #tpu.memory_space<vmem>>, %arg9: memref<5136xf32, #tpu.memory_space<vmem>>, %arg10: memref<2016xi32, #tpu.memory_space<vmem>>, %arg11: memref<2016xi32, #tpu.memory_space<vmem>>, %arg12: memref<2016xf32, #tpu.memory_space<vmem>>, %arg13: memref<2096xi32, #tpu.memory_space<vmem>>, %arg14: memref<2096xi32, #tpu.memory_space<vmem>>, %arg15: memref<2096xf32, #tpu.memory_space<vmem>>, %arg16: memref<16x128xf32, #tpu.memory_space<vmem>>, %arg17: memref<16xi32, #tpu.memory_space<vmem>>, %arg18: memref<!tpu.dma_semaphore, #tpu.memory_space<semaphore_mem>>, %arg19: memref<!tpu.dma_semaphore, #tpu.memory_space<semaphore_mem>>) attributes {dimension_semantics = [#tpu.dimension_semantics<core_parallel>, #tpu.dimension_semantics<subcore_parallel>], iteration_bounds = array<i64: 2, 16>, scalar_prefetch = 0 : i64, scratch_operands = 12 : i64, tpu.core_type = #tpu.core_type<sc_vector_subcore>, window_params = [{transform_indices = #map}, {transform_indices = #map}, {transform_indices = #map}, {transform_indices = #map1}, {transform_indices = #map1}, {transform_indices = #map}]} {
    %mul3A = arith.constant 2 : i32
    %mul3A_0 = arith.muli %arg1, %mul3A : i32
    %add3A = arith.addi %mul3A_0, %arg0 : i32
    %iota3A = tpu.iota {dimensions = array<i32: 0>} : vector<16xi32>
    %broadcast_in_dim3A = arith.constant 0.000000e+00 : f32
    %broadcast_in_dim3A_1 = vector.broadcast %broadcast_in_dim3A : f32 to vector<16xf32>
    %broadcast_in_dim3A_2 = arith.constant 0xFF800000 : f32
    %broadcast_in_dim3A_3 = vector.broadcast %broadcast_in_dim3A_2 : f32 to vector<16xf32>
    %eq3A = arith.constant 0 : i32
    %eq3A_4 = vector.broadcast %eq3A : i32 to vector<16xi32>
    %eq3A_5 = arith.cmpi eq, %iota3A, %eq3A_4 : vector<16xi32>
    %eq3A_6 = arith.constant 1 : i32
    %eq3A_7 = vector.broadcast %eq3A_6 : i32 to vector<16xi32>
    %eq3A_8 = arith.cmpi eq, %iota3A, %eq3A_7 : vector<16xi32>
    %jit3A = arith.constant 1.000000e+00 : f32
    %jit3A_9 = arith.constant 0.000000e+00 : f32
    %broadcast_in_dim3A_10 = vector.broadcast %jit3A : f32 to vector<16xf32>
    %broadcast_in_dim3A_11 = vector.broadcast %jit3A_9 : f32 to vector<16xf32>
    %select_n3A = arith.select %eq3A_8, %broadcast_in_dim3A_10, %broadcast_in_dim3A_11 : vector<16xi1>, vector<16xf32>
    %scan3A = arith.constant 0 : i32
    %scan3A_12 = arith.constant 0 : i32
    %scan3A_13 = arith.constant 321 : i32
    %scan3A_14 = arith.addi %scan3A_12, %scan3A_13 : i32
    %scan3A_15 = arith.constant 1 : i32
    scf.for %scan3A_35 = %scan3A_12 to %scan3A_14 step %scan3A_15  : i32 {
      %swap3A = arith.index_cast %scan3A_35 : i32 to index
      %swap3A_36 = arith.constant 0 : index
      %swap3A_37 = tpu.vector_load %arg8[%swap3A, %swap3A_36] {strides = array<i32>} : memref<321x128xf32, #tpu.memory_space<vmem>>, vector<16xf32>,
      tpu.vector_store %arg8[%swap3A, %swap3A_36], %broadcast_in_dim3A_3 {strides = array<i32>} : memref<321x128xf32, #tpu.memory_space<vmem>>, vector<16xf32>,
      %swap3A_38 = arith.index_cast %scan3A_35 : i32 to index
      %swap3A_39 = arith.constant 16 : index
      %swap3A_40 = tpu.vector_load %arg8[%swap3A_38, %swap3A_39] {strides = array<i32>} : memref<321x128xf32, #tpu.memory_space<vmem>>, vector<16xf32>,
      tpu.vector_store %arg8[%swap3A_38, %swap3A_39], %broadcast_in_dim3A_3 {strides = array<i32>} : memref<321x128xf32, #tpu.memory_space<vmem>>, vector<16xf32>,
      %swap3A_41 = arith.index_cast %scan3A_35 : i32 to index
      %swap3A_42 = arith.constant 32 : index
      %swap3A_43 = tpu.vector_load %arg8[%swap3A_41, %swap3A_42] {strides = array<i32>} : memref<321x128xf32, #tpu.memory_space<vmem>>, vector<16xf32>,
      tpu.vector_store %arg8[%swap3A_41, %swap3A_42], %broadcast_in_dim3A_3 {strides = array<i32>} : memref<321x128xf32, #tpu.memory_space<vmem>>, vector<16xf32>,
      %swap3A_44 = arith.index_cast %scan3A_35 : i32 to index
      %swap3A_45 = arith.constant 48 : index
      %swap3A_46 = tpu.vector_load %arg8[%swap3A_44, %swap3A_45] {strides = array<i32>} : memref<321x128xf32, #tpu.memory_space<vmem>>, vector<16xf32>,
      tpu.vector_store %arg8[%swap3A_44, %swap3A_45], %broadcast_in_dim3A_3 {strides = array<i32>} : memref<321x128xf32, #tpu.memory_space<vmem>>, vector<16xf32>,
      %swap3A_47 = arith.index_cast %scan3A_35 : i32 to index
      %swap3A_48 = arith.constant 64 : index
      %swap3A_49 = tpu.vector_load %arg8[%swap3A_47, %swap3A_48] {strides = array<i32>} : memref<321x128xf32, #tpu.memory_space<vmem>>, vector<16xf32>,
      tpu.vector_store %arg8[%swap3A_47, %swap3A_48], %broadcast_in_dim3A_3 {strides = array<i32>} : memref<321x128xf32, #tpu.memory_space<vmem>>, vector<16xf32>,
      %swap3A_50 = arith.index_cast %scan3A_35 : i32 to index
      %swap3A_51 = arith.constant 80 : index
      %swap3A_52 = tpu.vector_load %arg8[%swap3A_50, %swap3A_51] {strides = array<i32>} : memref<321x128xf32, #tpu.memory_space<vmem>>, vector<16xf32>,
      tpu.vector_store %arg8[%swap3A_50, %swap3A_51], %broadcast_in_dim3A_3 {strides = array<i32>} : memref<321x128xf32, #tpu.memory_space<vmem>>, vector<16xf32>,
      %swap3A_53 = arith.index_cast %scan3A_35 : i32 to index
      %swap3A_54 = arith.constant 96 : index
      %swap3A_55 = tpu.vector_load %arg8[%swap3A_53, %swap3A_54] {strides = array<i32>} : memref<321x128xf32, #tpu.memory_space<vmem>>, vector<16xf32>,
      tpu.vector_store %arg8[%swap3A_53, %swap3A_54], %broadcast_in_dim3A_3 {strides = array<i32>} : memref<321x128xf32, #tpu.memory_space<vmem>>, vector<16xf32>,
      %swap3A_56 = arith.index_cast %scan3A_35 : i32 to index
      %swap3A_57 = arith.constant 112 : index
      %swap3A_58 = tpu.vector_load %arg8[%swap3A_56, %swap3A_57] {strides = array<i32>} : memref<321x128xf32, #tpu.memory_space<vmem>>, vector<16xf32>,
      tpu.vector_store %arg8[%swap3A_56, %swap3A_57], %broadcast_in_dim3A_3 {strides = array<i32>} : memref<321x128xf32, #tpu.memory_space<vmem>>, vector<16xf32>,
      %mul3A_59 = arith.constant 16 : i32
      %mul3A_60 = arith.muli %scan3A_35, %mul3A_59 : i32
      %swap3A_61 = arith.index_cast %mul3A_60 : i32 to index
      %swap3A_62 = tpu.vector_load %arg9[%swap3A_61] {strides = array<i32>} : memref<5136xf32, #tpu.memory_space<vmem>>, vector<16xf32>,
      tpu.vector_store %arg9[%swap3A_61], %broadcast_in_dim3A_1 {strides = array<i32>} : memref<5136xf32, #tpu.memory_space<vmem>>, vector<16xf32>,
    }
    %scan3A_16 = arith.constant 321 : i32
    %mul3A_17 = arith.constant 320 : i32
    %mul3A_18 = arith.muli %add3A, %mul3A_17 : i32
    %broadcast_in_dim3A_19 = vector.broadcast %mul3A_18 : i32 to vector<16xi32>
    %add3A_20 = arith.constant 320 : i32
    %add3A_21 = arith.addi %mul3A_18, %add3A_20 : i32
    %broadcast_in_dim3A_22 = vector.broadcast %add3A_21 : i32 to vector<16xi32>
    %broadcast_in_dim3A_23 = arith.constant 20000 : i32
    %broadcast_in_dim3A_24 = vector.broadcast %broadcast_in_dim3A_23 : i32 to vector<16xi32>
    %broadcast_in_dim3A_25 = arith.constant 320 : i32
    %broadcast_in_dim3A_26 = vector.broadcast %broadcast_in_dim3A_25 : i32 to vector<16xi32>
    %scan3A_27 = arith.constant 0 : i32
    %scan3A_28 = arith.constant 0 : i32
    %scan3A_29 = arith.constant 160 : i32
    %scan3A_30 = arith.addi %scan3A_28, %scan3A_29 : i32
    %scan3A_31 = arith.constant 1 : i32
    scf.for %scan3A_35 = %scan3A_28 to %scan3A_30 step %scan3A_31  : i32 {
      %mul3A_36 = arith.constant 2000 : i32
      %mul3A_37 = arith.muli %scan3A_35, %mul3A_36 : i32
      %dma_start3A = arith.constant 0 : i32
      %dma_start3A_38 = tpu.memref_slice %arg10[%dma_start3A] : memref<2016xi32, #tpu.memory_space<vmem>> -> memref<2000xi32, #tpu.memory_space<vmem>>
      %dma_start3A_39 = tpu.memref_slice %arg3[%mul3A_37] : memref<320000xi32, #tpu.memory_space<hbm>> -> memref<2000xi32, #tpu.memory_space<hbm>>
      %dma_start3A_40 = arith.constant 0 : i32
      %dma_start3A_41 = tpu.memref_slice %arg10[%dma_start3A_40] : memref<2016xi32, #tpu.memory_space<vmem>> -> memref<2000xi32, #tpu.memory_space<vmem>>
      %dma_start3A_42 = tpu.memref_slice %arg3[%mul3A_37] : memref<320000xi32, #tpu.memory_space<hbm>> -> memref<2000xi32, #tpu.memory_space<hbm>>
      tpu.enqueue_dma source(%dma_start3A_42 : memref<2000xi32, #tpu.memory_space<hbm>>) target(%dma_start3A_41 : memref<2000xi32, #tpu.memory_space<vmem>>) target_semaphore(%arg18 : memref<!tpu.dma_semaphore, #tpu.memory_space<semaphore_mem>>)
      %dma_start3A_43 = arith.constant 0 : i32
      %dma_start3A_44 = tpu.memref_slice %arg11[%dma_start3A_43] : memref<2016xi32, #tpu.memory_space<vmem>> -> memref<2000xi32, #tpu.memory_space<vmem>>
      %dma_start3A_45 = tpu.memref_slice %arg2[%mul3A_37] : memref<320000xi32, #tpu.memory_space<hbm>> -> memref<2000xi32, #tpu.memory_space<hbm>>
      %dma_start3A_46 = arith.constant 0 : i32
      %dma_start3A_47 = tpu.memref_slice %arg11[%dma_start3A_46] : memref<2016xi32, #tpu.memory_space<vmem>> -> memref<2000xi32, #tpu.memory_space<vmem>>
      %dma_start3A_48 = tpu.memref_slice %arg2[%mul3A_37] : memref<320000xi32, #tpu.memory_space<hbm>> -> memref<2000xi32, #tpu.memory_space<hbm>>
      tpu.enqueue_dma source(%dma_start3A_48 : memref<2000xi32, #tpu.memory_space<hbm>>) target(%dma_start3A_47 : memref<2000xi32, #tpu.memory_space<vmem>>) target_semaphore(%arg18 : memref<!tpu.dma_semaphore, #tpu.memory_space<semaphore_mem>>)
      %dma_start3A_49 = arith.constant 0 : i32
      %dma_start3A_50 = tpu.memref_slice %arg12[%dma_start3A_49] : memref<2016xf32, #tpu.memory_space<vmem>> -> memref<2000xf32, #tpu.memory_space<vmem>>
      %dma_start3A_51 = tpu.memref_slice %arg4[%mul3A_37] : memref<320000xf32, #tpu.memory_space<hbm>> -> memref<2000xf32, #tpu.memory_space<hbm>>
      %dma_start3A_52 = arith.constant 0 : i32
      %dma_start3A_53 = tpu.memref_slice %arg12[%dma_start3A_52] : memref<2016xf32, #tpu.memory_space<vmem>> -> memref<2000xf32, #tpu.memory_space<vmem>>
      %dma_start3A_54 = tpu.memref_slice %arg4[%mul3A_37] : memref<320000xf32, #tpu.memory_space<hbm>> -> memref<2000xf32, #tpu.memory_space<hbm>>
      tpu.enqueue_dma source(%dma_start3A_54 : memref<2000xf32, #tpu.memory_space<hbm>>) target(%dma_start3A_53 : memref<2000xf32, #tpu.memory_space<vmem>>) target_semaphore(%arg18 : memref<!tpu.dma_semaphore, #tpu.memory_space<semaphore_mem>>)
      %dma_wait3A = arith.constant 0 : i32
      %dma_wait3A_55 = tpu.memref_slice %arg10[%dma_wait3A] : memref<2016xi32, #tpu.memory_space<vmem>> -> memref<2000xi32, #tpu.memory_space<vmem>>
      %dma_wait3A_56 = tpu.memref_slice %arg3[%mul3A_37] : memref<320000xi32, #tpu.memory_space<hbm>> -> memref<2000xi32, #tpu.memory_space<hbm>>
      %dma_wait3A_57 = arith.constant 0 : i32
      %dma_wait3A_58 = tpu.memref_slice %arg10[%dma_wait3A_57] : memref<2016xi32, #tpu.memory_space<vmem>> -> memref<2000xi32, #tpu.memory_space<vmem>>
      %dma_wait3A_59 = tpu.memref_slice %arg3[%mul3A_37] : memref<320000xi32, #tpu.memory_space<hbm>> -> memref<2000xi32, #tpu.memory_space<hbm>>
      tpu.wait_dma2 semaphore(%arg18 : memref<!tpu.dma_semaphore, #tpu.memory_space<semaphore_mem>>) src(%dma_wait3A_59 : memref<2000xi32, #tpu.memory_space<hbm>>) dst(%dma_wait3A_58 : memref<2000xi32, #tpu.memory_space<vmem>>)
      %dma_wait3A_60 = arith.constant 0 : i32
      %dma_wait3A_61 = tpu.memref_slice %arg11[%dma_wait3A_60] : memref<2016xi32, #tpu.memory_space<vmem>> -> memref<2000xi32, #tpu.memory_space<vmem>>
      %dma_wait3A_62 = tpu.memref_slice %arg2[%mul3A_37] : memref<320000xi32, #tpu.memory_space<hbm>> -> memref<2000xi32, #tpu.memory_space<hbm>>
      %dma_wait3A_63 = arith.constant 0 : i32
      %dma_wait3A_64 = tpu.memref_slice %arg11[%dma_wait3A_63] : memref<2016xi32, #tpu.memory_space<vmem>> -> memref<2000xi32, #tpu.memory_space<vmem>>
      %dma_wait3A_65 = tpu.memref_slice %arg2[%mul3A_37] : memref<320000xi32, #tpu.memory_space<hbm>> -> memref<2000xi32, #tpu.memory_space<hbm>>
      tpu.wait_dma2 semaphore(%arg18 : memref<!tpu.dma_semaphore, #tpu.memory_space<semaphore_mem>>) src(%dma_wait3A_65 : memref<2000xi32, #tpu.memory_space<hbm>>) dst(%dma_wait3A_64 : memref<2000xi32, #tpu.memory_space<vmem>>)
      %dma_wait3A_66 = arith.constant 0 : i32
      %dma_wait3A_67 = tpu.memref_slice %arg12[%dma_wait3A_66] : memref<2016xf32, #tpu.memory_space<vmem>> -> memref<2000xf32, #tpu.memory_space<vmem>>
      %dma_wait3A_68 = tpu.memref_slice %arg4[%mul3A_37] : memref<320000xf32, #tpu.memory_space<hbm>> -> memref<2000xf32, #tpu.memory_space<hbm>>
      %dma_wait3A_69 = arith.constant 0 : i32
      %dma_wait3A_70 = tpu.memref_slice %arg12[%dma_wait3A_69] : memref<2016xf32, #tpu.memory_space<vmem>> -> memref<2000xf32, #tpu.memory_space<vmem>>
      %dma_wait3A_71 = tpu.memref_slice %arg4[%mul3A_37] : memref<320000xf32, #tpu.memory_space<hbm>> -> memref<2000xf32, #tpu.memory_space<hbm>>
      tpu.wait_dma2 semaphore(%arg18 : memref<!tpu.dma_semaphore, #tpu.memory_space<semaphore_mem>>) src(%dma_wait3A_71 : memref<2000xf32, #tpu.memory_space<hbm>>) dst(%dma_wait3A_70 : memref<2000xf32, #tpu.memory_space<vmem>>)
      %scan3A_72 = arith.constant 0 : i32
      %scan3A_73 = arith.constant 0 : i32
      %scan3A_74 = arith.constant 125 : i32
      %scan3A_75 = arith.addi %scan3A_73, %scan3A_74 : i32
      %scan3A_76 = arith.constant 1 : i32
      %scan3A_77 = scf.for %scan3A_96 = %scan3A_73 to %scan3A_75 step %scan3A_76 iter_args(%scan3A_97 = %scan3A_72) -> (i32)  : i32 {
        %mul3A_98 = arith.constant 16 : i32
        %mul3A_99 = arith.muli %scan3A_96, %mul3A_98 : i32
        %get3A = arith.index_cast %mul3A_99 : i32 to index
        %get3A_100 = tpu.vector_load %arg10[%get3A] {strides = array<i32>} : memref<2016xi32, #tpu.memory_space<vmem>>, vector<16xi32>,
        %ge3A = arith.cmpi sge, %get3A_100, %broadcast_in_dim3A_19 : vector<16xi32>
        %lt3A = arith.cmpi slt, %get3A_100, %broadcast_in_dim3A_22 : vector<16xi32>
        %and3A = arith.andi %ge3A, %lt3A : vector<16xi1>
        %mul3A_101 = arith.constant 16 : i32
        %mul3A_102 = arith.muli %scan3A_96, %mul3A_101 : i32
        %get3A_103 = arith.index_cast %mul3A_102 : i32 to index
        %get3A_104 = tpu.vector_load %arg11[%get3A_103] {strides = array<i32>} : memref<2016xi32, #tpu.memory_space<vmem>>, vector<16xi32>,
        %mul3A_105 = arith.constant 16 : i32
        %mul3A_106 = arith.muli %scan3A_96, %mul3A_105 : i32
        %get3A_107 = arith.index_cast %mul3A_106 : i32 to index
        %get3A_108 = tpu.vector_load %arg12[%get3A_107] {strides = array<i32>} : memref<2016xf32, #tpu.memory_space<vmem>>, vector<16xf32>,
        %sub3A = arith.subi %get3A_100, %broadcast_in_dim3A_19 : vector<16xi32>
        %swap3A_109 = arith.index_cast %scan3A_97 : i32 to index
        %swap3A_110 = tpu.vector_load %arg13[%swap3A_109] masked %and3A {strides = array<i32>} : memref<2096xi32, #tpu.memory_space<vmem>>, vector<16xi32>, vector<16xi1>
        tpu.vector_store %arg13[%swap3A_109], %sub3A masked %and3A {strides = array<i32>} : memref<2096xi32, #tpu.memory_space<vmem>>, vector<16xi32>, vector<16xi1>
        %add3A_111 = arith.addi %get3A_104, %broadcast_in_dim3A_24 : vector<16xi32>
        %swap3A_112 = arith.index_cast %scan3A_97 : i32 to index
        %swap3A_113 = tpu.vector_load %arg14[%swap3A_112] masked %and3A {strides = array<i32>} : memref<2096xi32, #tpu.memory_space<vmem>>, vector<16xi32>, vector<16xi1>
        tpu.vector_store %arg14[%swap3A_112], %add3A_111 masked %and3A {strides = array<i32>} : memref<2096xi32, #tpu.memory_space<vmem>>, vector<16xi32>, vector<16xi1>
        %swap3A_114 = arith.index_cast %scan3A_97 : i32 to index
        %swap3A_115 = tpu.vector_load %arg15[%swap3A_114] masked %and3A {strides = array<i32>} : memref<2096xf32, #tpu.memory_space<vmem>>, vector<16xf32>, vector<16xi1>
        tpu.vector_store %arg15[%swap3A_114], %get3A_108 masked %and3A {strides = array<i32>} : memref<2096xf32, #tpu.memory_space<vmem>>, vector<16xf32>, vector<16xi1>
        %all_reduce_population_count3A = tpu.all_reduce %and3A {dim = 0 : i64, kind = #tpu.reduction_kind<sum>} : vector<16xi1> -> vector<16xi32>
        %slice3A = vector.extract_strided_slice %all_reduce_population_count3A {offsets = [0], sizes = [1], strides = [1]} : vector<16xi32> to vector<1xi32>
        %squeeze3A = vector.extract %slice3A[0] : i32 from vector<1xi32>
        %add3A_116 = arith.addi %scan3A_97, %squeeze3A : i32
        scf.yield %add3A_116 : i32
      }
      %scan3A_78 = arith.constant 125 : i32
      %swap3A = arith.index_cast %scan3A_77 : i32 to index
      %swap3A_79 = tpu.vector_load %arg13[%swap3A] {strides = array<i32>} : memref<2096xi32, #tpu.memory_space<vmem>>, vector<16xi32>,
      tpu.vector_store %arg13[%swap3A], %broadcast_in_dim3A_26 {strides = array<i32>} : memref<2096xi32, #tpu.memory_space<vmem>>, vector<16xi32>,
      %swap3A_80 = arith.index_cast %scan3A_77 : i32 to index
      %swap3A_81 = tpu.vector_load %arg14[%swap3A_80] {strides = array<i32>} : memref<2096xi32, #tpu.memory_space<vmem>>, vector<16xi32>,
      tpu.vector_store %arg14[%swap3A_80], %broadcast_in_dim3A_24 {strides = array<i32>} : memref<2096xi32, #tpu.memory_space<vmem>>, vector<16xi32>,
      %swap3A_82 = arith.index_cast %scan3A_77 : i32 to index
      %swap3A_83 = tpu.vector_load %arg15[%swap3A_82] {strides = array<i32>} : memref<2096xf32, #tpu.memory_space<vmem>>, vector<16xf32>,
      tpu.vector_store %arg15[%swap3A_82], %broadcast_in_dim3A_1 {strides = array<i32>} : memref<2096xf32, #tpu.memory_space<vmem>>, vector<16xf32>,
      %add3A_84 = arith.constant 15 : i32
      %add3A_85 = arith.addi %scan3A_77, %add3A_84 : i32
      %shift_right_logical3A = arith.constant 4 : i32
      %shift_right_logical3A_86 = arith.shrui %add3A_85, %shift_right_logical3A : i32
      %while3A = arith.constant 0 : i32
      %while3A_87 = arith.constant 0 : i32
      %while3A_88 = arith.subi %shift_right_logical3A_86, %while3A_87 : i32
      %while3A_89 = arith.addi %while3A_87, %while3A_88 : i32
      %while3A_90 = arith.constant 1 : i32
      %while3A_91 = arith.divsi %while3A_88, %while3A_90 : i32
      %while3A_92 = arith.muli %while3A_91, %while3A_90 : i32
      %while3A_93 = arith.addi %while3A_87, %while3A_92 : i32
      %while3A_94 = arith.constant 1 : i32
      scf.for %while3A_96 = %while3A_87 to %while3A_93 step %while3A_94  : i32 {
        %mul3A_97 = arith.constant 16 : i32
        %mul3A_98 = arith.muli %while3A_96, %mul3A_97 : i32
        %get3A = arith.index_cast %mul3A_98 : i32 to index
        %get3A_99 = tpu.vector_load %arg14[%get3A] {strides = array<i32>} : memref<2096xi32, #tpu.memory_space<vmem>>, vector<16xi32>,
        %swap3A_100 = arith.constant 0 : index
        %swap3A_101 = tpu.vector_load %arg17[%swap3A_100] {strides = array<i32>} : memref<16xi32, #tpu.memory_space<vmem>>, vector<16xi32>,
        tpu.vector_store %arg17[%swap3A_100], %get3A_99 {strides = array<i32>} : memref<16xi32, #tpu.memory_space<vmem>>, vector<16xi32>,
        %dma_start3A_102 = arith.constant 0 : i32
        %dma_start3A_103 = arith.constant 0 : i32
        %dma_start3A_104 = tpu.memref_slice %arg5[%dma_start3A_102, %dma_start3A_103] : memref<30000x128xf32, #tpu.memory_space<hbm>> -> memref<30000x128xf32, #tpu.memory_space<hbm>>
        tpu.enqueue_indirect_dma source(%dma_start3A_104 : memref<30000x128xf32, #tpu.memory_space<hbm>>) target(%arg16 : memref<16x128xf32, #tpu.memory_space<vmem>>) offsets(%arg17 : memref<16xi32, #tpu.memory_space<vmem>>) semaphore(%arg19 : memref<!tpu.dma_semaphore, #tpu.memory_space<semaphore_mem>>)
        %dma_wait3A_105 = arith.constant 0 : i32
        %dma_wait3A_106 = arith.constant 0 : i32
        %dma_wait3A_107 = tpu.memref_slice %arg5[%dma_wait3A_105, %dma_wait3A_106] : memref<30000x128xf32, #tpu.memory_space<hbm>> -> memref<30000x128xf32, #tpu.memory_space<hbm>>
        tpu.wait_indirect_dma semaphore(%arg19 : memref<!tpu.dma_semaphore, #tpu.memory_space<semaphore_mem>>) src(%dma_wait3A_107 : memref<30000x128xf32, #tpu.memory_space<hbm>>) dst(%arg16 : memref<16x128xf32, #tpu.memory_space<vmem>>)
        %scan3A_108 = arith.constant 0 : i32
        %scan3A_109 = arith.constant 0 : i32
        %scan3A_110 = arith.constant 16 : i32
        %scan3A_111 = arith.addi %scan3A_109, %scan3A_110 : i32
        %scan3A_112 = arith.constant 1 : i32
        scf.for %scan3A_114 = %scan3A_109 to %scan3A_111 step %scan3A_112  : i32 {
          %mul3A_115 = arith.constant 16 : i32
          %mul3A_116 = arith.muli %while3A_96, %mul3A_115 : i32
          %add3A_117 = arith.addi %mul3A_116, %scan3A_114 : i32
          %get3A_118 = arith.index_cast %add3A_117 : i32 to index
          %get3A_119 = tpu.vector_load %arg13[%get3A_118] {strides = array<i32>} : memref<2096xi32, #tpu.memory_space<vmem>>, vector<16xi32>,
          %slice3A = vector.extract_strided_slice %get3A_119 {offsets = [0], sizes = [1], strides = [1]} : vector<16xi32> to vector<1xi32>
          %squeeze3A = vector.extract %slice3A[0] : i32 from vector<1xi32>
          %get3A_120 = arith.index_cast %add3A_117 : i32 to index
          %get3A_121 = tpu.vector_load %arg15[%get3A_120] {strides = array<i32>} : memref<2096xf32, #tpu.memory_space<vmem>>, vector<16xf32>,
          %slice3A_122 = vector.extract_strided_slice %get3A_121 {offsets = [0], sizes = [1], strides = [1]} : vector<16xf32> to vector<1xf32>
          %squeeze3A_123 = vector.extract %slice3A_122[0] : f32 from vector<1xf32>
          %broadcast_in_dim3A_124 = vector.broadcast %squeeze3A_123 : f32 to vector<16xf32>
          %mul3A_125 = arith.constant 16 : i32
          %mul3A_126 = arith.muli %squeeze3A, %mul3A_125 : i32
          %get3A_127 = arith.index_cast %mul3A_126 : i32 to index
          %get3A_128 = tpu.vector_load %arg9[%get3A_127] {strides = array<i32>} : memref<5136xf32, #tpu.memory_space<vmem>>, vector<16xf32>,
          %select_n3A_129 = arith.select %eq3A_5, %broadcast_in_dim3A_124, %select_n3A : vector<16xi1>, vector<16xf32>
          %add3A_130 = arith.addf %get3A_128, %select_n3A_129 : vector<16xf32>
          %mul3A_131 = arith.constant 16 : i32
          %mul3A_132 = arith.muli %squeeze3A, %mul3A_131 : i32
          %swap3A_133 = arith.index_cast %mul3A_132 : i32 to index
          %swap3A_134 = tpu.vector_load %arg9[%swap3A_133] {strides = array<i32>} : memref<5136xf32, #tpu.memory_space<vmem>>, vector<16xf32>,
          tpu.vector_store %arg9[%swap3A_133], %add3A_130 {strides = array<i32>} : memref<5136xf32, #tpu.memory_space<vmem>>, vector<16xf32>,
          %get3A_135 = arith.index_cast %scan3A_114 : i32 to index
          %get3A_136 = arith.constant 0 : index
          %get3A_137 = tpu.vector_load %arg16[%get3A_135, %get3A_136] {strides = array<i32>} : memref<16x128xf32, #tpu.memory_space<vmem>>, vector<16xf32>,
          %mul3A_138 = arith.mulf %get3A_137, %broadcast_in_dim3A_124 : vector<16xf32>
          %get3A_139 = arith.index_cast %squeeze3A : i32 to index
          %get3A_140 = arith.constant 0 : index
          %get3A_141 = tpu.vector_load %arg8[%get3A_139, %get3A_140] {strides = array<i32>} : memref<321x128xf32, #tpu.memory_space<vmem>>, vector<16xf32>,
          %max3A = arith.maximumf %get3A_141, %mul3A_138 : vector<16xf32>
          %swap3A_142 = arith.index_cast %squeeze3A : i32 to index
          %swap3A_143 = arith.constant 0 : index
          %swap3A_144 = tpu.vector_load %arg8[%swap3A_142, %swap3A_143] {strides = array<i32>} : memref<321x128xf32, #tpu.memory_space<vmem>>, vector<16xf32>,
          tpu.vector_store %arg8[%swap3A_142, %swap3A_143], %max3A {strides = array<i32>} : memref<321x128xf32, #tpu.memory_space<vmem>>, vector<16xf32>,
          %get3A_145 = arith.index_cast %scan3A_114 : i32 to index
          %get3A_146 = arith.constant 16 : index
          %get3A_147 = tpu.vector_load %arg16[%get3A_145, %get3A_146] {strides = array<i32>} : memref<16x128xf32, #tpu.memory_space<vmem>>, vector<16xf32>,
          %mul3A_148 = arith.mulf %get3A_147, %broadcast_in_dim3A_124 : vector<16xf32>
          %get3A_149 = arith.index_cast %squeeze3A : i32 to index
          %get3A_150 = arith.constant 16 : index
          %get3A_151 = tpu.vector_load %arg8[%get3A_149, %get3A_150] {strides = array<i32>} : memref<321x128xf32, #tpu.memory_space<vmem>>, vector<16xf32>,
          %max3A_152 = arith.maximumf %get3A_151, %mul3A_148 : vector<16xf32>
          %swap3A_153 = arith.index_cast %squeeze3A : i32 to index
          %swap3A_154 = arith.constant 16 : index
          %swap3A_155 = tpu.vector_load %arg8[%swap3A_153, %swap3A_154] {strides = array<i32>} : memref<321x128xf32, #tpu.memory_space<vmem>>, vector<16xf32>,
          tpu.vector_store %arg8[%swap3A_153, %swap3A_154], %max3A_152 {strides = array<i32>} : memref<321x128xf32, #tpu.memory_space<vmem>>, vector<16xf32>,
          %get3A_156 = arith.index_cast %scan3A_114 : i32 to index
          %get3A_157 = arith.constant 32 : index
          %get3A_158 = tpu.vector_load %arg16[%get3A_156, %get3A_157] {strides = array<i32>} : memref<16x128xf32, #tpu.memory_space<vmem>>, vector<16xf32>,
          %mul3A_159 = arith.mulf %get3A_158, %broadcast_in_dim3A_124 : vector<16xf32>
          %get3A_160 = arith.index_cast %squeeze3A : i32 to index
          %get3A_161 = arith.constant 32 : index
          %get3A_162 = tpu.vector_load %arg8[%get3A_160, %get3A_161] {strides = array<i32>} : memref<321x128xf32, #tpu.memory_space<vmem>>, vector<16xf32>,
          %max3A_163 = arith.maximumf %get3A_162, %mul3A_159 : vector<16xf32>
          %swap3A_164 = arith.index_cast %squeeze3A : i32 to index
          %swap3A_165 = arith.constant 32 : index
          %swap3A_166 = tpu.vector_load %arg8[%swap3A_164, %swap3A_165] {strides = array<i32>} : memref<321x128xf32, #tpu.memory_space<vmem>>, vector<16xf32>,
          tpu.vector_store %arg8[%swap3A_164, %swap3A_165], %max3A_163 {strides = array<i32>} : memref<321x128xf32, #tpu.memory_space<vmem>>, vector<16xf32>,
          %get3A_167 = arith.index_cast %scan3A_114 : i32 to index
          %get3A_168 = arith.constant 48 : index
          %get3A_169 = tpu.vector_load %arg16[%get3A_167, %get3A_168] {strides = array<i32>} : memref<16x128xf32, #tpu.memory_space<vmem>>, vector<16xf32>,
          %mul3A_170 = arith.mulf %get3A_169, %broadcast_in_dim3A_124 : vector<16xf32>
          %get3A_171 = arith.index_cast %squeeze3A : i32 to index
          %get3A_172 = arith.constant 48 : index
          %get3A_173 = tpu.vector_load %arg8[%get3A_171, %get3A_172] {strides = array<i32>} : memref<321x128xf32, #tpu.memory_space<vmem>>, vector<16xf32>,
          %max3A_174 = arith.maximumf %get3A_173, %mul3A_170 : vector<16xf32>
          %swap3A_175 = arith.index_cast %squeeze3A : i32 to index
          %swap3A_176 = arith.constant 48 : index
          %swap3A_177 = tpu.vector_load %arg8[%swap3A_175, %swap3A_176] {strides = array<i32>} : memref<321x128xf32, #tpu.memory_space<vmem>>, vector<16xf32>,
          tpu.vector_store %arg8[%swap3A_175, %swap3A_176], %max3A_174 {strides = array<i32>} : memref<321x128xf32, #tpu.memory_space<vmem>>, vector<16xf32>,
          %get3A_178 = arith.index_cast %scan3A_114 : i32 to index
          %get3A_179 = arith.constant 64 : index
          %get3A_180 = tpu.vector_load %arg16[%get3A_178, %get3A_179] {strides = array<i32>} : memref<16x128xf32, #tpu.memory_space<vmem>>, vector<16xf32>,
          %mul3A_181 = arith.mulf %get3A_180, %broadcast_in_dim3A_124 : vector<16xf32>
          %get3A_182 = arith.index_cast %squeeze3A : i32 to index
          %get3A_183 = arith.constant 64 : index
          %get3A_184 = tpu.vector_load %arg8[%get3A_182, %get3A_183] {strides = array<i32>} : memref<321x128xf32, #tpu.memory_space<vmem>>, vector<16xf32>,
          %max3A_185 = arith.maximumf %get3A_184, %mul3A_181 : vector<16xf32>
          %swap3A_186 = arith.index_cast %squeeze3A : i32 to index
          %swap3A_187 = arith.constant 64 : index
          %swap3A_188 = tpu.vector_load %arg8[%swap3A_186, %swap3A_187] {strides = array<i32>} : memref<321x128xf32, #tpu.memory_space<vmem>>, vector<16xf32>,
          tpu.vector_store %arg8[%swap3A_186, %swap3A_187], %max3A_185 {strides = array<i32>} : memref<321x128xf32, #tpu.memory_space<vmem>>, vector<16xf32>,
          %get3A_189 = arith.index_cast %scan3A_114 : i32 to index
          %get3A_190 = arith.constant 80 : index
          %get3A_191 = tpu.vector_load %arg16[%get3A_189, %get3A_190] {strides = array<i32>} : memref<16x128xf32, #tpu.memory_space<vmem>>, vector<16xf32>,
          %mul3A_192 = arith.mulf %get3A_191, %broadcast_in_dim3A_124 : vector<16xf32>
          %get3A_193 = arith.index_cast %squeeze3A : i32 to index
          %get3A_194 = arith.constant 80 : index
          %get3A_195 = tpu.vector_load %arg8[%get3A_193, %get3A_194] {strides = array<i32>} : memref<321x128xf32, #tpu.memory_space<vmem>>, vector<16xf32>,
          %max3A_196 = arith.maximumf %get3A_195, %mul3A_192 : vector<16xf32>
          %swap3A_197 = arith.index_cast %squeeze3A : i32 to index
          %swap3A_198 = arith.constant 80 : index
          %swap3A_199 = tpu.vector_load %arg8[%swap3A_197, %swap3A_198] {strides = array<i32>} : memref<321x128xf32, #tpu.memory_space<vmem>>, vector<16xf32>,
          tpu.vector_store %arg8[%swap3A_197, %swap3A_198], %max3A_196 {strides = array<i32>} : memref<321x128xf32, #tpu.memory_space<vmem>>, vector<16xf32>,
          %get3A_200 = arith.index_cast %scan3A_114 : i32 to index
          %get3A_201 = arith.constant 96 : index
          %get3A_202 = tpu.vector_load %arg16[%get3A_200, %get3A_201] {strides = array<i32>} : memref<16x128xf32, #tpu.memory_space<vmem>>, vector<16xf32>,
          %mul3A_203 = arith.mulf %get3A_202, %broadcast_in_dim3A_124 : vector<16xf32>
          %get3A_204 = arith.index_cast %squeeze3A : i32 to index
          %get3A_205 = arith.constant 96 : index
          %get3A_206 = tpu.vector_load %arg8[%get3A_204, %get3A_205] {strides = array<i32>} : memref<321x128xf32, #tpu.memory_space<vmem>>, vector<16xf32>,
          %max3A_207 = arith.maximumf %get3A_206, %mul3A_203 : vector<16xf32>
          %swap3A_208 = arith.index_cast %squeeze3A : i32 to index
          %swap3A_209 = arith.constant 96 : index
          %swap3A_210 = tpu.vector_load %arg8[%swap3A_208, %swap3A_209] {strides = array<i32>} : memref<321x128xf32, #tpu.memory_space<vmem>>, vector<16xf32>,
          tpu.vector_store %arg8[%swap3A_208, %swap3A_209], %max3A_207 {strides = array<i32>} : memref<321x128xf32, #tpu.memory_space<vmem>>, vector<16xf32>,
          %get3A_211 = arith.index_cast %scan3A_114 : i32 to index
          %get3A_212 = arith.constant 112 : index
          %get3A_213 = tpu.vector_load %arg16[%get3A_211, %get3A_212] {strides = array<i32>} : memref<16x128xf32, #tpu.memory_space<vmem>>, vector<16xf32>,
          %mul3A_214 = arith.mulf %get3A_213, %broadcast_in_dim3A_124 : vector<16xf32>
          %get3A_215 = arith.index_cast %squeeze3A : i32 to index
          %get3A_216 = arith.constant 112 : index
          %get3A_217 = tpu.vector_load %arg8[%get3A_215, %get3A_216] {strides = array<i32>} : memref<321x128xf32, #tpu.memory_space<vmem>>, vector<16xf32>,
          %max3A_218 = arith.maximumf %get3A_217, %mul3A_214 : vector<16xf32>
          %swap3A_219 = arith.index_cast %squeeze3A : i32 to index
          %swap3A_220 = arith.constant 112 : index
          %swap3A_221 = tpu.vector_load %arg8[%swap3A_219, %swap3A_220] {strides = array<i32>} : memref<321x128xf32, #tpu.memory_space<vmem>>, vector<16xf32>,
          tpu.vector_store %arg8[%swap3A_219, %swap3A_220], %max3A_218 {strides = array<i32>} : memref<321x128xf32, #tpu.memory_space<vmem>>, vector<16xf32>,
        }
        %scan3A_113 = arith.constant 16 : i32
      }
      %while3A_95 = arith.constant 1 : i32
      scf.for %while3A_96 = %while3A_93 to %while3A_89 step %while3A_95  : i32 {
        %mul3A_97 = arith.constant 16 : i32
        %mul3A_98 = arith.muli %while3A_96, %mul3A_97 : i32
        %get3A = arith.index_cast %mul3A_98 : i32 to index
        %get3A_99 = tpu.vector_load %arg14[%get3A] {strides = array<i32>} : memref<2096xi32, #tpu.memory_space<vmem>>, vector<16xi32>,
        %swap3A_100 = arith.constant 0 : index
        %swap3A_101 = tpu.vector_load %arg17[%swap3A_100] {strides = array<i32>} : memref<16xi32, #tpu.memory_space<vmem>>, vector<16xi32>,
        tpu.vector_store %arg17[%swap3A_100], %get3A_99 {strides = array<i32>} : memref<16xi32, #tpu.memory_space<vmem>>, vector<16xi32>,
        %dma_start3A_102 = arith.constant 0 : i32
        %dma_start3A_103 = arith.constant 0 : i32
        %dma_start3A_104 = tpu.memref_slice %arg5[%dma_start3A_102, %dma_start3A_103] : memref<30000x128xf32, #tpu.memory_space<hbm>> -> memref<30000x128xf32, #tpu.memory_space<hbm>>
        tpu.enqueue_indirect_dma source(%dma_start3A_104 : memref<30000x128xf32, #tpu.memory_space<hbm>>) target(%arg16 : memref<16x128xf32, #tpu.memory_space<vmem>>) offsets(%arg17 : memref<16xi32, #tpu.memory_space<vmem>>) semaphore(%arg19 : memref<!tpu.dma_semaphore, #tpu.memory_space<semaphore_mem>>)
        %dma_wait3A_105 = arith.constant 0 : i32
        %dma_wait3A_106 = arith.constant 0 : i32
        %dma_wait3A_107 = tpu.memref_slice %arg5[%dma_wait3A_105, %dma_wait3A_106] : memref<30000x128xf32, #tpu.memory_space<hbm>> -> memref<30000x128xf32, #tpu.memory_space<hbm>>
        tpu.wait_indirect_dma semaphore(%arg19 : memref<!tpu.dma_semaphore, #tpu.memory_space<semaphore_mem>>) src(%dma_wait3A_107 : memref<30000x128xf32, #tpu.memory_space<hbm>>) dst(%arg16 : memref<16x128xf32, #tpu.memory_space<vmem>>)
        %scan3A_108 = arith.constant 0 : i32
        %scan3A_109 = arith.constant 0 : i32
        %scan3A_110 = arith.constant 16 : i32
        %scan3A_111 = arith.addi %scan3A_109, %scan3A_110 : i32
        %scan3A_112 = arith.constant 1 : i32
        scf.for %scan3A_114 = %scan3A_109 to %scan3A_111 step %scan3A_112  : i32 {
          %mul3A_115 = arith.constant 16 : i32
          %mul3A_116 = arith.muli %while3A_96, %mul3A_115 : i32
          %add3A_117 = arith.addi %mul3A_116, %scan3A_114 : i32
          %get3A_118 = arith.index_cast %add3A_117 : i32 to index
          %get3A_119 = tpu.vector_load %arg13[%get3A_118] {strides = array<i32>} : memref<2096xi32, #tpu.memory_space<vmem>>, vector<16xi32>,
          %slice3A = vector.extract_strided_slice %get3A_119 {offsets = [0], sizes = [1], strides = [1]} : vector<16xi32> to vector<1xi32>
          %squeeze3A = vector.extract %slice3A[0] : i32 from vector<1xi32>
          %get3A_120 = arith.index_cast %add3A_117 : i32 to index
          %get3A_121 = tpu.vector_load %arg15[%get3A_120] {strides = array<i32>} : memref<2096xf32, #tpu.memory_space<vmem>>, vector<16xf32>,
          %slice3A_122 = vector.extract_strided_slice %get3A_121 {offsets = [0], sizes = [1], strides = [1]} : vector<16xf32> to vector<1xf32>
          %squeeze3A_123 = vector.extract %slice3A_122[0] : f32 from vector<1xf32>
          %broadcast_in_dim3A_124 = vector.broadcast %squeeze3A_123 : f32 to vector<16xf32>
          %mul3A_125 = arith.constant 16 : i32
          %mul3A_126 = arith.muli %squeeze3A, %mul3A_125 : i32
          %get3A_127 = arith.index_cast %mul3A_126 : i32 to index
          %get3A_128 = tpu.vector_load %arg9[%get3A_127] {strides = array<i32>} : memref<5136xf32, #tpu.memory_space<vmem>>, vector<16xf32>,
          %select_n3A_129 = arith.select %eq3A_5, %broadcast_in_dim3A_124, %select_n3A : vector<16xi1>, vector<16xf32>
          %add3A_130 = arith.addf %get3A_128, %select_n3A_129 : vector<16xf32>
          %mul3A_131 = arith.constant 16 : i32
          %mul3A_132 = arith.muli %squeeze3A, %mul3A_131 : i32
          %swap3A_133 = arith.index_cast %mul3A_132 : i32 to index
          %swap3A_134 = tpu.vector_load %arg9[%swap3A_133] {strides = array<i32>} : memref<5136xf32, #tpu.memory_space<vmem>>, vector<16xf32>,
          tpu.vector_store %arg9[%swap3A_133], %add3A_130 {strides = array<i32>} : memref<5136xf32, #tpu.memory_space<vmem>>, vector<16xf32>,
          %get3A_135 = arith.index_cast %scan3A_114 : i32 to index
          %get3A_136 = arith.constant 0 : index
          %get3A_137 = tpu.vector_load %arg16[%get3A_135, %get3A_136] {strides = array<i32>} : memref<16x128xf32, #tpu.memory_space<vmem>>, vector<16xf32>,
          %mul3A_138 = arith.mulf %get3A_137, %broadcast_in_dim3A_124 : vector<16xf32>
          %get3A_139 = arith.index_cast %squeeze3A : i32 to index
          %get3A_140 = arith.constant 0 : index
          %get3A_141 = tpu.vector_load %arg8[%get3A_139, %get3A_140] {strides = array<i32>} : memref<321x128xf32, #tpu.memory_space<vmem>>, vector<16xf32>,
          %max3A = arith.maximumf %get3A_141, %mul3A_138 : vector<16xf32>
          %swap3A_142 = arith.index_cast %squeeze3A : i32 to index
          %swap3A_143 = arith.constant 0 : index
          %swap3A_144 = tpu.vector_load %arg8[%swap3A_142, %swap3A_143] {strides = array<i32>} : memref<321x128xf32, #tpu.memory_space<vmem>>, vector<16xf32>,
          tpu.vector_store %arg8[%swap3A_142, %swap3A_143], %max3A {strides = array<i32>} : memref<321x128xf32, #tpu.memory_space<vmem>>, vector<16xf32>,
          %get3A_145 = arith.index_cast %scan3A_114 : i32 to index
          %get3A_146 = arith.constant 16 : index
          %get3A_147 = tpu.vector_load %arg16[%get3A_145, %get3A_146] {strides = array<i32>} : memref<16x128xf32, #tpu.memory_space<vmem>>, vector<16xf32>,
          %mul3A_148 = arith.mulf %get3A_147, %broadcast_in_dim3A_124 : vector<16xf32>
          %get3A_149 = arith.index_cast %squeeze3A : i32 to index
          %get3A_150 = arith.constant 16 : index
          %get3A_151 = tpu.vector_load %arg8[%get3A_149, %get3A_150] {strides = array<i32>} : memref<321x128xf32, #tpu.memory_space<vmem>>, vector<16xf32>,
          %max3A_152 = arith.maximumf %get3A_151, %mul3A_148 : vector<16xf32>
          %swap3A_153 = arith.index_cast %squeeze3A : i32 to index
          %swap3A_154 = arith.constant 16 : index
          %swap3A_155 = tpu.vector_load %arg8[%swap3A_153, %swap3A_154] {strides = array<i32>} : memref<321x128xf32, #tpu.memory_space<vmem>>, vector<16xf32>,
          tpu.vector_store %arg8[%swap3A_153, %swap3A_154], %max3A_152 {strides = array<i32>} : memref<321x128xf32, #tpu.memory_space<vmem>>, vector<16xf32>,
          %get3A_156 = arith.index_cast %scan3A_114 : i32 to index
          %get3A_157 = arith.constant 32 : index
          %get3A_158 = tpu.vector_load %arg16[%get3A_156, %get3A_157] {strides = array<i32>} : memref<16x128xf32, #tpu.memory_space<vmem>>, vector<16xf32>,
          %mul3A_159 = arith.mulf %get3A_158, %broadcast_in_dim3A_124 : vector<16xf32>
          %get3A_160 = arith.index_cast %squeeze3A : i32 to index
          %get3A_161 = arith.constant 32 : index
          %get3A_162 = tpu.vector_load %arg8[%get3A_160, %get3A_161] {strides = array<i32>} : memref<321x128xf32, #tpu.memory_space<vmem>>, vector<16xf32>,
          %max3A_163 = arith.maximumf %get3A_162, %mul3A_159 : vector<16xf32>
          %swap3A_164 = arith.index_cast %squeeze3A : i32 to index
          %swap3A_165 = arith.constant 32 : index
          %swap3A_166 = tpu.vector_load %arg8[%swap3A_164, %swap3A_165] {strides = array<i32>} : memref<321x128xf32, #tpu.memory_space<vmem>>, vector<16xf32>,
          tpu.vector_store %arg8[%swap3A_164, %swap3A_165], %max3A_163 {strides = array<i32>} : memref<321x128xf32, #tpu.memory_space<vmem>>, vector<16xf32>,
          %get3A_167 = arith.index_cast %scan3A_114 : i32 to index
          %get3A_168 = arith.constant 48 : index
          %get3A_169 = tpu.vector_load %arg16[%get3A_167, %get3A_168] {strides = array<i32>} : memref<16x128xf32, #tpu.memory_space<vmem>>, vector<16xf32>,
          %mul3A_170 = arith.mulf %get3A_169, %broadcast_in_dim3A_124 : vector<16xf32>
          %get3A_171 = arith.index_cast %squeeze3A : i32 to index
          %get3A_172 = arith.constant 48 : index
          %get3A_173 = tpu.vector_load %arg8[%get3A_171, %get3A_172] {strides = array<i32>} : memref<321x128xf32, #tpu.memory_space<vmem>>, vector<16xf32>,
          %max3A_174 = arith.maximumf %get3A_173, %mul3A_170 : vector<16xf32>
          %swap3A_175 = arith.index_cast %squeeze3A : i32 to index
          %swap3A_176 = arith.constant 48 : index
          %swap3A_177 = tpu.vector_load %arg8[%swap3A_175, %swap3A_176] {strides = array<i32>} : memref<321x128xf32, #tpu.memory_space<vmem>>, vector<16xf32>,
          tpu.vector_store %arg8[%swap3A_175, %swap3A_176], %max3A_174 {strides = array<i32>} : memref<321x128xf32, #tpu.memory_space<vmem>>, vector<16xf32>,
          %get3A_178 = arith.index_cast %scan3A_114 : i32 to index
          %get3A_179 = arith.constant 64 : index
          %get3A_180 = tpu.vector_load %arg16[%get3A_178, %get3A_179] {strides = array<i32>} : memref<16x128xf32, #tpu.memory_space<vmem>>, vector<16xf32>,
          %mul3A_181 = arith.mulf %get3A_180, %broadcast_in_dim3A_124 : vector<16xf32>
          %get3A_182 = arith.index_cast %squeeze3A : i32 to index
          %get3A_183 = arith.constant 64 : index
          %get3A_184 = tpu.vector_load %arg8[%get3A_182, %get3A_183] {strides = array<i32>} : memref<321x128xf32, #tpu.memory_space<vmem>>, vector<16xf32>,
          %max3A_185 = arith.maximumf %get3A_184, %mul3A_181 : vector<16xf32>
          %swap3A_186 = arith.index_cast %squeeze3A : i32 to index
          %swap3A_187 = arith.constant 64 : index
          %swap3A_188 = tpu.vector_load %arg8[%swap3A_186, %swap3A_187] {strides = array<i32>} : memref<321x128xf32, #tpu.memory_space<vmem>>, vector<16xf32>,
          tpu.vector_store %arg8[%swap3A_186, %swap3A_187], %max3A_185 {strides = array<i32>} : memref<321x128xf32, #tpu.memory_space<vmem>>, vector<16xf32>,
          %get3A_189 = arith.index_cast %scan3A_114 : i32 to index
          %get3A_190 = arith.constant 80 : index
          %get3A_191 = tpu.vector_load %arg16[%get3A_189, %get3A_190] {strides = array<i32>} : memref<16x128xf32, #tpu.memory_space<vmem>>, vector<16xf32>,
          %mul3A_192 = arith.mulf %get3A_191, %broadcast_in_dim3A_124 : vector<16xf32>
          %get3A_193 = arith.index_cast %squeeze3A : i32 to index
          %get3A_194 = arith.constant 80 : index
          %get3A_195 = tpu.vector_load %arg8[%get3A_193, %get3A_194] {strides = array<i32>} : memref<321x128xf32, #tpu.memory_space<vmem>>, vector<16xf32>,
          %max3A_196 = arith.maximumf %get3A_195, %mul3A_192 : vector<16xf32>
          %swap3A_197 = arith.index_cast %squeeze3A : i32 to index
          %swap3A_198 = arith.constant 80 : index
          %swap3A_199 = tpu.vector_load %arg8[%swap3A_197, %swap3A_198] {strides = array<i32>} : memref<321x128xf32, #tpu.memory_space<vmem>>, vector<16xf32>,
          tpu.vector_store %arg8[%swap3A_197, %swap3A_198], %max3A_196 {strides = array<i32>} : memref<321x128xf32, #tpu.memory_space<vmem>>, vector<16xf32>,
          %get3A_200 = arith.index_cast %scan3A_114 : i32 to index
          %get3A_201 = arith.constant 96 : index
          %get3A_202 = tpu.vector_load %arg16[%get3A_200, %get3A_201] {strides = array<i32>} : memref<16x128xf32, #tpu.memory_space<vmem>>, vector<16xf32>,
          %mul3A_203 = arith.mulf %get3A_202, %broadcast_in_dim3A_124 : vector<16xf32>
          %get3A_204 = arith.index_cast %squeeze3A : i32 to index
          %get3A_205 = arith.constant 96 : index
          %get3A_206 = tpu.vector_load %arg8[%get3A_204, %get3A_205] {strides = array<i32>} : memref<321x128xf32, #tpu.memory_space<vmem>>, vector<16xf32>,
          %max3A_207 = arith.maximumf %get3A_206, %mul3A_203 : vector<16xf32>
          %swap3A_208 = arith.index_cast %squeeze3A : i32 to index
          %swap3A_209 = arith.constant 96 : index
          %swap3A_210 = tpu.vector_load %arg8[%swap3A_208, %swap3A_209] {strides = array<i32>} : memref<321x128xf32, #tpu.memory_space<vmem>>, vector<16xf32>,
          tpu.vector_store %arg8[%swap3A_208, %swap3A_209], %max3A_207 {strides = array<i32>} : memref<321x128xf32, #tpu.memory_space<vmem>>, vector<16xf32>,
          %get3A_211 = arith.index_cast %scan3A_114 : i32 to index
          %get3A_212 = arith.constant 112 : index
          %get3A_213 = tpu.vector_load %arg16[%get3A_211, %get3A_212] {strides = array<i32>} : memref<16x128xf32, #tpu.memory_space<vmem>>, vector<16xf32>,
          %mul3A_214 = arith.mulf %get3A_213, %broadcast_in_dim3A_124 : vector<16xf32>
          %get3A_215 = arith.index_cast %squeeze3A : i32 to index
          %get3A_216 = arith.constant 112 : index
          %get3A_217 = tpu.vector_load %arg8[%get3A_215, %get3A_216] {strides = array<i32>} : memref<321x128xf32, #tpu.memory_space<vmem>>, vector<16xf32>,
          %max3A_218 = arith.maximumf %get3A_217, %mul3A_214 : vector<16xf32>
          %swap3A_219 = arith.index_cast %squeeze3A : i32 to index
          %swap3A_220 = arith.constant 112 : index
          %swap3A_221 = tpu.vector_load %arg8[%swap3A_219, %swap3A_220] {strides = array<i32>} : memref<321x128xf32, #tpu.memory_space<vmem>>, vector<16xf32>,
          tpu.vector_store %arg8[%swap3A_219, %swap3A_220], %max3A_218 {strides = array<i32>} : memref<321x128xf32, #tpu.memory_space<vmem>>, vector<16xf32>,
        }
        %scan3A_113 = arith.constant 16 : i32
      }
    }
    %scan3A_32 = arith.constant 160 : i32
    "tpu.region"() ({
      %run_scoped3A = tpu.sem_alloc : memref<!tpu.dma_semaphore, #tpu.memory_space<semaphore_mem>>
      %dma_start3A = arith.constant 0 : i32
      %dma_start3A_35 = arith.constant 0 : i32
      %dma_start3A_36 = tpu.memref_slice %arg8[%dma_start3A, %dma_start3A_35] : memref<321x128xf32, #tpu.memory_space<vmem>> -> memref<320x128xf32, #tpu.memory_space<vmem>>
      %dma_start3A_37 = arith.constant 0 : i32
      %dma_start3A_38 = tpu.memref_slice %arg6[%mul3A_18, %dma_start3A_37] : memref<10240x128xf32, #tpu.memory_space<hbm>> -> memref<320x128xf32, #tpu.memory_space<hbm>>
      %dma_start3A_39 = arith.constant 0 : i32
      %dma_start3A_40 = tpu.memref_slice %arg6[%mul3A_18, %dma_start3A_39] : memref<10240x128xf32, #tpu.memory_space<hbm>> -> memref<320x128xf32, #tpu.memory_space<hbm>>
      %dma_start3A_41 = arith.constant 0 : i32
      %dma_start3A_42 = arith.constant 0 : i32
      %dma_start3A_43 = tpu.memref_slice %arg8[%dma_start3A_41, %dma_start3A_42] : memref<321x128xf32, #tpu.memory_space<vmem>> -> memref<320x128xf32, #tpu.memory_space<vmem>>
      tpu.enqueue_dma source(%dma_start3A_43 : memref<320x128xf32, #tpu.memory_space<vmem>>) target(%dma_start3A_40 : memref<320x128xf32, #tpu.memory_space<hbm>>) target_semaphore(%run_scoped3A : memref<!tpu.dma_semaphore, #tpu.memory_space<semaphore_mem>>)
      %dma_wait3A = arith.constant 0 : i32
      %dma_wait3A_44 = arith.constant 0 : i32
      %dma_wait3A_45 = tpu.memref_slice %arg8[%dma_wait3A, %dma_wait3A_44] : memref<321x128xf32, #tpu.memory_space<vmem>> -> memref<320x128xf32, #tpu.memory_space<vmem>>
      %dma_wait3A_46 = arith.constant 0 : i32
      %dma_wait3A_47 = tpu.memref_slice %arg6[%mul3A_18, %dma_wait3A_46] : memref<10240x128xf32, #tpu.memory_space<hbm>> -> memref<320x128xf32, #tpu.memory_space<hbm>>
      %dma_wait3A_48 = arith.constant 0 : i32
      %dma_wait3A_49 = tpu.memref_slice %arg6[%mul3A_18, %dma_wait3A_48] : memref<10240x128xf32, #tpu.memory_space<hbm>> -> memref<320x128xf32, #tpu.memory_space<hbm>>
      %dma_wait3A_50 = arith.constant 0 : i32
      %dma_wait3A_51 = arith.constant 0 : i32
      %dma_wait3A_52 = tpu.memref_slice %arg8[%dma_wait3A_50, %dma_wait3A_51] : memref<321x128xf32, #tpu.memory_space<vmem>> -> memref<320x128xf32, #tpu.memory_space<vmem>>
      tpu.wait_dma2 semaphore(%run_scoped3A : memref<!tpu.dma_semaphore, #tpu.memory_space<semaphore_mem>>) src(%dma_wait3A_52 : memref<320x128xf32, #tpu.memory_space<vmem>>) dst(%dma_wait3A_49 : memref<320x128xf32, #tpu.memory_space<hbm>>)
      tpu.yield
    }) : () -> ()
    %mul3A_33 = arith.constant 16 : i32
    %mul3A_34 = arith.muli %mul3A_18, %mul3A_33 : i32
    "tpu.region"() ({
      %run_scoped3A = tpu.sem_alloc : memref<!tpu.dma_semaphore, #tpu.memory_space<semaphore_mem>>
      %dma_start3A = arith.constant 0 : i32
      %dma_start3A_35 = tpu.memref_slice %arg9[%dma_start3A] : memref<5136xf32, #tpu.memory_space<vmem>> -> memref<5120xf32, #tpu.memory_space<vmem>>
      %dma_start3A_36 = tpu.memref_slice %arg7[%mul3A_34] : memref<163840xf32, #tpu.memory_space<hbm>> -> memref<5120xf32, #tpu.memory_space<hbm>>
      %dma_start3A_37 = tpu.memref_slice %arg7[%mul3A_34] : memref<163840xf32, #tpu.memory_space<hbm>> -> memref<5120xf32, #tpu.memory_space<hbm>>
      %dma_start3A_38 = arith.constant 0 : i32
      %dma_start3A_39 = tpu.memref_slice %arg9[%dma_start3A_38] : memref<5136xf32, #tpu.memory_space<vmem>> -> memref<5120xf32, #tpu.memory_space<vmem>>
      tpu.enqueue_dma source(%dma_start3A_39 : memref<5120xf32, #tpu.memory_space<vmem>>) target(%dma_start3A_37 : memref<5120xf32, #tpu.memory_space<hbm>>) target_semaphore(%run_scoped3A : memref<!tpu.dma_semaphore, #tpu.memory_space<semaphore_mem>>)
      %dma_wait3A = arith.constant 0 : i32
      %dma_wait3A_40 = tpu.memref_slice %arg9[%dma_wait3A] : memref<5136xf32, #tpu.memory_space<vmem>> -> memref<5120xf32, #tpu.memory_space<vmem>>
      %dma_wait3A_41 = tpu.memref_slice %arg7[%mul3A_34] : memref<163840xf32, #tpu.memory_space<hbm>> -> memref<5120xf32, #tpu.memory_space<hbm>>
      %dma_wait3A_42 = tpu.memref_slice %arg7[%mul3A_34] : memref<163840xf32, #tpu.memory_space<hbm>> -> memref<5120xf32, #tpu.memory_space<hbm>>
      %dma_wait3A_43 = arith.constant 0 : i32
      %dma_wait3A_44 = tpu.memref_slice %arg9[%dma_wait3A_43] : memref<5136xf32, #tpu.memory_space<vmem>> -> memref<5120xf32, #tpu.memory_space<vmem>>
      tpu.wait_dma2 semaphore(%run_scoped3A : memref<!tpu.dma_semaphore, #tpu.memory_space<semaphore_mem>>) src(%dma_wait3A_44 : memref<5120xf32, #tpu.memory_space<vmem>>) dst(%dma_wait3A_42 : memref<5120xf32, #tpu.memory_space<hbm>>)
      tpu.yield
    }) : () -> ()
    return
  }
}

#map = affine_map<(d0, d1) -> (0)>
#map1 = affine_map<(d0, d1) -> (0, 0)>
module attributes {stable_mosaic.version = 14 : i64} {
  func.func @_sc_sum(%arg0: i32, %arg1: i32, %arg2: memref<320000xi32, #tpu.memory_space<hbm>>, %arg3: memref<320000xi32, #tpu.memory_space<hbm>>, %arg4: memref<320000xf32, #tpu.memory_space<hbm>>, %arg5: memref<30000x128xf32, #tpu.memory_space<hbm>>, %arg6: memref<20480x128xf32, #tpu.memory_space<hbm>>, %arg7: memref<2016xi32, #tpu.memory_space<vmem>>, %arg8: memref<2016xi32, #tpu.memory_space<vmem>>, %arg9: memref<2016xf32, #tpu.memory_space<vmem>>, %arg10: memref<2x80xi32, #tpu.memory_space<vmem>>, %arg11: memref<2x80xi32, #tpu.memory_space<vmem>>, %arg12: memref<2x80x128xf32, #tpu.memory_space<vmem>>, %arg13: memref<40x128xf32, #tpu.memory_space<vmem>>, %arg14: memref<10240x128xf32, #tpu.memory_space<vmem_shared>>, %arg15: memref<!tpu.dma_semaphore, #tpu.memory_space<semaphore_mem>>, %arg16: memref<!tpu.dma_semaphore, #tpu.memory_space<semaphore_mem>>, %arg17: memref<!tpu.dma_semaphore, #tpu.memory_space<semaphore_mem>>) attributes {dimension_semantics = [#tpu.dimension_semantics<core_parallel>, #tpu.dimension_semantics<subcore_parallel>], iteration_bounds = array<i64: 2, 16>, scalar_prefetch = 0 : i64, scratch_operands = 11 : i64, tpu.core_type = #tpu.core_type<sc_vector_subcore>, window_params = [{transform_indices = #map}, {transform_indices = #map}, {transform_indices = #map}, {transform_indices = #map1}, {transform_indices = #map1}]} {
    %broadcast_in_dim3A = arith.constant 0.000000e+00 : f32
    %broadcast_in_dim3A_0 = vector.broadcast %broadcast_in_dim3A : f32 to vector<16xf32>
    %scan3A = arith.constant 0 : i32
    %scan3A_1 = arith.constant 0 : i32
    %scan3A_2 = arith.constant 40 : i32
    %scan3A_3 = arith.addi %scan3A_1, %scan3A_2 : i32
    %scan3A_4 = arith.constant 1 : i32
    scf.for %scan3A_106 = %scan3A_1 to %scan3A_3 step %scan3A_4  : i32 {
      %swap3A = arith.index_cast %scan3A_106 : i32 to index
      %swap3A_107 = arith.constant 0 : index
      %swap3A_108 = tpu.vector_load %arg13[%swap3A, %swap3A_107] {strides = array<i32>} : memref<40x128xf32, #tpu.memory_space<vmem>>, vector<16xf32>,
      tpu.vector_store %arg13[%swap3A, %swap3A_107], %broadcast_in_dim3A_0 {strides = array<i32>} : memref<40x128xf32, #tpu.memory_space<vmem>>, vector<16xf32>,
      %swap3A_109 = arith.index_cast %scan3A_106 : i32 to index
      %swap3A_110 = arith.constant 16 : index
      %swap3A_111 = tpu.vector_load %arg13[%swap3A_109, %swap3A_110] {strides = array<i32>} : memref<40x128xf32, #tpu.memory_space<vmem>>, vector<16xf32>,
      tpu.vector_store %arg13[%swap3A_109, %swap3A_110], %broadcast_in_dim3A_0 {strides = array<i32>} : memref<40x128xf32, #tpu.memory_space<vmem>>, vector<16xf32>,
      %swap3A_112 = arith.index_cast %scan3A_106 : i32 to index
      %swap3A_113 = arith.constant 32 : index
      %swap3A_114 = tpu.vector_load %arg13[%swap3A_112, %swap3A_113] {strides = array<i32>} : memref<40x128xf32, #tpu.memory_space<vmem>>, vector<16xf32>,
      tpu.vector_store %arg13[%swap3A_112, %swap3A_113], %broadcast_in_dim3A_0 {strides = array<i32>} : memref<40x128xf32, #tpu.memory_space<vmem>>, vector<16xf32>,
      %swap3A_115 = arith.index_cast %scan3A_106 : i32 to index
      %swap3A_116 = arith.constant 48 : index
      %swap3A_117 = tpu.vector_load %arg13[%swap3A_115, %swap3A_116] {strides = array<i32>} : memref<40x128xf32, #tpu.memory_space<vmem>>, vector<16xf32>,
      tpu.vector_store %arg13[%swap3A_115, %swap3A_116], %broadcast_in_dim3A_0 {strides = array<i32>} : memref<40x128xf32, #tpu.memory_space<vmem>>, vector<16xf32>,
      %swap3A_118 = arith.index_cast %scan3A_106 : i32 to index
      %swap3A_119 = arith.constant 64 : index
      %swap3A_120 = tpu.vector_load %arg13[%swap3A_118, %swap3A_119] {strides = array<i32>} : memref<40x128xf32, #tpu.memory_space<vmem>>, vector<16xf32>,
      tpu.vector_store %arg13[%swap3A_118, %swap3A_119], %broadcast_in_dim3A_0 {strides = array<i32>} : memref<40x128xf32, #tpu.memory_space<vmem>>, vector<16xf32>,
      %swap3A_121 = arith.index_cast %scan3A_106 : i32 to index
      %swap3A_122 = arith.constant 80 : index
      %swap3A_123 = tpu.vector_load %arg13[%swap3A_121, %swap3A_122] {strides = array<i32>} : memref<40x128xf32, #tpu.memory_space<vmem>>, vector<16xf32>,
      tpu.vector_store %arg13[%swap3A_121, %swap3A_122], %broadcast_in_dim3A_0 {strides = array<i32>} : memref<40x128xf32, #tpu.memory_space<vmem>>, vector<16xf32>,
      %swap3A_124 = arith.index_cast %scan3A_106 : i32 to index
      %swap3A_125 = arith.constant 96 : index
      %swap3A_126 = tpu.vector_load %arg13[%swap3A_124, %swap3A_125] {strides = array<i32>} : memref<40x128xf32, #tpu.memory_space<vmem>>, vector<16xf32>,
      tpu.vector_store %arg13[%swap3A_124, %swap3A_125], %broadcast_in_dim3A_0 {strides = array<i32>} : memref<40x128xf32, #tpu.memory_space<vmem>>, vector<16xf32>,
      %swap3A_127 = arith.index_cast %scan3A_106 : i32 to index
      %swap3A_128 = arith.constant 112 : index
      %swap3A_129 = tpu.vector_load %arg13[%swap3A_127, %swap3A_128] {strides = array<i32>} : memref<40x128xf32, #tpu.memory_space<vmem>>, vector<16xf32>,
      tpu.vector_store %arg13[%swap3A_127, %swap3A_128], %broadcast_in_dim3A_0 {strides = array<i32>} : memref<40x128xf32, #tpu.memory_space<vmem>>, vector<16xf32>,
    }
    %scan3A_5 = arith.constant 40 : i32
    %mul3A = arith.constant 640 : i32
    %mul3A_6 = arith.muli %arg1, %mul3A : i32
    %add3A = arith.constant 0 : i32
    %add3A_7 = arith.addi %mul3A_6, %add3A : i32
    "tpu.region"() ({
      %run_scoped3A = tpu.sem_alloc : memref<!tpu.dma_semaphore, #tpu.memory_space<semaphore_mem>>
      %dma_start3A = arith.constant 0 : i32
      %dma_start3A_106 = tpu.memref_slice %arg14[%add3A_7, %dma_start3A] : memref<10240x128xf32, #tpu.memory_space<vmem_shared>> -> memref<40x128xf32, #tpu.memory_space<vmem_shared>>
      %dma_start3A_107 = arith.constant 0 : i32
      %dma_start3A_108 = tpu.memref_slice %arg14[%add3A_7, %dma_start3A_107] : memref<10240x128xf32, #tpu.memory_space<vmem_shared>> -> memref<40x128xf32, #tpu.memory_space<vmem_shared>>
      tpu.enqueue_dma source(%arg13 : memref<40x128xf32, #tpu.memory_space<vmem>>) target(%dma_start3A_108 : memref<40x128xf32, #tpu.memory_space<vmem_shared>>) target_semaphore(%run_scoped3A : memref<!tpu.dma_semaphore, #tpu.memory_space<semaphore_mem>>)
      %dma_wait3A = arith.constant 0 : i32
      %dma_wait3A_109 = tpu.memref_slice %arg14[%add3A_7, %dma_wait3A] : memref<10240x128xf32, #tpu.memory_space<vmem_shared>> -> memref<40x128xf32, #tpu.memory_space<vmem_shared>>
      %dma_wait3A_110 = arith.constant 0 : i32
      %dma_wait3A_111 = tpu.memref_slice %arg14[%add3A_7, %dma_wait3A_110] : memref<10240x128xf32, #tpu.memory_space<vmem_shared>> -> memref<40x128xf32, #tpu.memory_space<vmem_shared>>
      tpu.wait_dma2 semaphore(%run_scoped3A : memref<!tpu.dma_semaphore, #tpu.memory_space<semaphore_mem>>) src(%arg13 : memref<40x128xf32, #tpu.memory_space<vmem>>) dst(%dma_wait3A_111 : memref<40x128xf32, #tpu.memory_space<vmem_shared>>)
      tpu.yield
    }) : () -> ()
    %mul3A_8 = arith.constant 640 : i32
    %mul3A_9 = arith.muli %arg1, %mul3A_8 : i32
    %add3A_10 = arith.constant 40 : i32
    %add3A_11 = arith.addi %mul3A_9, %add3A_10 : i32
    "tpu.region"() ({
      %run_scoped3A = tpu.sem_alloc : memref<!tpu.dma_semaphore, #tpu.memory_space<semaphore_mem>>
      %dma_start3A = arith.constant 0 : i32
      %dma_start3A_106 = tpu.memref_slice %arg14[%add3A_11, %dma_start3A] : memref<10240x128xf32, #tpu.memory_space<vmem_shared>> -> memref<40x128xf32, #tpu.memory_space<vmem_shared>>
      %dma_start3A_107 = arith.constant 0 : i32
      %dma_start3A_108 = tpu.memref_slice %arg14[%add3A_11, %dma_start3A_107] : memref<10240x128xf32, #tpu.memory_space<vmem_shared>> -> memref<40x128xf32, #tpu.memory_space<vmem_shared>>
      tpu.enqueue_dma source(%arg13 : memref<40x128xf32, #tpu.memory_space<vmem>>) target(%dma_start3A_108 : memref<40x128xf32, #tpu.memory_space<vmem_shared>>) target_semaphore(%run_scoped3A : memref<!tpu.dma_semaphore, #tpu.memory_space<semaphore_mem>>)
      %dma_wait3A = arith.constant 0 : i32
      %dma_wait3A_109 = tpu.memref_slice %arg14[%add3A_11, %dma_wait3A] : memref<10240x128xf32, #tpu.memory_space<vmem_shared>> -> memref<40x128xf32, #tpu.memory_space<vmem_shared>>
      %dma_wait3A_110 = arith.constant 0 : i32
      %dma_wait3A_111 = tpu.memref_slice %arg14[%add3A_11, %dma_wait3A_110] : memref<10240x128xf32, #tpu.memory_space<vmem_shared>> -> memref<40x128xf32, #tpu.memory_space<vmem_shared>>
      tpu.wait_dma2 semaphore(%run_scoped3A : memref<!tpu.dma_semaphore, #tpu.memory_space<semaphore_mem>>) src(%arg13 : memref<40x128xf32, #tpu.memory_space<vmem>>) dst(%dma_wait3A_111 : memref<40x128xf32, #tpu.memory_space<vmem_shared>>)
      tpu.yield
    }) : () -> ()
    %mul3A_12 = arith.constant 640 : i32
    %mul3A_13 = arith.muli %arg1, %mul3A_12 : i32
    %add3A_14 = arith.constant 80 : i32
    %add3A_15 = arith.addi %mul3A_13, %add3A_14 : i32
    "tpu.region"() ({
      %run_scoped3A = tpu.sem_alloc : memref<!tpu.dma_semaphore, #tpu.memory_space<semaphore_mem>>
      %dma_start3A = arith.constant 0 : i32
      %dma_start3A_106 = tpu.memref_slice %arg14[%add3A_15, %dma_start3A] : memref<10240x128xf32, #tpu.memory_space<vmem_shared>> -> memref<40x128xf32, #tpu.memory_space<vmem_shared>>
      %dma_start3A_107 = arith.constant 0 : i32
      %dma_start3A_108 = tpu.memref_slice %arg14[%add3A_15, %dma_start3A_107] : memref<10240x128xf32, #tpu.memory_space<vmem_shared>> -> memref<40x128xf32, #tpu.memory_space<vmem_shared>>
      tpu.enqueue_dma source(%arg13 : memref<40x128xf32, #tpu.memory_space<vmem>>) target(%dma_start3A_108 : memref<40x128xf32, #tpu.memory_space<vmem_shared>>) target_semaphore(%run_scoped3A : memref<!tpu.dma_semaphore, #tpu.memory_space<semaphore_mem>>)
      %dma_wait3A = arith.constant 0 : i32
      %dma_wait3A_109 = tpu.memref_slice %arg14[%add3A_15, %dma_wait3A] : memref<10240x128xf32, #tpu.memory_space<vmem_shared>> -> memref<40x128xf32, #tpu.memory_space<vmem_shared>>
      %dma_wait3A_110 = arith.constant 0 : i32
      %dma_wait3A_111 = tpu.memref_slice %arg14[%add3A_15, %dma_wait3A_110] : memref<10240x128xf32, #tpu.memory_space<vmem_shared>> -> memref<40x128xf32, #tpu.memory_space<vmem_shared>>
      tpu.wait_dma2 semaphore(%run_scoped3A : memref<!tpu.dma_semaphore, #tpu.memory_space<semaphore_mem>>) src(%arg13 : memref<40x128xf32, #tpu.memory_space<vmem>>) dst(%dma_wait3A_111 : memref<40x128xf32, #tpu.memory_space<vmem_shared>>)
      tpu.yield
    }) : () -> ()
    %mul3A_16 = arith.constant 640 : i32
    %mul3A_17 = arith.muli %arg1, %mul3A_16 : i32
    %add3A_18 = arith.constant 120 : i32
    %add3A_19 = arith.addi %mul3A_17, %add3A_18 : i32
    "tpu.region"() ({
      %run_scoped3A = tpu.sem_alloc : memref<!tpu.dma_semaphore, #tpu.memory_space<semaphore_mem>>
      %dma_start3A = arith.constant 0 : i32
      %dma_start3A_106 = tpu.memref_slice %arg14[%add3A_19, %dma_start3A] : memref<10240x128xf32, #tpu.memory_space<vmem_shared>> -> memref<40x128xf32, #tpu.memory_space<vmem_shared>>
      %dma_start3A_107 = arith.constant 0 : i32
      %dma_start3A_108 = tpu.memref_slice %arg14[%add3A_19, %dma_start3A_107] : memref<10240x128xf32, #tpu.memory_space<vmem_shared>> -> memref<40x128xf32, #tpu.memory_space<vmem_shared>>
      tpu.enqueue_dma source(%arg13 : memref<40x128xf32, #tpu.memory_space<vmem>>) target(%dma_start3A_108 : memref<40x128xf32, #tpu.memory_space<vmem_shared>>) target_semaphore(%run_scoped3A : memref<!tpu.dma_semaphore, #tpu.memory_space<semaphore_mem>>)
      %dma_wait3A = arith.constant 0 : i32
      %dma_wait3A_109 = tpu.memref_slice %arg14[%add3A_19, %dma_wait3A] : memref<10240x128xf32, #tpu.memory_space<vmem_shared>> -> memref<40x128xf32, #tpu.memory_space<vmem_shared>>
      %dma_wait3A_110 = arith.constant 0 : i32
      %dma_wait3A_111 = tpu.memref_slice %arg14[%add3A_19, %dma_wait3A_110] : memref<10240x128xf32, #tpu.memory_space<vmem_shared>> -> memref<40x128xf32, #tpu.memory_space<vmem_shared>>
      tpu.wait_dma2 semaphore(%run_scoped3A : memref<!tpu.dma_semaphore, #tpu.memory_space<semaphore_mem>>) src(%arg13 : memref<40x128xf32, #tpu.memory_space<vmem>>) dst(%dma_wait3A_111 : memref<40x128xf32, #tpu.memory_space<vmem_shared>>)
      tpu.yield
    }) : () -> ()
    %mul3A_20 = arith.constant 640 : i32
    %mul3A_21 = arith.muli %arg1, %mul3A_20 : i32
    %add3A_22 = arith.constant 160 : i32
    %add3A_23 = arith.addi %mul3A_21, %add3A_22 : i32
    "tpu.region"() ({
      %run_scoped3A = tpu.sem_alloc : memref<!tpu.dma_semaphore, #tpu.memory_space<semaphore_mem>>
      %dma_start3A = arith.constant 0 : i32
      %dma_start3A_106 = tpu.memref_slice %arg14[%add3A_23, %dma_start3A] : memref<10240x128xf32, #tpu.memory_space<vmem_shared>> -> memref<40x128xf32, #tpu.memory_space<vmem_shared>>
      %dma_start3A_107 = arith.constant 0 : i32
      %dma_start3A_108 = tpu.memref_slice %arg14[%add3A_23, %dma_start3A_107] : memref<10240x128xf32, #tpu.memory_space<vmem_shared>> -> memref<40x128xf32, #tpu.memory_space<vmem_shared>>
      tpu.enqueue_dma source(%arg13 : memref<40x128xf32, #tpu.memory_space<vmem>>) target(%dma_start3A_108 : memref<40x128xf32, #tpu.memory_space<vmem_shared>>) target_semaphore(%run_scoped3A : memref<!tpu.dma_semaphore, #tpu.memory_space<semaphore_mem>>)
      %dma_wait3A = arith.constant 0 : i32
      %dma_wait3A_109 = tpu.memref_slice %arg14[%add3A_23, %dma_wait3A] : memref<10240x128xf32, #tpu.memory_space<vmem_shared>> -> memref<40x128xf32, #tpu.memory_space<vmem_shared>>
      %dma_wait3A_110 = arith.constant 0 : i32
      %dma_wait3A_111 = tpu.memref_slice %arg14[%add3A_23, %dma_wait3A_110] : memref<10240x128xf32, #tpu.memory_space<vmem_shared>> -> memref<40x128xf32, #tpu.memory_space<vmem_shared>>
      tpu.wait_dma2 semaphore(%run_scoped3A : memref<!tpu.dma_semaphore, #tpu.memory_space<semaphore_mem>>) src(%arg13 : memref<40x128xf32, #tpu.memory_space<vmem>>) dst(%dma_wait3A_111 : memref<40x128xf32, #tpu.memory_space<vmem_shared>>)
      tpu.yield
    }) : () -> ()
    %mul3A_24 = arith.constant 640 : i32
    %mul3A_25 = arith.muli %arg1, %mul3A_24 : i32
    %add3A_26 = arith.constant 200 : i32
    %add3A_27 = arith.addi %mul3A_25, %add3A_26 : i32
    "tpu.region"() ({
      %run_scoped3A = tpu.sem_alloc : memref<!tpu.dma_semaphore, #tpu.memory_space<semaphore_mem>>
      %dma_start3A = arith.constant 0 : i32
      %dma_start3A_106 = tpu.memref_slice %arg14[%add3A_27, %dma_start3A] : memref<10240x128xf32, #tpu.memory_space<vmem_shared>> -> memref<40x128xf32, #tpu.memory_space<vmem_shared>>
      %dma_start3A_107 = arith.constant 0 : i32
      %dma_start3A_108 = tpu.memref_slice %arg14[%add3A_27, %dma_start3A_107] : memref<10240x128xf32, #tpu.memory_space<vmem_shared>> -> memref<40x128xf32, #tpu.memory_space<vmem_shared>>
      tpu.enqueue_dma source(%arg13 : memref<40x128xf32, #tpu.memory_space<vmem>>) target(%dma_start3A_108 : memref<40x128xf32, #tpu.memory_space<vmem_shared>>) target_semaphore(%run_scoped3A : memref<!tpu.dma_semaphore, #tpu.memory_space<semaphore_mem>>)
      %dma_wait3A = arith.constant 0 : i32
      %dma_wait3A_109 = tpu.memref_slice %arg14[%add3A_27, %dma_wait3A] : memref<10240x128xf32, #tpu.memory_space<vmem_shared>> -> memref<40x128xf32, #tpu.memory_space<vmem_shared>>
      %dma_wait3A_110 = arith.constant 0 : i32
      %dma_wait3A_111 = tpu.memref_slice %arg14[%add3A_27, %dma_wait3A_110] : memref<10240x128xf32, #tpu.memory_space<vmem_shared>> -> memref<40x128xf32, #tpu.memory_space<vmem_shared>>
      tpu.wait_dma2 semaphore(%run_scoped3A : memref<!tpu.dma_semaphore, #tpu.memory_space<semaphore_mem>>) src(%arg13 : memref<40x128xf32, #tpu.memory_space<vmem>>) dst(%dma_wait3A_111 : memref<40x128xf32, #tpu.memory_space<vmem_shared>>)
      tpu.yield
    }) : () -> ()
    %mul3A_28 = arith.constant 640 : i32
    %mul3A_29 = arith.muli %arg1, %mul3A_28 : i32
    %add3A_30 = arith.constant 240 : i32
    %add3A_31 = arith.addi %mul3A_29, %add3A_30 : i32
    "tpu.region"() ({
      %run_scoped3A = tpu.sem_alloc : memref<!tpu.dma_semaphore, #tpu.memory_space<semaphore_mem>>
      %dma_start3A = arith.constant 0 : i32
      %dma_start3A_106 = tpu.memref_slice %arg14[%add3A_31, %dma_start3A] : memref<10240x128xf32, #tpu.memory_space<vmem_shared>> -> memref<40x128xf32, #tpu.memory_space<vmem_shared>>
      %dma_start3A_107 = arith.constant 0 : i32
      %dma_start3A_108 = tpu.memref_slice %arg14[%add3A_31, %dma_start3A_107] : memref<10240x128xf32, #tpu.memory_space<vmem_shared>> -> memref<40x128xf32, #tpu.memory_space<vmem_shared>>
      tpu.enqueue_dma source(%arg13 : memref<40x128xf32, #tpu.memory_space<vmem>>) target(%dma_start3A_108 : memref<40x128xf32, #tpu.memory_space<vmem_shared>>) target_semaphore(%run_scoped3A : memref<!tpu.dma_semaphore, #tpu.memory_space<semaphore_mem>>)
      %dma_wait3A = arith.constant 0 : i32
      %dma_wait3A_109 = tpu.memref_slice %arg14[%add3A_31, %dma_wait3A] : memref<10240x128xf32, #tpu.memory_space<vmem_shared>> -> memref<40x128xf32, #tpu.memory_space<vmem_shared>>
      %dma_wait3A_110 = arith.constant 0 : i32
      %dma_wait3A_111 = tpu.memref_slice %arg14[%add3A_31, %dma_wait3A_110] : memref<10240x128xf32, #tpu.memory_space<vmem_shared>> -> memref<40x128xf32, #tpu.memory_space<vmem_shared>>
      tpu.wait_dma2 semaphore(%run_scoped3A : memref<!tpu.dma_semaphore, #tpu.memory_space<semaphore_mem>>) src(%arg13 : memref<40x128xf32, #tpu.memory_space<vmem>>) dst(%dma_wait3A_111 : memref<40x128xf32, #tpu.memory_space<vmem_shared>>)
      tpu.yield
    }) : () -> ()
    %mul3A_32 = arith.constant 640 : i32
    %mul3A_33 = arith.muli %arg1, %mul3A_32 : i32
    %add3A_34 = arith.constant 280 : i32
    %add3A_35 = arith.addi %mul3A_33, %add3A_34 : i32
    "tpu.region"() ({
      %run_scoped3A = tpu.sem_alloc : memref<!tpu.dma_semaphore, #tpu.memory_space<semaphore_mem>>
      %dma_start3A = arith.constant 0 : i32
      %dma_start3A_106 = tpu.memref_slice %arg14[%add3A_35, %dma_start3A] : memref<10240x128xf32, #tpu.memory_space<vmem_shared>> -> memref<40x128xf32, #tpu.memory_space<vmem_shared>>
      %dma_start3A_107 = arith.constant 0 : i32
      %dma_start3A_108 = tpu.memref_slice %arg14[%add3A_35, %dma_start3A_107] : memref<10240x128xf32, #tpu.memory_space<vmem_shared>> -> memref<40x128xf32, #tpu.memory_space<vmem_shared>>
      tpu.enqueue_dma source(%arg13 : memref<40x128xf32, #tpu.memory_space<vmem>>) target(%dma_start3A_108 : memref<40x128xf32, #tpu.memory_space<vmem_shared>>) target_semaphore(%run_scoped3A : memref<!tpu.dma_semaphore, #tpu.memory_space<semaphore_mem>>)
      %dma_wait3A = arith.constant 0 : i32
      %dma_wait3A_109 = tpu.memref_slice %arg14[%add3A_35, %dma_wait3A] : memref<10240x128xf32, #tpu.memory_space<vmem_shared>> -> memref<40x128xf32, #tpu.memory_space<vmem_shared>>
      %dma_wait3A_110 = arith.constant 0 : i32
      %dma_wait3A_111 = tpu.memref_slice %arg14[%add3A_35, %dma_wait3A_110] : memref<10240x128xf32, #tpu.memory_space<vmem_shared>> -> memref<40x128xf32, #tpu.memory_space<vmem_shared>>
      tpu.wait_dma2 semaphore(%run_scoped3A : memref<!tpu.dma_semaphore, #tpu.memory_space<semaphore_mem>>) src(%arg13 : memref<40x128xf32, #tpu.memory_space<vmem>>) dst(%dma_wait3A_111 : memref<40x128xf32, #tpu.memory_space<vmem_shared>>)
      tpu.yield
    }) : () -> ()
    %mul3A_36 = arith.constant 640 : i32
    %mul3A_37 = arith.muli %arg1, %mul3A_36 : i32
    %add3A_38 = arith.constant 320 : i32
    %add3A_39 = arith.addi %mul3A_37, %add3A_38 : i32
    "tpu.region"() ({
      %run_scoped3A = tpu.sem_alloc : memref<!tpu.dma_semaphore, #tpu.memory_space<semaphore_mem>>
      %dma_start3A = arith.constant 0 : i32
      %dma_start3A_106 = tpu.memref_slice %arg14[%add3A_39, %dma_start3A] : memref<10240x128xf32, #tpu.memory_space<vmem_shared>> -> memref<40x128xf32, #tpu.memory_space<vmem_shared>>
      %dma_start3A_107 = arith.constant 0 : i32
      %dma_start3A_108 = tpu.memref_slice %arg14[%add3A_39, %dma_start3A_107] : memref<10240x128xf32, #tpu.memory_space<vmem_shared>> -> memref<40x128xf32, #tpu.memory_space<vmem_shared>>
      tpu.enqueue_dma source(%arg13 : memref<40x128xf32, #tpu.memory_space<vmem>>) target(%dma_start3A_108 : memref<40x128xf32, #tpu.memory_space<vmem_shared>>) target_semaphore(%run_scoped3A : memref<!tpu.dma_semaphore, #tpu.memory_space<semaphore_mem>>)
      %dma_wait3A = arith.constant 0 : i32
      %dma_wait3A_109 = tpu.memref_slice %arg14[%add3A_39, %dma_wait3A] : memref<10240x128xf32, #tpu.memory_space<vmem_shared>> -> memref<40x128xf32, #tpu.memory_space<vmem_shared>>
      %dma_wait3A_110 = arith.constant 0 : i32
      %dma_wait3A_111 = tpu.memref_slice %arg14[%add3A_39, %dma_wait3A_110] : memref<10240x128xf32, #tpu.memory_space<vmem_shared>> -> memref<40x128xf32, #tpu.memory_space<vmem_shared>>
      tpu.wait_dma2 semaphore(%run_scoped3A : memref<!tpu.dma_semaphore, #tpu.memory_space<semaphore_mem>>) src(%arg13 : memref<40x128xf32, #tpu.memory_space<vmem>>) dst(%dma_wait3A_111 : memref<40x128xf32, #tpu.memory_space<vmem_shared>>)
      tpu.yield
    }) : () -> ()
    %mul3A_40 = arith.constant 640 : i32
    %mul3A_41 = arith.muli %arg1, %mul3A_40 : i32
    %add3A_42 = arith.constant 360 : i32
    %add3A_43 = arith.addi %mul3A_41, %add3A_42 : i32
    "tpu.region"() ({
      %run_scoped3A = tpu.sem_alloc : memref<!tpu.dma_semaphore, #tpu.memory_space<semaphore_mem>>
      %dma_start3A = arith.constant 0 : i32
      %dma_start3A_106 = tpu.memref_slice %arg14[%add3A_43, %dma_start3A] : memref<10240x128xf32, #tpu.memory_space<vmem_shared>> -> memref<40x128xf32, #tpu.memory_space<vmem_shared>>
      %dma_start3A_107 = arith.constant 0 : i32
      %dma_start3A_108 = tpu.memref_slice %arg14[%add3A_43, %dma_start3A_107] : memref<10240x128xf32, #tpu.memory_space<vmem_shared>> -> memref<40x128xf32, #tpu.memory_space<vmem_shared>>
      tpu.enqueue_dma source(%arg13 : memref<40x128xf32, #tpu.memory_space<vmem>>) target(%dma_start3A_108 : memref<40x128xf32, #tpu.memory_space<vmem_shared>>) target_semaphore(%run_scoped3A : memref<!tpu.dma_semaphore, #tpu.memory_space<semaphore_mem>>)
      %dma_wait3A = arith.constant 0 : i32
      %dma_wait3A_109 = tpu.memref_slice %arg14[%add3A_43, %dma_wait3A] : memref<10240x128xf32, #tpu.memory_space<vmem_shared>> -> memref<40x128xf32, #tpu.memory_space<vmem_shared>>
      %dma_wait3A_110 = arith.constant 0 : i32
      %dma_wait3A_111 = tpu.memref_slice %arg14[%add3A_43, %dma_wait3A_110] : memref<10240x128xf32, #tpu.memory_space<vmem_shared>> -> memref<40x128xf32, #tpu.memory_space<vmem_shared>>
      tpu.wait_dma2 semaphore(%run_scoped3A : memref<!tpu.dma_semaphore, #tpu.memory_space<semaphore_mem>>) src(%arg13 : memref<40x128xf32, #tpu.memory_space<vmem>>) dst(%dma_wait3A_111 : memref<40x128xf32, #tpu.memory_space<vmem_shared>>)
      tpu.yield
    }) : () -> ()
    %mul3A_44 = arith.constant 640 : i32
    %mul3A_45 = arith.muli %arg1, %mul3A_44 : i32
    %add3A_46 = arith.constant 400 : i32
    %add3A_47 = arith.addi %mul3A_45, %add3A_46 : i32
    "tpu.region"() ({
      %run_scoped3A = tpu.sem_alloc : memref<!tpu.dma_semaphore, #tpu.memory_space<semaphore_mem>>
      %dma_start3A = arith.constant 0 : i32
      %dma_start3A_106 = tpu.memref_slice %arg14[%add3A_47, %dma_start3A] : memref<10240x128xf32, #tpu.memory_space<vmem_shared>> -> memref<40x128xf32, #tpu.memory_space<vmem_shared>>
      %dma_start3A_107 = arith.constant 0 : i32
      %dma_start3A_108 = tpu.memref_slice %arg14[%add3A_47, %dma_start3A_107] : memref<10240x128xf32, #tpu.memory_space<vmem_shared>> -> memref<40x128xf32, #tpu.memory_space<vmem_shared>>
      tpu.enqueue_dma source(%arg13 : memref<40x128xf32, #tpu.memory_space<vmem>>) target(%dma_start3A_108 : memref<40x128xf32, #tpu.memory_space<vmem_shared>>) target_semaphore(%run_scoped3A : memref<!tpu.dma_semaphore, #tpu.memory_space<semaphore_mem>>)
      %dma_wait3A = arith.constant 0 : i32
      %dma_wait3A_109 = tpu.memref_slice %arg14[%add3A_47, %dma_wait3A] : memref<10240x128xf32, #tpu.memory_space<vmem_shared>> -> memref<40x128xf32, #tpu.memory_space<vmem_shared>>
      %dma_wait3A_110 = arith.constant 0 : i32
      %dma_wait3A_111 = tpu.memref_slice %arg14[%add3A_47, %dma_wait3A_110] : memref<10240x128xf32, #tpu.memory_space<vmem_shared>> -> memref<40x128xf32, #tpu.memory_space<vmem_shared>>
      tpu.wait_dma2 semaphore(%run_scoped3A : memref<!tpu.dma_semaphore, #tpu.memory_space<semaphore_mem>>) src(%arg13 : memref<40x128xf32, #tpu.memory_space<vmem>>) dst(%dma_wait3A_111 : memref<40x128xf32, #tpu.memory_space<vmem_shared>>)
      tpu.yield
    }) : () -> ()
    %mul3A_48 = arith.constant 640 : i32
    %mul3A_49 = arith.muli %arg1, %mul3A_48 : i32
    %add3A_50 = arith.constant 440 : i32
    %add3A_51 = arith.addi %mul3A_49, %add3A_50 : i32
    "tpu.region"() ({
      %run_scoped3A = tpu.sem_alloc : memref<!tpu.dma_semaphore, #tpu.memory_space<semaphore_mem>>
      %dma_start3A = arith.constant 0 : i32
      %dma_start3A_106 = tpu.memref_slice %arg14[%add3A_51, %dma_start3A] : memref<10240x128xf32, #tpu.memory_space<vmem_shared>> -> memref<40x128xf32, #tpu.memory_space<vmem_shared>>
      %dma_start3A_107 = arith.constant 0 : i32
      %dma_start3A_108 = tpu.memref_slice %arg14[%add3A_51, %dma_start3A_107] : memref<10240x128xf32, #tpu.memory_space<vmem_shared>> -> memref<40x128xf32, #tpu.memory_space<vmem_shared>>
      tpu.enqueue_dma source(%arg13 : memref<40x128xf32, #tpu.memory_space<vmem>>) target(%dma_start3A_108 : memref<40x128xf32, #tpu.memory_space<vmem_shared>>) target_semaphore(%run_scoped3A : memref<!tpu.dma_semaphore, #tpu.memory_space<semaphore_mem>>)
      %dma_wait3A = arith.constant 0 : i32
      %dma_wait3A_109 = tpu.memref_slice %arg14[%add3A_51, %dma_wait3A] : memref<10240x128xf32, #tpu.memory_space<vmem_shared>> -> memref<40x128xf32, #tpu.memory_space<vmem_shared>>
      %dma_wait3A_110 = arith.constant 0 : i32
      %dma_wait3A_111 = tpu.memref_slice %arg14[%add3A_51, %dma_wait3A_110] : memref<10240x128xf32, #tpu.memory_space<vmem_shared>> -> memref<40x128xf32, #tpu.memory_space<vmem_shared>>
      tpu.wait_dma2 semaphore(%run_scoped3A : memref<!tpu.dma_semaphore, #tpu.memory_space<semaphore_mem>>) src(%arg13 : memref<40x128xf32, #tpu.memory_space<vmem>>) dst(%dma_wait3A_111 : memref<40x128xf32, #tpu.memory_space<vmem_shared>>)
      tpu.yield
    }) : () -> ()
    %mul3A_52 = arith.constant 640 : i32
    %mul3A_53 = arith.muli %arg1, %mul3A_52 : i32
    %add3A_54 = arith.constant 480 : i32
    %add3A_55 = arith.addi %mul3A_53, %add3A_54 : i32
    "tpu.region"() ({
      %run_scoped3A = tpu.sem_alloc : memref<!tpu.dma_semaphore, #tpu.memory_space<semaphore_mem>>
      %dma_start3A = arith.constant 0 : i32
      %dma_start3A_106 = tpu.memref_slice %arg14[%add3A_55, %dma_start3A] : memref<10240x128xf32, #tpu.memory_space<vmem_shared>> -> memref<40x128xf32, #tpu.memory_space<vmem_shared>>
      %dma_start3A_107 = arith.constant 0 : i32
      %dma_start3A_108 = tpu.memref_slice %arg14[%add3A_55, %dma_start3A_107] : memref<10240x128xf32, #tpu.memory_space<vmem_shared>> -> memref<40x128xf32, #tpu.memory_space<vmem_shared>>
      tpu.enqueue_dma source(%arg13 : memref<40x128xf32, #tpu.memory_space<vmem>>) target(%dma_start3A_108 : memref<40x128xf32, #tpu.memory_space<vmem_shared>>) target_semaphore(%run_scoped3A : memref<!tpu.dma_semaphore, #tpu.memory_space<semaphore_mem>>)
      %dma_wait3A = arith.constant 0 : i32
      %dma_wait3A_109 = tpu.memref_slice %arg14[%add3A_55, %dma_wait3A] : memref<10240x128xf32, #tpu.memory_space<vmem_shared>> -> memref<40x128xf32, #tpu.memory_space<vmem_shared>>
      %dma_wait3A_110 = arith.constant 0 : i32
      %dma_wait3A_111 = tpu.memref_slice %arg14[%add3A_55, %dma_wait3A_110] : memref<10240x128xf32, #tpu.memory_space<vmem_shared>> -> memref<40x128xf32, #tpu.memory_space<vmem_shared>>
      tpu.wait_dma2 semaphore(%run_scoped3A : memref<!tpu.dma_semaphore, #tpu.memory_space<semaphore_mem>>) src(%arg13 : memref<40x128xf32, #tpu.memory_space<vmem>>) dst(%dma_wait3A_111 : memref<40x128xf32, #tpu.memory_space<vmem_shared>>)
      tpu.yield
    }) : () -> ()
    %mul3A_56 = arith.constant 640 : i32
    %mul3A_57 = arith.muli %arg1, %mul3A_56 : i32
    %add3A_58 = arith.constant 520 : i32
    %add3A_59 = arith.addi %mul3A_57, %add3A_58 : i32
    "tpu.region"() ({
      %run_scoped3A = tpu.sem_alloc : memref<!tpu.dma_semaphore, #tpu.memory_space<semaphore_mem>>
      %dma_start3A = arith.constant 0 : i32
      %dma_start3A_106 = tpu.memref_slice %arg14[%add3A_59, %dma_start3A] : memref<10240x128xf32, #tpu.memory_space<vmem_shared>> -> memref<40x128xf32, #tpu.memory_space<vmem_shared>>
      %dma_start3A_107 = arith.constant 0 : i32
      %dma_start3A_108 = tpu.memref_slice %arg14[%add3A_59, %dma_start3A_107] : memref<10240x128xf32, #tpu.memory_space<vmem_shared>> -> memref<40x128xf32, #tpu.memory_space<vmem_shared>>
      tpu.enqueue_dma source(%arg13 : memref<40x128xf32, #tpu.memory_space<vmem>>) target(%dma_start3A_108 : memref<40x128xf32, #tpu.memory_space<vmem_shared>>) target_semaphore(%run_scoped3A : memref<!tpu.dma_semaphore, #tpu.memory_space<semaphore_mem>>)
      %dma_wait3A = arith.constant 0 : i32
      %dma_wait3A_109 = tpu.memref_slice %arg14[%add3A_59, %dma_wait3A] : memref<10240x128xf32, #tpu.memory_space<vmem_shared>> -> memref<40x128xf32, #tpu.memory_space<vmem_shared>>
      %dma_wait3A_110 = arith.constant 0 : i32
      %dma_wait3A_111 = tpu.memref_slice %arg14[%add3A_59, %dma_wait3A_110] : memref<10240x128xf32, #tpu.memory_space<vmem_shared>> -> memref<40x128xf32, #tpu.memory_space<vmem_shared>>
      tpu.wait_dma2 semaphore(%run_scoped3A : memref<!tpu.dma_semaphore, #tpu.memory_space<semaphore_mem>>) src(%arg13 : memref<40x128xf32, #tpu.memory_space<vmem>>) dst(%dma_wait3A_111 : memref<40x128xf32, #tpu.memory_space<vmem_shared>>)
      tpu.yield
    }) : () -> ()
    %mul3A_60 = arith.constant 640 : i32
    %mul3A_61 = arith.muli %arg1, %mul3A_60 : i32
    %add3A_62 = arith.constant 560 : i32
    %add3A_63 = arith.addi %mul3A_61, %add3A_62 : i32
    "tpu.region"() ({
      %run_scoped3A = tpu.sem_alloc : memref<!tpu.dma_semaphore, #tpu.memory_space<semaphore_mem>>
      %dma_start3A = arith.constant 0 : i32
      %dma_start3A_106 = tpu.memref_slice %arg14[%add3A_63, %dma_start3A] : memref<10240x128xf32, #tpu.memory_space<vmem_shared>> -> memref<40x128xf32, #tpu.memory_space<vmem_shared>>
      %dma_start3A_107 = arith.constant 0 : i32
      %dma_start3A_108 = tpu.memref_slice %arg14[%add3A_63, %dma_start3A_107] : memref<10240x128xf32, #tpu.memory_space<vmem_shared>> -> memref<40x128xf32, #tpu.memory_space<vmem_shared>>
      tpu.enqueue_dma source(%arg13 : memref<40x128xf32, #tpu.memory_space<vmem>>) target(%dma_start3A_108 : memref<40x128xf32, #tpu.memory_space<vmem_shared>>) target_semaphore(%run_scoped3A : memref<!tpu.dma_semaphore, #tpu.memory_space<semaphore_mem>>)
      %dma_wait3A = arith.constant 0 : i32
      %dma_wait3A_109 = tpu.memref_slice %arg14[%add3A_63, %dma_wait3A] : memref<10240x128xf32, #tpu.memory_space<vmem_shared>> -> memref<40x128xf32, #tpu.memory_space<vmem_shared>>
      %dma_wait3A_110 = arith.constant 0 : i32
      %dma_wait3A_111 = tpu.memref_slice %arg14[%add3A_63, %dma_wait3A_110] : memref<10240x128xf32, #tpu.memory_space<vmem_shared>> -> memref<40x128xf32, #tpu.memory_space<vmem_shared>>
      tpu.wait_dma2 semaphore(%run_scoped3A : memref<!tpu.dma_semaphore, #tpu.memory_space<semaphore_mem>>) src(%arg13 : memref<40x128xf32, #tpu.memory_space<vmem>>) dst(%dma_wait3A_111 : memref<40x128xf32, #tpu.memory_space<vmem_shared>>)
      tpu.yield
    }) : () -> ()
    %mul3A_64 = arith.constant 640 : i32
    %mul3A_65 = arith.muli %arg1, %mul3A_64 : i32
    %add3A_66 = arith.constant 600 : i32
    %add3A_67 = arith.addi %mul3A_65, %add3A_66 : i32
    "tpu.region"() ({
      %run_scoped3A = tpu.sem_alloc : memref<!tpu.dma_semaphore, #tpu.memory_space<semaphore_mem>>
      %dma_start3A = arith.constant 0 : i32
      %dma_start3A_106 = tpu.memref_slice %arg14[%add3A_67, %dma_start3A] : memref<10240x128xf32, #tpu.memory_space<vmem_shared>> -> memref<40x128xf32, #tpu.memory_space<vmem_shared>>
      %dma_start3A_107 = arith.constant 0 : i32
      %dma_start3A_108 = tpu.memref_slice %arg14[%add3A_67, %dma_start3A_107] : memref<10240x128xf32, #tpu.memory_space<vmem_shared>> -> memref<40x128xf32, #tpu.memory_space<vmem_shared>>
      tpu.enqueue_dma source(%arg13 : memref<40x128xf32, #tpu.memory_space<vmem>>) target(%dma_start3A_108 : memref<40x128xf32, #tpu.memory_space<vmem_shared>>) target_semaphore(%run_scoped3A : memref<!tpu.dma_semaphore, #tpu.memory_space<semaphore_mem>>)
      %dma_wait3A = arith.constant 0 : i32
      %dma_wait3A_109 = tpu.memref_slice %arg14[%add3A_67, %dma_wait3A] : memref<10240x128xf32, #tpu.memory_space<vmem_shared>> -> memref<40x128xf32, #tpu.memory_space<vmem_shared>>
      %dma_wait3A_110 = arith.constant 0 : i32
      %dma_wait3A_111 = tpu.memref_slice %arg14[%add3A_67, %dma_wait3A_110] : memref<10240x128xf32, #tpu.memory_space<vmem_shared>> -> memref<40x128xf32, #tpu.memory_space<vmem_shared>>
      tpu.wait_dma2 semaphore(%run_scoped3A : memref<!tpu.dma_semaphore, #tpu.memory_space<semaphore_mem>>) src(%arg13 : memref<40x128xf32, #tpu.memory_space<vmem>>) dst(%dma_wait3A_111 : memref<40x128xf32, #tpu.memory_space<vmem_shared>>)
      tpu.yield
    }) : () -> ()
    %barrier3A = arith.constant 0 : index
    tpu.barrier barrier_id(%barrier3A)
    %mul3A_68 = arith.constant 10000 : i32
    %mul3A_69 = arith.muli %arg0, %mul3A_68 : i32
    %broadcast_in_dim3A_70 = vector.broadcast %mul3A_69 : i32 to vector<16xi32>
    %scan3A_71 = arith.constant 0 : i32
    %scan3A_72 = arith.constant 0 : i32
    %scan3A_73 = arith.constant 10 : i32
    %scan3A_74 = arith.addi %scan3A_72, %scan3A_73 : i32
    %scan3A_75 = arith.constant 1 : i32
    scf.for %scan3A_106 = %scan3A_72 to %scan3A_74 step %scan3A_75  : i32 {
      %mul3A_107 = arith.constant 20000 : i32
      %mul3A_108 = arith.muli %arg1, %mul3A_107 : i32
      %mul3A_109 = arith.constant 2000 : i32
      %mul3A_110 = arith.muli %scan3A_106, %mul3A_109 : i32
      %add3A_111 = arith.addi %mul3A_108, %mul3A_110 : i32
      %dma_start3A = arith.constant 0 : i32
      %dma_start3A_112 = tpu.memref_slice %arg8[%dma_start3A] : memref<2016xi32, #tpu.memory_space<vmem>> -> memref<2000xi32, #tpu.memory_space<vmem>>
      %dma_start3A_113 = tpu.memref_slice %arg2[%add3A_111] : memref<320000xi32, #tpu.memory_space<hbm>> -> memref<2000xi32, #tpu.memory_space<hbm>>
      %dma_start3A_114 = arith.constant 0 : i32
      %dma_start3A_115 = tpu.memref_slice %arg8[%dma_start3A_114] : memref<2016xi32, #tpu.memory_space<vmem>> -> memref<2000xi32, #tpu.memory_space<vmem>>
      %dma_start3A_116 = tpu.memref_slice %arg2[%add3A_111] : memref<320000xi32, #tpu.memory_space<hbm>> -> memref<2000xi32, #tpu.memory_space<hbm>>
      tpu.enqueue_dma source(%dma_start3A_116 : memref<2000xi32, #tpu.memory_space<hbm>>) target(%dma_start3A_115 : memref<2000xi32, #tpu.memory_space<vmem>>) target_semaphore(%arg15 : memref<!tpu.dma_semaphore, #tpu.memory_space<semaphore_mem>>)
      %dma_start3A_117 = arith.constant 0 : i32
      %dma_start3A_118 = tpu.memref_slice %arg7[%dma_start3A_117] : memref<2016xi32, #tpu.memory_space<vmem>> -> memref<2000xi32, #tpu.memory_space<vmem>>
      %dma_start3A_119 = tpu.memref_slice %arg3[%add3A_111] : memref<320000xi32, #tpu.memory_space<hbm>> -> memref<2000xi32, #tpu.memory_space<hbm>>
      %dma_start3A_120 = arith.constant 0 : i32
      %dma_start3A_121 = tpu.memref_slice %arg7[%dma_start3A_120] : memref<2016xi32, #tpu.memory_space<vmem>> -> memref<2000xi32, #tpu.memory_space<vmem>>
      %dma_start3A_122 = tpu.memref_slice %arg3[%add3A_111] : memref<320000xi32, #tpu.memory_space<hbm>> -> memref<2000xi32, #tpu.memory_space<hbm>>
      tpu.enqueue_dma source(%dma_start3A_122 : memref<2000xi32, #tpu.memory_space<hbm>>) target(%dma_start3A_121 : memref<2000xi32, #tpu.memory_space<vmem>>) target_semaphore(%arg15 : memref<!tpu.dma_semaphore, #tpu.memory_space<semaphore_mem>>)
      %dma_start3A_123 = arith.constant 0 : i32
      %dma_start3A_124 = tpu.memref_slice %arg9[%dma_start3A_123] : memref<2016xf32, #tpu.memory_space<vmem>> -> memref<2000xf32, #tpu.memory_space<vmem>>
      %dma_start3A_125 = tpu.memref_slice %arg4[%add3A_111] : memref<320000xf32, #tpu.memory_space<hbm>> -> memref<2000xf32, #tpu.memory_space<hbm>>
      %dma_start3A_126 = arith.constant 0 : i32
      %dma_start3A_127 = tpu.memref_slice %arg9[%dma_start3A_126] : memref<2016xf32, #tpu.memory_space<vmem>> -> memref<2000xf32, #tpu.memory_space<vmem>>
      %dma_start3A_128 = tpu.memref_slice %arg4[%add3A_111] : memref<320000xf32, #tpu.memory_space<hbm>> -> memref<2000xf32, #tpu.memory_space<hbm>>
      tpu.enqueue_dma source(%dma_start3A_128 : memref<2000xf32, #tpu.memory_space<hbm>>) target(%dma_start3A_127 : memref<2000xf32, #tpu.memory_space<vmem>>) target_semaphore(%arg15 : memref<!tpu.dma_semaphore, #tpu.memory_space<semaphore_mem>>)
      %dma_wait3A = arith.constant 0 : i32
      %dma_wait3A_129 = tpu.memref_slice %arg8[%dma_wait3A] : memref<2016xi32, #tpu.memory_space<vmem>> -> memref<2000xi32, #tpu.memory_space<vmem>>
      %dma_wait3A_130 = tpu.memref_slice %arg2[%add3A_111] : memref<320000xi32, #tpu.memory_space<hbm>> -> memref<2000xi32, #tpu.memory_space<hbm>>
      %dma_wait3A_131 = arith.constant 0 : i32
      %dma_wait3A_132 = tpu.memref_slice %arg8[%dma_wait3A_131] : memref<2016xi32, #tpu.memory_space<vmem>> -> memref<2000xi32, #tpu.memory_space<vmem>>
      %dma_wait3A_133 = tpu.memref_slice %arg2[%add3A_111] : memref<320000xi32, #tpu.memory_space<hbm>> -> memref<2000xi32, #tpu.memory_space<hbm>>
      tpu.wait_dma2 semaphore(%arg15 : memref<!tpu.dma_semaphore, #tpu.memory_space<semaphore_mem>>) src(%dma_wait3A_133 : memref<2000xi32, #tpu.memory_space<hbm>>) dst(%dma_wait3A_132 : memref<2000xi32, #tpu.memory_space<vmem>>)
      %dma_wait3A_134 = arith.constant 0 : i32
      %dma_wait3A_135 = tpu.memref_slice %arg7[%dma_wait3A_134] : memref<2016xi32, #tpu.memory_space<vmem>> -> memref<2000xi32, #tpu.memory_space<vmem>>
      %dma_wait3A_136 = tpu.memref_slice %arg3[%add3A_111] : memref<320000xi32, #tpu.memory_space<hbm>> -> memref<2000xi32, #tpu.memory_space<hbm>>
      %dma_wait3A_137 = arith.constant 0 : i32
      %dma_wait3A_138 = tpu.memref_slice %arg7[%dma_wait3A_137] : memref<2016xi32, #tpu.memory_space<vmem>> -> memref<2000xi32, #tpu.memory_space<vmem>>
      %dma_wait3A_139 = tpu.memref_slice %arg3[%add3A_111] : memref<320000xi32, #tpu.memory_space<hbm>> -> memref<2000xi32, #tpu.memory_space<hbm>>
      tpu.wait_dma2 semaphore(%arg15 : memref<!tpu.dma_semaphore, #tpu.memory_space<semaphore_mem>>) src(%dma_wait3A_139 : memref<2000xi32, #tpu.memory_space<hbm>>) dst(%dma_wait3A_138 : memref<2000xi32, #tpu.memory_space<vmem>>)
      %dma_wait3A_140 = arith.constant 0 : i32
      %dma_wait3A_141 = tpu.memref_slice %arg9[%dma_wait3A_140] : memref<2016xf32, #tpu.memory_space<vmem>> -> memref<2000xf32, #tpu.memory_space<vmem>>
      %dma_wait3A_142 = tpu.memref_slice %arg4[%add3A_111] : memref<320000xf32, #tpu.memory_space<hbm>> -> memref<2000xf32, #tpu.memory_space<hbm>>
      %dma_wait3A_143 = arith.constant 0 : i32
      %dma_wait3A_144 = tpu.memref_slice %arg9[%dma_wait3A_143] : memref<2016xf32, #tpu.memory_space<vmem>> -> memref<2000xf32, #tpu.memory_space<vmem>>
      %dma_wait3A_145 = tpu.memref_slice %arg4[%add3A_111] : memref<320000xf32, #tpu.memory_space<hbm>> -> memref<2000xf32, #tpu.memory_space<hbm>>
      tpu.wait_dma2 semaphore(%arg15 : memref<!tpu.dma_semaphore, #tpu.memory_space<semaphore_mem>>) src(%dma_wait3A_145 : memref<2000xf32, #tpu.memory_space<hbm>>) dst(%dma_wait3A_144 : memref<2000xf32, #tpu.memory_space<vmem>>)
      %get3A = arith.constant 0 : index
      %get3A_146 = tpu.vector_load %arg8[%get3A] {strides = array<i32>} : memref<2016xi32, #tpu.memory_space<vmem>>, vector<16xi32>,
      %add3A_147 = arith.addi %get3A_146, %broadcast_in_dim3A_70 : vector<16xi32>
      %swap3A = arith.constant 0 : i32
      %swap3A_148 = arith.index_cast %swap3A : i32 to index
      %swap3A_149 = arith.constant 0 : index
      %swap3A_150 = tpu.vector_load %arg10[%swap3A_148, %swap3A_149] {strides = array<i32>} : memref<2x80xi32, #tpu.memory_space<vmem>>, vector<16xi32>,
      tpu.vector_store %arg10[%swap3A_148, %swap3A_149], %add3A_147 {strides = array<i32>} : memref<2x80xi32, #tpu.memory_space<vmem>>, vector<16xi32>,
      %get3A_151 = arith.constant 0 : index
      %get3A_152 = tpu.vector_load %arg7[%get3A_151] {strides = array<i32>} : memref<2016xi32, #tpu.memory_space<vmem>>, vector<16xi32>,
      %swap3A_153 = arith.constant 0 : i32
      %swap3A_154 = arith.index_cast %swap3A_153 : i32 to index
      %swap3A_155 = arith.constant 0 : index
      %swap3A_156 = tpu.vector_load %arg11[%swap3A_154, %swap3A_155] {strides = array<i32>} : memref<2x80xi32, #tpu.memory_space<vmem>>, vector<16xi32>,
      tpu.vector_store %arg11[%swap3A_154, %swap3A_155], %get3A_152 {strides = array<i32>} : memref<2x80xi32, #tpu.memory_space<vmem>>, vector<16xi32>,
      %get3A_157 = arith.constant 16 : index
      %get3A_158 = tpu.vector_load %arg8[%get3A_157] {strides = array<i32>} : memref<2016xi32, #tpu.memory_space<vmem>>, vector<16xi32>,
      %add3A_159 = arith.addi %get3A_158, %broadcast_in_dim3A_70 : vector<16xi32>
      %swap3A_160 = arith.constant 0 : i32
      %swap3A_161 = arith.index_cast %swap3A_160 : i32 to index
      %swap3A_162 = arith.constant 16 : index
      %swap3A_163 = tpu.vector_load %arg10[%swap3A_161, %swap3A_162] {strides = array<i32>} : memref<2x80xi32, #tpu.memory_space<vmem>>, vector<16xi32>,
      tpu.vector_store %arg10[%swap3A_161, %swap3A_162], %add3A_159 {strides = array<i32>} : memref<2x80xi32, #tpu.memory_space<vmem>>, vector<16xi32>,
      %get3A_164 = arith.constant 16 : index
      %get3A_165 = tpu.vector_load %arg7[%get3A_164] {strides = array<i32>} : memref<2016xi32, #tpu.memory_space<vmem>>, vector<16xi32>,
      %swap3A_166 = arith.constant 0 : i32
      %swap3A_167 = arith.index_cast %swap3A_166 : i32 to index
      %swap3A_168 = arith.constant 16 : index
      %swap3A_169 = tpu.vector_load %arg11[%swap3A_167, %swap3A_168] {strides = array<i32>} : memref<2x80xi32, #tpu.memory_space<vmem>>, vector<16xi32>,
      tpu.vector_store %arg11[%swap3A_167, %swap3A_168], %get3A_165 {strides = array<i32>} : memref<2x80xi32, #tpu.memory_space<vmem>>, vector<16xi32>,
      %get3A_170 = arith.constant 32 : index
      %get3A_171 = tpu.vector_load %arg8[%get3A_170] {strides = array<i32>} : memref<2016xi32, #tpu.memory_space<vmem>>, vector<16xi32>,
      %add3A_172 = arith.addi %get3A_171, %broadcast_in_dim3A_70 : vector<16xi32>
      %swap3A_173 = arith.constant 0 : i32
      %swap3A_174 = arith.index_cast %swap3A_173 : i32 to index
      %swap3A_175 = arith.constant 32 : index
      %swap3A_176 = tpu.vector_load %arg10[%swap3A_174, %swap3A_175] {strides = array<i32>} : memref<2x80xi32, #tpu.memory_space<vmem>>, vector<16xi32>,
      tpu.vector_store %arg10[%swap3A_174, %swap3A_175], %add3A_172 {strides = array<i32>} : memref<2x80xi32, #tpu.memory_space<vmem>>, vector<16xi32>,
      %get3A_177 = arith.constant 32 : index
      %get3A_178 = tpu.vector_load %arg7[%get3A_177] {strides = array<i32>} : memref<2016xi32, #tpu.memory_space<vmem>>, vector<16xi32>,
      %swap3A_179 = arith.constant 0 : i32
      %swap3A_180 = arith.index_cast %swap3A_179 : i32 to index
      %swap3A_181 = arith.constant 32 : index
      %swap3A_182 = tpu.vector_load %arg11[%swap3A_180, %swap3A_181] {strides = array<i32>} : memref<2x80xi32, #tpu.memory_space<vmem>>, vector<16xi32>,
      tpu.vector_store %arg11[%swap3A_180, %swap3A_181], %get3A_178 {strides = array<i32>} : memref<2x80xi32, #tpu.memory_space<vmem>>, vector<16xi32>,
      %get3A_183 = arith.constant 48 : index
      %get3A_184 = tpu.vector_load %arg8[%get3A_183] {strides = array<i32>} : memref<2016xi32, #tpu.memory_space<vmem>>, vector<16xi32>,
      %add3A_185 = arith.addi %get3A_184, %broadcast_in_dim3A_70 : vector<16xi32>
      %swap3A_186 = arith.constant 0 : i32
      %swap3A_187 = arith.index_cast %swap3A_186 : i32 to index
      %swap3A_188 = arith.constant 48 : index
      %swap3A_189 = tpu.vector_load %arg10[%swap3A_187, %swap3A_188] {strides = array<i32>} : memref<2x80xi32, #tpu.memory_space<vmem>>, vector<16xi32>,
      tpu.vector_store %arg10[%swap3A_187, %swap3A_188], %add3A_185 {strides = array<i32>} : memref<2x80xi32, #tpu.memory_space<vmem>>, vector<16xi32>,
      %get3A_190 = arith.constant 48 : index
      %get3A_191 = tpu.vector_load %arg7[%get3A_190] {strides = array<i32>} : memref<2016xi32, #tpu.memory_space<vmem>>, vector<16xi32>,
      %swap3A_192 = arith.constant 0 : i32
      %swap3A_193 = arith.index_cast %swap3A_192 : i32 to index
      %swap3A_194 = arith.constant 48 : index
      %swap3A_195 = tpu.vector_load %arg11[%swap3A_193, %swap3A_194] {strides = array<i32>} : memref<2x80xi32, #tpu.memory_space<vmem>>, vector<16xi32>,
      tpu.vector_store %arg11[%swap3A_193, %swap3A_194], %get3A_191 {strides = array<i32>} : memref<2x80xi32, #tpu.memory_space<vmem>>, vector<16xi32>,
      %get3A_196 = arith.constant 64 : index
      %get3A_197 = tpu.vector_load %arg8[%get3A_196] {strides = array<i32>} : memref<2016xi32, #tpu.memory_space<vmem>>, vector<16xi32>,
      %add3A_198 = arith.addi %get3A_197, %broadcast_in_dim3A_70 : vector<16xi32>
      %swap3A_199 = arith.constant 0 : i32
      %swap3A_200 = arith.index_cast %swap3A_199 : i32 to index
      %swap3A_201 = arith.constant 64 : index
      %swap3A_202 = tpu.vector_load %arg10[%swap3A_200, %swap3A_201] {strides = array<i32>} : memref<2x80xi32, #tpu.memory_space<vmem>>, vector<16xi32>,
      tpu.vector_store %arg10[%swap3A_200, %swap3A_201], %add3A_198 {strides = array<i32>} : memref<2x80xi32, #tpu.memory_space<vmem>>, vector<16xi32>,
      %get3A_203 = arith.constant 64 : index
      %get3A_204 = tpu.vector_load %arg7[%get3A_203] {strides = array<i32>} : memref<2016xi32, #tpu.memory_space<vmem>>, vector<16xi32>,
      %swap3A_205 = arith.constant 0 : i32
      %swap3A_206 = arith.index_cast %swap3A_205 : i32 to index
      %swap3A_207 = arith.constant 64 : index
      %swap3A_208 = tpu.vector_load %arg11[%swap3A_206, %swap3A_207] {strides = array<i32>} : memref<2x80xi32, #tpu.memory_space<vmem>>, vector<16xi32>,
      tpu.vector_store %arg11[%swap3A_206, %swap3A_207], %get3A_204 {strides = array<i32>} : memref<2x80xi32, #tpu.memory_space<vmem>>, vector<16xi32>,
      %dma_start3A_209 = arith.constant 0 : i32
      %dma_start3A_210 = arith.constant 0 : i32
      %dma_start3A_211 = arith.constant 0 : i32
      %dma_start3A_212 = arith.constant 0 : i32
      %dma_start3A_213 = tpu.memref_slice %arg12[%dma_start3A_210, %dma_start3A_211, %dma_start3A_212] : memref<2x80x128xf32, #tpu.memory_space<vmem>> -> memref<1x80x128xf32, #tpu.memory_space<vmem>>
      %dma_start3A_214 = tpu.memref_squeeze %dma_start3A_213 : memref<1x80x128xf32, #tpu.memory_space<vmem>> -> memref<80x128xf32, #tpu.memory_space<vmem>>
      %dma_start3A_215 = arith.constant 0 : i32
      %dma_start3A_216 = tpu.memref_slice %arg10[%dma_start3A_209, %dma_start3A_215] : memref<2x80xi32, #tpu.memory_space<vmem>> -> memref<1x80xi32, #tpu.memory_space<vmem>>
      %dma_start3A_217 = tpu.memref_squeeze %dma_start3A_216 : memref<1x80xi32, #tpu.memory_space<vmem>> -> memref<80xi32, #tpu.memory_space<vmem>>
      %dma_start3A_218 = arith.constant 0 : i32
      %dma_start3A_219 = arith.constant 0 : i32
      %dma_start3A_220 = tpu.memref_slice %arg5[%dma_start3A_218, %dma_start3A_219] : memref<30000x128xf32, #tpu.memory_space<hbm>> -> memref<30000x128xf32, #tpu.memory_space<hbm>>
      tpu.enqueue_indirect_dma source(%dma_start3A_220 : memref<30000x128xf32, #tpu.memory_space<hbm>>) target(%dma_start3A_214 : memref<80x128xf32, #tpu.memory_space<vmem>>) offsets(%dma_start3A_217 : memref<80xi32, #tpu.memory_space<vmem>>) semaphore(%arg16 : memref<!tpu.dma_semaphore, #tpu.memory_space<semaphore_mem>>)
      %scan3A_221 = arith.constant 0 : i32
      %scan3A_222 = arith.constant 0 : i32
      %scan3A_223 = arith.constant 12 : i32
      %scan3A_224 = arith.addi %scan3A_222, %scan3A_223 : i32
      %scan3A_225 = arith.constant 1 : i32
      scf.for %scan3A_246 = %scan3A_222 to %scan3A_224 step %scan3A_225  : i32 {
        %mul3A_247 = arith.constant 2 : i32
        %mul3A_248 = arith.muli %scan3A_246, %mul3A_247 : i32
        %add3A_249 = arith.constant 1 : i32
        %add3A_250 = arith.addi %mul3A_248, %add3A_249 : i32
        %mul3A_251 = arith.constant 80 : i32
        %mul3A_252 = arith.muli %add3A_250, %mul3A_251 : i32
        %add3A_253 = arith.constant 0 : i32
        %add3A_254 = arith.addi %mul3A_252, %add3A_253 : i32
        %get3A_255 = arith.index_cast %add3A_254 : i32 to index
        %get3A_256 = tpu.vector_load %arg8[%get3A_255] {strides = array<i32>} : memref<2016xi32, #tpu.memory_space<vmem>>, vector<16xi32>,
        %add3A_257 = arith.addi %get3A_256, %broadcast_in_dim3A_70 : vector<16xi32>
        %swap3A_258 = arith.constant 1 : i32
        %swap3A_259 = arith.index_cast %swap3A_258 : i32 to index
        %swap3A_260 = arith.constant 0 : index
        %swap3A_261 = tpu.vector_load %arg10[%swap3A_259, %swap3A_260] {strides = array<i32>} : memref<2x80xi32, #tpu.memory_space<vmem>>, vector<16xi32>,
        tpu.vector_store %arg10[%swap3A_259, %swap3A_260], %add3A_257 {strides = array<i32>} : memref<2x80xi32, #tpu.memory_space<vmem>>, vector<16xi32>,
        %mul3A_262 = arith.constant 80 : i32
        %mul3A_263 = arith.muli %add3A_250, %mul3A_262 : i32
        %add3A_264 = arith.constant 0 : i32
        %add3A_265 = arith.addi %mul3A_263, %add3A_264 : i32
        %get3A_266 = arith.index_cast %add3A_265 : i32 to index
        %get3A_267 = tpu.vector_load %arg7[%get3A_266] {strides = array<i32>} : memref<2016xi32, #tpu.memory_space<vmem>>, vector<16xi32>,
        %swap3A_268 = arith.constant 1 : i32
        %swap3A_269 = arith.index_cast %swap3A_268 : i32 to index
        %swap3A_270 = arith.constant 0 : index
        %swap3A_271 = tpu.vector_load %arg11[%swap3A_269, %swap3A_270] {strides = array<i32>} : memref<2x80xi32, #tpu.memory_space<vmem>>, vector<16xi32>,
        tpu.vector_store %arg11[%swap3A_269, %swap3A_270], %get3A_267 {strides = array<i32>} : memref<2x80xi32, #tpu.memory_space<vmem>>, vector<16xi32>,
        %mul3A_272 = arith.constant 80 : i32
        %mul3A_273 = arith.muli %add3A_250, %mul3A_272 : i32
        %add3A_274 = arith.constant 16 : i32
        %add3A_275 = arith.addi %mul3A_273, %add3A_274 : i32
        %get3A_276 = arith.index_cast %add3A_275 : i32 to index
        %get3A_277 = tpu.vector_load %arg8[%get3A_276] {strides = array<i32>} : memref<2016xi32, #tpu.memory_space<vmem>>, vector<16xi32>,
        %add3A_278 = arith.addi %get3A_277, %broadcast_in_dim3A_70 : vector<16xi32>
        %swap3A_279 = arith.constant 1 : i32
        %swap3A_280 = arith.index_cast %swap3A_279 : i32 to index
        %swap3A_281 = arith.constant 16 : index
        %swap3A_282 = tpu.vector_load %arg10[%swap3A_280, %swap3A_281] {strides = array<i32>} : memref<2x80xi32, #tpu.memory_space<vmem>>, vector<16xi32>,
        tpu.vector_store %arg10[%swap3A_280, %swap3A_281], %add3A_278 {strides = array<i32>} : memref<2x80xi32, #tpu.memory_space<vmem>>, vector<16xi32>,
        %mul3A_283 = arith.constant 80 : i32
        %mul3A_284 = arith.muli %add3A_250, %mul3A_283 : i32
        %add3A_285 = arith.constant 16 : i32
        %add3A_286 = arith.addi %mul3A_284, %add3A_285 : i32
        %get3A_287 = arith.index_cast %add3A_286 : i32 to index
        %get3A_288 = tpu.vector_load %arg7[%get3A_287] {strides = array<i32>} : memref<2016xi32, #tpu.memory_space<vmem>>, vector<16xi32>,
        %swap3A_289 = arith.constant 1 : i32
        %swap3A_290 = arith.index_cast %swap3A_289 : i32 to index
        %swap3A_291 = arith.constant 16 : index
        %swap3A_292 = tpu.vector_load %arg11[%swap3A_290, %swap3A_291] {strides = array<i32>} : memref<2x80xi32, #tpu.memory_space<vmem>>, vector<16xi32>,
        tpu.vector_store %arg11[%swap3A_290, %swap3A_291], %get3A_288 {strides = array<i32>} : memref<2x80xi32, #tpu.memory_space<vmem>>, vector<16xi32>,
        %mul3A_293 = arith.constant 80 : i32
        %mul3A_294 = arith.muli %add3A_250, %mul3A_293 : i32
        %add3A_295 = arith.constant 32 : i32
        %add3A_296 = arith.addi %mul3A_294, %add3A_295 : i32
        %get3A_297 = arith.index_cast %add3A_296 : i32 to index
        %get3A_298 = tpu.vector_load %arg8[%get3A_297] {strides = array<i32>} : memref<2016xi32, #tpu.memory_space<vmem>>, vector<16xi32>,
        %add3A_299 = arith.addi %get3A_298, %broadcast_in_dim3A_70 : vector<16xi32>
        %swap3A_300 = arith.constant 1 : i32
        %swap3A_301 = arith.index_cast %swap3A_300 : i32 to index
        %swap3A_302 = arith.constant 32 : index
        %swap3A_303 = tpu.vector_load %arg10[%swap3A_301, %swap3A_302] {strides = array<i32>} : memref<2x80xi32, #tpu.memory_space<vmem>>, vector<16xi32>,
        tpu.vector_store %arg10[%swap3A_301, %swap3A_302], %add3A_299 {strides = array<i32>} : memref<2x80xi32, #tpu.memory_space<vmem>>, vector<16xi32>,
        %mul3A_304 = arith.constant 80 : i32
        %mul3A_305 = arith.muli %add3A_250, %mul3A_304 : i32
        %add3A_306 = arith.constant 32 : i32
        %add3A_307 = arith.addi %mul3A_305, %add3A_306 : i32
        %get3A_308 = arith.index_cast %add3A_307 : i32 to index
        %get3A_309 = tpu.vector_load %arg7[%get3A_308] {strides = array<i32>} : memref<2016xi32, #tpu.memory_space<vmem>>, vector<16xi32>,
        %swap3A_310 = arith.constant 1 : i32
        %swap3A_311 = arith.index_cast %swap3A_310 : i32 to index
        %swap3A_312 = arith.constant 32 : index
        %swap3A_313 = tpu.vector_load %arg11[%swap3A_311, %swap3A_312] {strides = array<i32>} : memref<2x80xi32, #tpu.memory_space<vmem>>, vector<16xi32>,
        tpu.vector_store %arg11[%swap3A_311, %swap3A_312], %get3A_309 {strides = array<i32>} : memref<2x80xi32, #tpu.memory_space<vmem>>, vector<16xi32>,
        %mul3A_314 = arith.constant 80 : i32
        %mul3A_315 = arith.muli %add3A_250, %mul3A_314 : i32
        %add3A_316 = arith.constant 48 : i32
        %add3A_317 = arith.addi %mul3A_315, %add3A_316 : i32
        %get3A_318 = arith.index_cast %add3A_317 : i32 to index
        %get3A_319 = tpu.vector_load %arg8[%get3A_318] {strides = array<i32>} : memref<2016xi32, #tpu.memory_space<vmem>>, vector<16xi32>,
        %add3A_320 = arith.addi %get3A_319, %broadcast_in_dim3A_70 : vector<16xi32>
        %swap3A_321 = arith.constant 1 : i32
        %swap3A_322 = arith.index_cast %swap3A_321 : i32 to index
        %swap3A_323 = arith.constant 48 : index
        %swap3A_324 = tpu.vector_load %arg10[%swap3A_322, %swap3A_323] {strides = array<i32>} : memref<2x80xi32, #tpu.memory_space<vmem>>, vector<16xi32>,
        tpu.vector_store %arg10[%swap3A_322, %swap3A_323], %add3A_320 {strides = array<i32>} : memref<2x80xi32, #tpu.memory_space<vmem>>, vector<16xi32>,
        %mul3A_325 = arith.constant 80 : i32
        %mul3A_326 = arith.muli %add3A_250, %mul3A_325 : i32
        %add3A_327 = arith.constant 48 : i32
        %add3A_328 = arith.addi %mul3A_326, %add3A_327 : i32
        %get3A_329 = arith.index_cast %add3A_328 : i32 to index
        %get3A_330 = tpu.vector_load %arg7[%get3A_329] {strides = array<i32>} : memref<2016xi32, #tpu.memory_space<vmem>>, vector<16xi32>,
        %swap3A_331 = arith.constant 1 : i32
        %swap3A_332 = arith.index_cast %swap3A_331 : i32 to index
        %swap3A_333 = arith.constant 48 : index
        %swap3A_334 = tpu.vector_load %arg11[%swap3A_332, %swap3A_333] {strides = array<i32>} : memref<2x80xi32, #tpu.memory_space<vmem>>, vector<16xi32>,
        tpu.vector_store %arg11[%swap3A_332, %swap3A_333], %get3A_330 {strides = array<i32>} : memref<2x80xi32, #tpu.memory_space<vmem>>, vector<16xi32>,
        %mul3A_335 = arith.constant 80 : i32
        %mul3A_336 = arith.muli %add3A_250, %mul3A_335 : i32
        %add3A_337 = arith.constant 64 : i32
        %add3A_338 = arith.addi %mul3A_336, %add3A_337 : i32
        %get3A_339 = arith.index_cast %add3A_338 : i32 to index
        %get3A_340 = tpu.vector_load %arg8[%get3A_339] {strides = array<i32>} : memref<2016xi32, #tpu.memory_space<vmem>>, vector<16xi32>,
        %add3A_341 = arith.addi %get3A_340, %broadcast_in_dim3A_70 : vector<16xi32>
        %swap3A_342 = arith.constant 1 : i32
        %swap3A_343 = arith.index_cast %swap3A_342 : i32 to index
        %swap3A_344 = arith.constant 64 : index
        %swap3A_345 = tpu.vector_load %arg10[%swap3A_343, %swap3A_344] {strides = array<i32>} : memref<2x80xi32, #tpu.memory_space<vmem>>, vector<16xi32>,
        tpu.vector_store %arg10[%swap3A_343, %swap3A_344], %add3A_341 {strides = array<i32>} : memref<2x80xi32, #tpu.memory_space<vmem>>, vector<16xi32>,
        %mul3A_346 = arith.constant 80 : i32
        %mul3A_347 = arith.muli %add3A_250, %mul3A_346 : i32
        %add3A_348 = arith.constant 64 : i32
        %add3A_349 = arith.addi %mul3A_347, %add3A_348 : i32
        %get3A_350 = arith.index_cast %add3A_349 : i32 to index
        %get3A_351 = tpu.vector_load %arg7[%get3A_350] {strides = array<i32>} : memref<2016xi32, #tpu.memory_space<vmem>>, vector<16xi32>,
        %swap3A_352 = arith.constant 1 : i32
        %swap3A_353 = arith.index_cast %swap3A_352 : i32 to index
        %swap3A_354 = arith.constant 64 : index
        %swap3A_355 = tpu.vector_load %arg11[%swap3A_353, %swap3A_354] {strides = array<i32>} : memref<2x80xi32, #tpu.memory_space<vmem>>, vector<16xi32>,
        tpu.vector_store %arg11[%swap3A_353, %swap3A_354], %get3A_351 {strides = array<i32>} : memref<2x80xi32, #tpu.memory_space<vmem>>, vector<16xi32>,
        %dma_start3A_356 = arith.constant 1 : i32
        %dma_start3A_357 = arith.constant 1 : i32
        %dma_start3A_358 = arith.constant 0 : i32
        %dma_start3A_359 = arith.constant 0 : i32
        %dma_start3A_360 = tpu.memref_slice %arg12[%dma_start3A_357, %dma_start3A_358, %dma_start3A_359] : memref<2x80x128xf32, #tpu.memory_space<vmem>> -> memref<1x80x128xf32, #tpu.memory_space<vmem>>
        %dma_start3A_361 = tpu.memref_squeeze %dma_start3A_360 : memref<1x80x128xf32, #tpu.memory_space<vmem>> -> memref<80x128xf32, #tpu.memory_space<vmem>>
        %dma_start3A_362 = arith.constant 0 : i32
        %dma_start3A_363 = tpu.memref_slice %arg10[%dma_start3A_356, %dma_start3A_362] : memref<2x80xi32, #tpu.memory_space<vmem>> -> memref<1x80xi32, #tpu.memory_space<vmem>>
        %dma_start3A_364 = tpu.memref_squeeze %dma_start3A_363 : memref<1x80xi32, #tpu.memory_space<vmem>> -> memref<80xi32, #tpu.memory_space<vmem>>
        %dma_start3A_365 = arith.constant 0 : i32
        %dma_start3A_366 = arith.constant 0 : i32
        %dma_start3A_367 = tpu.memref_slice %arg5[%dma_start3A_365, %dma_start3A_366] : memref<30000x128xf32, #tpu.memory_space<hbm>> -> memref<30000x128xf32, #tpu.memory_space<hbm>>
        tpu.enqueue_indirect_dma source(%dma_start3A_367 : memref<30000x128xf32, #tpu.memory_space<hbm>>) target(%dma_start3A_361 : memref<80x128xf32, #tpu.memory_space<vmem>>) offsets(%dma_start3A_364 : memref<80xi32, #tpu.memory_space<vmem>>) semaphore(%arg17 : memref<!tpu.dma_semaphore, #tpu.memory_space<semaphore_mem>>)
        %dma_wait3A_368 = arith.constant 0 : i32
        %dma_wait3A_369 = arith.constant 0 : i32
        %dma_wait3A_370 = arith.constant 0 : i32
        %dma_wait3A_371 = arith.constant 0 : i32
        %dma_wait3A_372 = tpu.memref_slice %arg12[%dma_wait3A_369, %dma_wait3A_370, %dma_wait3A_371] : memref<2x80x128xf32, #tpu.memory_space<vmem>> -> memref<1x80x128xf32, #tpu.memory_space<vmem>>
        %dma_wait3A_373 = tpu.memref_squeeze %dma_wait3A_372 : memref<1x80x128xf32, #tpu.memory_space<vmem>> -> memref<80x128xf32, #tpu.memory_space<vmem>>
        %dma_wait3A_374 = arith.constant 0 : i32
        %dma_wait3A_375 = tpu.memref_slice %arg10[%dma_wait3A_368, %dma_wait3A_374] : memref<2x80xi32, #tpu.memory_space<vmem>> -> memref<1x80xi32, #tpu.memory_space<vmem>>
        %dma_wait3A_376 = tpu.memref_squeeze %dma_wait3A_375 : memref<1x80xi32, #tpu.memory_space<vmem>> -> memref<80xi32, #tpu.memory_space<vmem>>
        %dma_wait3A_377 = arith.constant 0 : i32
        %dma_wait3A_378 = arith.constant 0 : i32
        %dma_wait3A_379 = tpu.memref_slice %arg5[%dma_wait3A_377, %dma_wait3A_378] : memref<30000x128xf32, #tpu.memory_space<hbm>> -> memref<30000x128xf32, #tpu.memory_space<hbm>>
        tpu.wait_indirect_dma semaphore(%arg16 : memref<!tpu.dma_semaphore, #tpu.memory_space<semaphore_mem>>) src(%dma_wait3A_379 : memref<30000x128xf32, #tpu.memory_space<hbm>>) dst(%dma_wait3A_373 : memref<80x128xf32, #tpu.memory_space<vmem>>)
        %scan3A_380 = arith.constant 0 : i32
        %scan3A_381 = arith.constant 0 : i32
        %scan3A_382 = arith.constant 40 : i32
        %scan3A_383 = arith.addi %scan3A_381, %scan3A_382 : i32
        %scan3A_384 = arith.constant 1 : i32
        scf.for %scan3A_529 = %scan3A_381 to %scan3A_383 step %scan3A_384  : i32 {
          %mul3A_530 = arith.constant 2 : i32
          %mul3A_531 = arith.muli %scan3A_529, %mul3A_530 : i32
          %add3A_532 = arith.constant 0 : i32
          %add3A_533 = arith.addi %mul3A_531, %add3A_532 : i32
          %mul3A_534 = arith.constant 80 : i32
          %mul3A_535 = arith.muli %mul3A_248, %mul3A_534 : i32
          %add3A_536 = arith.addi %mul3A_535, %add3A_533 : i32
          %get3A_537 = arith.index_cast %add3A_536 : i32 to index
          %get3A_538 = tpu.vector_load %arg9[%get3A_537] {strides = array<i32>} : memref<2016xf32, #tpu.memory_space<vmem>>, vector<16xf32>,
          %slice3A = vector.extract_strided_slice %get3A_538 {offsets = [0], sizes = [1], strides = [1]} : vector<16xf32> to vector<1xf32>
          %squeeze3A = vector.extract %slice3A[0] : f32 from vector<1xf32>
          %broadcast_in_dim3A_539 = vector.broadcast %squeeze3A : f32 to vector<16xf32>
          %get3A_540 = arith.constant 0 : i32
          %get3A_541 = arith.index_cast %get3A_540 : i32 to index
          %get3A_542 = arith.index_cast %add3A_533 : i32 to index
          %get3A_543 = arith.constant 0 : index
          %get3A_544 = tpu.vector_load %arg12[%get3A_541, %get3A_542, %get3A_543] {strides = array<i32>} : memref<2x80x128xf32, #tpu.memory_space<vmem>>, vector<16xf32>,
          %mul3A_545 = arith.mulf %get3A_544, %broadcast_in_dim3A_539 : vector<16xf32>
          %swap3A_546 = arith.constant 0 : i32
          %swap3A_547 = arith.index_cast %swap3A_546 : i32 to index
          %swap3A_548 = arith.index_cast %add3A_533 : i32 to index
          %swap3A_549 = arith.constant 0 : index
          %swap3A_550 = tpu.vector_load %arg12[%swap3A_547, %swap3A_548, %swap3A_549] {strides = array<i32>} : memref<2x80x128xf32, #tpu.memory_space<vmem>>, vector<16xf32>,
          tpu.vector_store %arg12[%swap3A_547, %swap3A_548, %swap3A_549], %mul3A_545 {strides = array<i32>} : memref<2x80x128xf32, #tpu.memory_space<vmem>>, vector<16xf32>,
          %get3A_551 = arith.constant 0 : i32
          %get3A_552 = arith.index_cast %get3A_551 : i32 to index
          %get3A_553 = arith.index_cast %add3A_533 : i32 to index
          %get3A_554 = arith.constant 16 : index
          %get3A_555 = tpu.vector_load %arg12[%get3A_552, %get3A_553, %get3A_554] {strides = array<i32>} : memref<2x80x128xf32, #tpu.memory_space<vmem>>, vector<16xf32>,
          %mul3A_556 = arith.mulf %get3A_555, %broadcast_in_dim3A_539 : vector<16xf32>
          %swap3A_557 = arith.constant 0 : i32
          %swap3A_558 = arith.index_cast %swap3A_557 : i32 to index
          %swap3A_559 = arith.index_cast %add3A_533 : i32 to index
          %swap3A_560 = arith.constant 16 : index
          %swap3A_561 = tpu.vector_load %arg12[%swap3A_558, %swap3A_559, %swap3A_560] {strides = array<i32>} : memref<2x80x128xf32, #tpu.memory_space<vmem>>, vector<16xf32>,
          tpu.vector_store %arg12[%swap3A_558, %swap3A_559, %swap3A_560], %mul3A_556 {strides = array<i32>} : memref<2x80x128xf32, #tpu.memory_space<vmem>>, vector<16xf32>,
          %get3A_562 = arith.constant 0 : i32
          %get3A_563 = arith.index_cast %get3A_562 : i32 to index
          %get3A_564 = arith.index_cast %add3A_533 : i32 to index
          %get3A_565 = arith.constant 32 : index
          %get3A_566 = tpu.vector_load %arg12[%get3A_563, %get3A_564, %get3A_565] {strides = array<i32>} : memref<2x80x128xf32, #tpu.memory_space<vmem>>, vector<16xf32>,
          %mul3A_567 = arith.mulf %get3A_566, %broadcast_in_dim3A_539 : vector<16xf32>
          %swap3A_568 = arith.constant 0 : i32
          %swap3A_569 = arith.index_cast %swap3A_568 : i32 to index
          %swap3A_570 = arith.index_cast %add3A_533 : i32 to index
          %swap3A_571 = arith.constant 32 : index
          %swap3A_572 = tpu.vector_load %arg12[%swap3A_569, %swap3A_570, %swap3A_571] {strides = array<i32>} : memref<2x80x128xf32, #tpu.memory_space<vmem>>, vector<16xf32>,
          tpu.vector_store %arg12[%swap3A_569, %swap3A_570, %swap3A_571], %mul3A_567 {strides = array<i32>} : memref<2x80x128xf32, #tpu.memory_space<vmem>>, vector<16xf32>,
          %get3A_573 = arith.constant 0 : i32
          %get3A_574 = arith.index_cast %get3A_573 : i32 to index
          %get3A_575 = arith.index_cast %add3A_533 : i32 to index
          %get3A_576 = arith.constant 48 : index
          %get3A_577 = tpu.vector_load %arg12[%get3A_574, %get3A_575, %get3A_576] {strides = array<i32>} : memref<2x80x128xf32, #tpu.memory_space<vmem>>, vector<16xf32>,
          %mul3A_578 = arith.mulf %get3A_577, %broadcast_in_dim3A_539 : vector<16xf32>
          %swap3A_579 = arith.constant 0 : i32
          %swap3A_580 = arith.index_cast %swap3A_579 : i32 to index
          %swap3A_581 = arith.index_cast %add3A_533 : i32 to index
          %swap3A_582 = arith.constant 48 : index
          %swap3A_583 = tpu.vector_load %arg12[%swap3A_580, %swap3A_581, %swap3A_582] {strides = array<i32>} : memref<2x80x128xf32, #tpu.memory_space<vmem>>, vector<16xf32>,
          tpu.vector_store %arg12[%swap3A_580, %swap3A_581, %swap3A_582], %mul3A_578 {strides = array<i32>} : memref<2x80x128xf32, #tpu.memory_space<vmem>>, vector<16xf32>,
          %get3A_584 = arith.constant 0 : i32
          %get3A_585 = arith.index_cast %get3A_584 : i32 to index
          %get3A_586 = arith.index_cast %add3A_533 : i32 to index
          %get3A_587 = arith.constant 64 : index
          %get3A_588 = tpu.vector_load %arg12[%get3A_585, %get3A_586, %get3A_587] {strides = array<i32>} : memref<2x80x128xf32, #tpu.memory_space<vmem>>, vector<16xf32>,
          %mul3A_589 = arith.mulf %get3A_588, %broadcast_in_dim3A_539 : vector<16xf32>
          %swap3A_590 = arith.constant 0 : i32
          %swap3A_591 = arith.index_cast %swap3A_590 : i32 to index
          %swap3A_592 = arith.index_cast %add3A_533 : i32 to index
          %swap3A_593 = arith.constant 64 : index
          %swap3A_594 = tpu.vector_load %arg12[%swap3A_591, %swap3A_592, %swap3A_593] {strides = array<i32>} : memref<2x80x128xf32, #tpu.memory_space<vmem>>, vector<16xf32>,
          tpu.vector_store %arg12[%swap3A_591, %swap3A_592, %swap3A_593], %mul3A_589 {strides = array<i32>} : memref<2x80x128xf32, #tpu.memory_space<vmem>>, vector<16xf32>,
          %get3A_595 = arith.constant 0 : i32
          %get3A_596 = arith.index_cast %get3A_595 : i32 to index
          %get3A_597 = arith.index_cast %add3A_533 : i32 to index
          %get3A_598 = arith.constant 80 : index
          %get3A_599 = tpu.vector_load %arg12[%get3A_596, %get3A_597, %get3A_598] {strides = array<i32>} : memref<2x80x128xf32, #tpu.memory_space<vmem>>, vector<16xf32>,
          %mul3A_600 = arith.mulf %get3A_599, %broadcast_in_dim3A_539 : vector<16xf32>
          %swap3A_601 = arith.constant 0 : i32
          %swap3A_602 = arith.index_cast %swap3A_601 : i32 to index
          %swap3A_603 = arith.index_cast %add3A_533 : i32 to index
          %swap3A_604 = arith.constant 80 : index
          %swap3A_605 = tpu.vector_load %arg12[%swap3A_602, %swap3A_603, %swap3A_604] {strides = array<i32>} : memref<2x80x128xf32, #tpu.memory_space<vmem>>, vector<16xf32>,
          tpu.vector_store %arg12[%swap3A_602, %swap3A_603, %swap3A_604], %mul3A_600 {strides = array<i32>} : memref<2x80x128xf32, #tpu.memory_space<vmem>>, vector<16xf32>,
          %get3A_606 = arith.constant 0 : i32
          %get3A_607 = arith.index_cast %get3A_606 : i32 to index
          %get3A_608 = arith.index_cast %add3A_533 : i32 to index
          %get3A_609 = arith.constant 96 : index
          %get3A_610 = tpu.vector_load %arg12[%get3A_607, %get3A_608, %get3A_609] {strides = array<i32>} : memref<2x80x128xf32, #tpu.memory_space<vmem>>, vector<16xf32>,
          %mul3A_611 = arith.mulf %get3A_610, %broadcast_in_dim3A_539 : vector<16xf32>
          %swap3A_612 = arith.constant 0 : i32
          %swap3A_613 = arith.index_cast %swap3A_612 : i32 to index
          %swap3A_614 = arith.index_cast %add3A_533 : i32 to index
          %swap3A_615 = arith.constant 96 : index
          %swap3A_616 = tpu.vector_load %arg12[%swap3A_613, %swap3A_614, %swap3A_615] {strides = array<i32>} : memref<2x80x128xf32, #tpu.memory_space<vmem>>, vector<16xf32>,
          tpu.vector_store %arg12[%swap3A_613, %swap3A_614, %swap3A_615], %mul3A_611 {strides = array<i32>} : memref<2x80x128xf32, #tpu.memory_space<vmem>>, vector<16xf32>,
          %get3A_617 = arith.constant 0 : i32
          %get3A_618 = arith.index_cast %get3A_617 : i32 to index
          %get3A_619 = arith.index_cast %add3A_533 : i32 to index
          %get3A_620 = arith.constant 112 : index
          %get3A_621 = tpu.vector_load %arg12[%get3A_618, %get3A_619, %get3A_620] {strides = array<i32>} : memref<2x80x128xf32, #tpu.memory_space<vmem>>, vector<16xf32>,
          %mul3A_622 = arith.mulf %get3A_621, %broadcast_in_dim3A_539 : vector<16xf32>
          %swap3A_623 = arith.constant 0 : i32
          %swap3A_624 = arith.index_cast %swap3A_623 : i32 to index
          %swap3A_625 = arith.index_cast %add3A_533 : i32 to index
          %swap3A_626 = arith.constant 112 : index
          %swap3A_627 = tpu.vector_load %arg12[%swap3A_624, %swap3A_625, %swap3A_626] {strides = array<i32>} : memref<2x80x128xf32, #tpu.memory_space<vmem>>, vector<16xf32>,
          tpu.vector_store %arg12[%swap3A_624, %swap3A_625, %swap3A_626], %mul3A_622 {strides = array<i32>} : memref<2x80x128xf32, #tpu.memory_space<vmem>>, vector<16xf32>,
          %mul3A_628 = arith.constant 2 : i32
          %mul3A_629 = arith.muli %scan3A_529, %mul3A_628 : i32
          %add3A_630 = arith.constant 1 : i32
          %add3A_631 = arith.addi %mul3A_629, %add3A_630 : i32
          %mul3A_632 = arith.constant 80 : i32
          %mul3A_633 = arith.muli %mul3A_248, %mul3A_632 : i32
          %add3A_634 = arith.addi %mul3A_633, %add3A_631 : i32
          %get3A_635 = arith.index_cast %add3A_634 : i32 to index
          %get3A_636 = tpu.vector_load %arg9[%get3A_635] {strides = array<i32>} : memref<2016xf32, #tpu.memory_space<vmem>>, vector<16xf32>,
          %slice3A_637 = vector.extract_strided_slice %get3A_636 {offsets = [0], sizes = [1], strides = [1]} : vector<16xf32> to vector<1xf32>
          %squeeze3A_638 = vector.extract %slice3A_637[0] : f32 from vector<1xf32>
          %broadcast_in_dim3A_639 = vector.broadcast %squeeze3A_638 : f32 to vector<16xf32>
          %get3A_640 = arith.constant 0 : i32
          %get3A_641 = arith.index_cast %get3A_640 : i32 to index
          %get3A_642 = arith.index_cast %add3A_631 : i32 to index
          %get3A_643 = arith.constant 0 : index
          %get3A_644 = tpu.vector_load %arg12[%get3A_641, %get3A_642, %get3A_643] {strides = array<i32>} : memref<2x80x128xf32, #tpu.memory_space<vmem>>, vector<16xf32>,
          %mul3A_645 = arith.mulf %get3A_644, %broadcast_in_dim3A_639 : vector<16xf32>
          %swap3A_646 = arith.constant 0 : i32
          %swap3A_647 = arith.index_cast %swap3A_646 : i32 to index
          %swap3A_648 = arith.index_cast %add3A_631 : i32 to index
          %swap3A_649 = arith.constant 0 : index
          %swap3A_650 = tpu.vector_load %arg12[%swap3A_647, %swap3A_648, %swap3A_649] {strides = array<i32>} : memref<2x80x128xf32, #tpu.memory_space<vmem>>, vector<16xf32>,
          tpu.vector_store %arg12[%swap3A_647, %swap3A_648, %swap3A_649], %mul3A_645 {strides = array<i32>} : memref<2x80x128xf32, #tpu.memory_space<vmem>>, vector<16xf32>,
          %get3A_651 = arith.constant 0 : i32
          %get3A_652 = arith.index_cast %get3A_651 : i32 to index
          %get3A_653 = arith.index_cast %add3A_631 : i32 to index
          %get3A_654 = arith.constant 16 : index
          %get3A_655 = tpu.vector_load %arg12[%get3A_652, %get3A_653, %get3A_654] {strides = array<i32>} : memref<2x80x128xf32, #tpu.memory_space<vmem>>, vector<16xf32>,
          %mul3A_656 = arith.mulf %get3A_655, %broadcast_in_dim3A_639 : vector<16xf32>
          %swap3A_657 = arith.constant 0 : i32
          %swap3A_658 = arith.index_cast %swap3A_657 : i32 to index
          %swap3A_659 = arith.index_cast %add3A_631 : i32 to index
          %swap3A_660 = arith.constant 16 : index
          %swap3A_661 = tpu.vector_load %arg12[%swap3A_658, %swap3A_659, %swap3A_660] {strides = array<i32>} : memref<2x80x128xf32, #tpu.memory_space<vmem>>, vector<16xf32>,
          tpu.vector_store %arg12[%swap3A_658, %swap3A_659, %swap3A_660], %mul3A_656 {strides = array<i32>} : memref<2x80x128xf32, #tpu.memory_space<vmem>>, vector<16xf32>,
          %get3A_662 = arith.constant 0 : i32
          %get3A_663 = arith.index_cast %get3A_662 : i32 to index
          %get3A_664 = arith.index_cast %add3A_631 : i32 to index
          %get3A_665 = arith.constant 32 : index
          %get3A_666 = tpu.vector_load %arg12[%get3A_663, %get3A_664, %get3A_665] {strides = array<i32>} : memref<2x80x128xf32, #tpu.memory_space<vmem>>, vector<16xf32>,
          %mul3A_667 = arith.mulf %get3A_666, %broadcast_in_dim3A_639 : vector<16xf32>
          %swap3A_668 = arith.constant 0 : i32
          %swap3A_669 = arith.index_cast %swap3A_668 : i32 to index
          %swap3A_670 = arith.index_cast %add3A_631 : i32 to index
          %swap3A_671 = arith.constant 32 : index
          %swap3A_672 = tpu.vector_load %arg12[%swap3A_669, %swap3A_670, %swap3A_671] {strides = array<i32>} : memref<2x80x128xf32, #tpu.memory_space<vmem>>, vector<16xf32>,
          tpu.vector_store %arg12[%swap3A_669, %swap3A_670, %swap3A_671], %mul3A_667 {strides = array<i32>} : memref<2x80x128xf32, #tpu.memory_space<vmem>>, vector<16xf32>,
          %get3A_673 = arith.constant 0 : i32
          %get3A_674 = arith.index_cast %get3A_673 : i32 to index
          %get3A_675 = arith.index_cast %add3A_631 : i32 to index
          %get3A_676 = arith.constant 48 : index
          %get3A_677 = tpu.vector_load %arg12[%get3A_674, %get3A_675, %get3A_676] {strides = array<i32>} : memref<2x80x128xf32, #tpu.memory_space<vmem>>, vector<16xf32>,
          %mul3A_678 = arith.mulf %get3A_677, %broadcast_in_dim3A_639 : vector<16xf32>
          %swap3A_679 = arith.constant 0 : i32
          %swap3A_680 = arith.index_cast %swap3A_679 : i32 to index
          %swap3A_681 = arith.index_cast %add3A_631 : i32 to index
          %swap3A_682 = arith.constant 48 : index
          %swap3A_683 = tpu.vector_load %arg12[%swap3A_680, %swap3A_681, %swap3A_682] {strides = array<i32>} : memref<2x80x128xf32, #tpu.memory_space<vmem>>, vector<16xf32>,
          tpu.vector_store %arg12[%swap3A_680, %swap3A_681, %swap3A_682], %mul3A_678 {strides = array<i32>} : memref<2x80x128xf32, #tpu.memory_space<vmem>>, vector<16xf32>,
          %get3A_684 = arith.constant 0 : i32
          %get3A_685 = arith.index_cast %get3A_684 : i32 to index
          %get3A_686 = arith.index_cast %add3A_631 : i32 to index
          %get3A_687 = arith.constant 64 : index
          %get3A_688 = tpu.vector_load %arg12[%get3A_685, %get3A_686, %get3A_687] {strides = array<i32>} : memref<2x80x128xf32, #tpu.memory_space<vmem>>, vector<16xf32>,
          %mul3A_689 = arith.mulf %get3A_688, %broadcast_in_dim3A_639 : vector<16xf32>
          %swap3A_690 = arith.constant 0 : i32
          %swap3A_691 = arith.index_cast %swap3A_690 : i32 to index
          %swap3A_692 = arith.index_cast %add3A_631 : i32 to index
          %swap3A_693 = arith.constant 64 : index
          %swap3A_694 = tpu.vector_load %arg12[%swap3A_691, %swap3A_692, %swap3A_693] {strides = array<i32>} : memref<2x80x128xf32, #tpu.memory_space<vmem>>, vector<16xf32>,
          tpu.vector_store %arg12[%swap3A_691, %swap3A_692, %swap3A_693], %mul3A_689 {strides = array<i32>} : memref<2x80x128xf32, #tpu.memory_space<vmem>>, vector<16xf32>,
          %get3A_695 = arith.constant 0 : i32
          %get3A_696 = arith.index_cast %get3A_695 : i32 to index
          %get3A_697 = arith.index_cast %add3A_631 : i32 to index
          %get3A_698 = arith.constant 80 : index
          %get3A_699 = tpu.vector_load %arg12[%get3A_696, %get3A_697, %get3A_698] {strides = array<i32>} : memref<2x80x128xf32, #tpu.memory_space<vmem>>, vector<16xf32>,
          %mul3A_700 = arith.mulf %get3A_699, %broadcast_in_dim3A_639 : vector<16xf32>
          %swap3A_701 = arith.constant 0 : i32
          %swap3A_702 = arith.index_cast %swap3A_701 : i32 to index
          %swap3A_703 = arith.index_cast %add3A_631 : i32 to index
          %swap3A_704 = arith.constant 80 : index
          %swap3A_705 = tpu.vector_load %arg12[%swap3A_702, %swap3A_703, %swap3A_704] {strides = array<i32>} : memref<2x80x128xf32, #tpu.memory_space<vmem>>, vector<16xf32>,
          tpu.vector_store %arg12[%swap3A_702, %swap3A_703, %swap3A_704], %mul3A_700 {strides = array<i32>} : memref<2x80x128xf32, #tpu.memory_space<vmem>>, vector<16xf32>,
          %get3A_706 = arith.constant 0 : i32
          %get3A_707 = arith.index_cast %get3A_706 : i32 to index
          %get3A_708 = arith.index_cast %add3A_631 : i32 to index
          %get3A_709 = arith.constant 96 : index
          %get3A_710 = tpu.vector_load %arg12[%get3A_707, %get3A_708, %get3A_709] {strides = array<i32>} : memref<2x80x128xf32, #tpu.memory_space<vmem>>, vector<16xf32>,
          %mul3A_711 = arith.mulf %get3A_710, %broadcast_in_dim3A_639 : vector<16xf32>
          %swap3A_712 = arith.constant 0 : i32
          %swap3A_713 = arith.index_cast %swap3A_712 : i32 to index
          %swap3A_714 = arith.index_cast %add3A_631 : i32 to index
          %swap3A_715 = arith.constant 96 : index
          %swap3A_716 = tpu.vector_load %arg12[%swap3A_713, %swap3A_714, %swap3A_715] {strides = array<i32>} : memref<2x80x128xf32, #tpu.memory_space<vmem>>, vector<16xf32>,
          tpu.vector_store %arg12[%swap3A_713, %swap3A_714, %swap3A_715], %mul3A_711 {strides = array<i32>} : memref<2x80x128xf32, #tpu.memory_space<vmem>>, vector<16xf32>,
          %get3A_717 = arith.constant 0 : i32
          %get3A_718 = arith.index_cast %get3A_717 : i32 to index
          %get3A_719 = arith.index_cast %add3A_631 : i32 to index
          %get3A_720 = arith.constant 112 : index
          %get3A_721 = tpu.vector_load %arg12[%get3A_718, %get3A_719, %get3A_720] {strides = array<i32>} : memref<2x80x128xf32, #tpu.memory_space<vmem>>, vector<16xf32>,
          %mul3A_722 = arith.mulf %get3A_721, %broadcast_in_dim3A_639 : vector<16xf32>
          %swap3A_723 = arith.constant 0 : i32
          %swap3A_724 = arith.index_cast %swap3A_723 : i32 to index
          %swap3A_725 = arith.index_cast %add3A_631 : i32 to index
          %swap3A_726 = arith.constant 112 : index
          %swap3A_727 = tpu.vector_load %arg12[%swap3A_724, %swap3A_725, %swap3A_726] {strides = array<i32>} : memref<2x80x128xf32, #tpu.memory_space<vmem>>, vector<16xf32>,
          tpu.vector_store %arg12[%swap3A_724, %swap3A_725, %swap3A_726], %mul3A_722 {strides = array<i32>} : memref<2x80x128xf32, #tpu.memory_space<vmem>>, vector<16xf32>,
        }
        %scan3A_385 = arith.constant 40 : i32
        %run_scoped3A_386 = arith.constant 0 : i32
        %run_scoped3A_387 = arith.constant 0 : i32
        "tpu.region"() ({
          %run_scoped3A_529 = tpu.sem_alloc : memref<!tpu.dma_semaphore, #tpu.memory_space<semaphore_mem>>
          %dma_start3A_530 = arith.constant 0 : i32
          %dma_start3A_531 = arith.constant 0 : i32
          %dma_start3A_532 = tpu.memref_slice %arg12[%run_scoped3A_386, %dma_start3A_530, %dma_start3A_531] : memref<2x80x128xf32, #tpu.memory_space<vmem>> -> memref<1x80x128xf32, #tpu.memory_space<vmem>>
          %dma_start3A_533 = tpu.memref_squeeze %dma_start3A_532 : memref<1x80x128xf32, #tpu.memory_space<vmem>> -> memref<80x128xf32, #tpu.memory_space<vmem>>
          %dma_start3A_534 = arith.constant 0 : i32
          %dma_start3A_535 = tpu.memref_slice %arg11[%run_scoped3A_387, %dma_start3A_534] : memref<2x80xi32, #tpu.memory_space<vmem>> -> memref<1x80xi32, #tpu.memory_space<vmem>>
          %dma_start3A_536 = tpu.memref_squeeze %dma_start3A_535 : memref<1x80xi32, #tpu.memory_space<vmem>> -> memref<80xi32, #tpu.memory_space<vmem>>
          %dma_start3A_537 = arith.constant 0 : i32
          %dma_start3A_538 = arith.constant 0 : i32
          %dma_start3A_539 = tpu.memref_slice %arg14[%dma_start3A_537, %dma_start3A_538] : memref<10240x128xf32, #tpu.memory_space<vmem_shared>> -> memref<10240x128xf32, #tpu.memory_space<vmem_shared>>
          tpu.enqueue_indirect_dma source(%dma_start3A_533 : memref<80x128xf32, #tpu.memory_space<vmem>>) target(%dma_start3A_539 : memref<10240x128xf32, #tpu.memory_space<vmem_shared>>) offsets(%dma_start3A_536 : memref<80xi32, #tpu.memory_space<vmem>>) semaphore(%run_scoped3A_529 : memref<!tpu.dma_semaphore, #tpu.memory_space<semaphore_mem>>) {add = true}
          %dma_wait3A_540 = arith.constant 0 : i32
          %dma_wait3A_541 = arith.constant 0 : i32
          %dma_wait3A_542 = tpu.memref_slice %arg12[%run_scoped3A_386, %dma_wait3A_540, %dma_wait3A_541] : memref<2x80x128xf32, #tpu.memory_space<vmem>> -> memref<1x80x128xf32, #tpu.memory_space<vmem>>
          %dma_wait3A_543 = tpu.memref_squeeze %dma_wait3A_542 : memref<1x80x128xf32, #tpu.memory_space<vmem>> -> memref<80x128xf32, #tpu.memory_space<vmem>>
          %dma_wait3A_544 = arith.constant 0 : i32
          %dma_wait3A_545 = tpu.memref_slice %arg11[%run_scoped3A_387, %dma_wait3A_544] : memref<2x80xi32, #tpu.memory_space<vmem>> -> memref<1x80xi32, #tpu.memory_space<vmem>>
          %dma_wait3A_546 = tpu.memref_squeeze %dma_wait3A_545 : memref<1x80xi32, #tpu.memory_space<vmem>> -> memref<80xi32, #tpu.memory_space<vmem>>
          %dma_wait3A_547 = arith.constant 0 : i32
          %dma_wait3A_548 = arith.constant 0 : i32
          %dma_wait3A_549 = tpu.memref_slice %arg14[%dma_wait3A_547, %dma_wait3A_548] : memref<10240x128xf32, #tpu.memory_space<vmem_shared>> -> memref<10240x128xf32, #tpu.memory_space<vmem_shared>>
          tpu.wait_indirect_dma semaphore(%run_scoped3A_529 : memref<!tpu.dma_semaphore, #tpu.memory_space<semaphore_mem>>) src(%dma_wait3A_543 : memref<80x128xf32, #tpu.memory_space<vmem>>) dst(%dma_wait3A_549 : memref<10240x128xf32, #tpu.memory_space<vmem_shared>>)
          tpu.yield
        }) : () -> ()
        %add3A_388 = arith.constant 2 : i32
        %add3A_389 = arith.addi %mul3A_248, %add3A_388 : i32
        %mul3A_390 = arith.constant 80 : i32
        %mul3A_391 = arith.muli %add3A_389, %mul3A_390 : i32
        %add3A_392 = arith.constant 0 : i32
        %add3A_393 = arith.addi %mul3A_391, %add3A_392 : i32
        %get3A_394 = arith.index_cast %add3A_393 : i32 to index
        %get3A_395 = tpu.vector_load %arg8[%get3A_394] {strides = array<i32>} : memref<2016xi32, #tpu.memory_space<vmem>>, vector<16xi32>,
        %add3A_396 = arith.addi %get3A_395, %broadcast_in_dim3A_70 : vector<16xi32>
        %swap3A_397 = arith.constant 0 : i32
        %swap3A_398 = arith.index_cast %swap3A_397 : i32 to index
        %swap3A_399 = arith.constant 0 : index
        %swap3A_400 = tpu.vector_load %arg10[%swap3A_398, %swap3A_399] {strides = array<i32>} : memref<2x80xi32, #tpu.memory_space<vmem>>, vector<16xi32>,
        tpu.vector_store %arg10[%swap3A_398, %swap3A_399], %add3A_396 {strides = array<i32>} : memref<2x80xi32, #tpu.memory_space<vmem>>, vector<16xi32>,
        %mul3A_401 = arith.constant 80 : i32
        %mul3A_402 = arith.muli %add3A_389, %mul3A_401 : i32
        %add3A_403 = arith.constant 0 : i32
        %add3A_404 = arith.addi %mul3A_402, %add3A_403 : i32
        %get3A_405 = arith.index_cast %add3A_404 : i32 to index
        %get3A_406 = tpu.vector_load %arg7[%get3A_405] {strides = array<i32>} : memref<2016xi32, #tpu.memory_space<vmem>>, vector<16xi32>,
        %swap3A_407 = arith.constant 0 : i32
        %swap3A_408 = arith.index_cast %swap3A_407 : i32 to index
        %swap3A_409 = arith.constant 0 : index
        %swap3A_410 = tpu.vector_load %arg11[%swap3A_408, %swap3A_409] {strides = array<i32>} : memref<2x80xi32, #tpu.memory_space<vmem>>, vector<16xi32>,
        tpu.vector_store %arg11[%swap3A_408, %swap3A_409], %get3A_406 {strides = array<i32>} : memref<2x80xi32, #tpu.memory_space<vmem>>, vector<16xi32>,
        %mul3A_411 = arith.constant 80 : i32
        %mul3A_412 = arith.muli %add3A_389, %mul3A_411 : i32
        %add3A_413 = arith.constant 16 : i32
        %add3A_414 = arith.addi %mul3A_412, %add3A_413 : i32
        %get3A_415 = arith.index_cast %add3A_414 : i32 to index
        %get3A_416 = tpu.vector_load %arg8[%get3A_415] {strides = array<i32>} : memref<2016xi32, #tpu.memory_space<vmem>>, vector<16xi32>,
        %add3A_417 = arith.addi %get3A_416, %broadcast_in_dim3A_70 : vector<16xi32>
        %swap3A_418 = arith.constant 0 : i32
        %swap3A_419 = arith.index_cast %swap3A_418 : i32 to index
        %swap3A_420 = arith.constant 16 : index
        %swap3A_421 = tpu.vector_load %arg10[%swap3A_419, %swap3A_420] {strides = array<i32>} : memref<2x80xi32, #tpu.memory_space<vmem>>, vector<16xi32>,
        tpu.vector_store %arg10[%swap3A_419, %swap3A_420], %add3A_417 {strides = array<i32>} : memref<2x80xi32, #tpu.memory_space<vmem>>, vector<16xi32>,
        %mul3A_422 = arith.constant 80 : i32
        %mul3A_423 = arith.muli %add3A_389, %mul3A_422 : i32
        %add3A_424 = arith.constant 16 : i32
        %add3A_425 = arith.addi %mul3A_423, %add3A_424 : i32
        %get3A_426 = arith.index_cast %add3A_425 : i32 to index
        %get3A_427 = tpu.vector_load %arg7[%get3A_426] {strides = array<i32>} : memref<2016xi32, #tpu.memory_space<vmem>>, vector<16xi32>,
        %swap3A_428 = arith.constant 0 : i32
        %swap3A_429 = arith.index_cast %swap3A_428 : i32 to index
        %swap3A_430 = arith.constant 16 : index
        %swap3A_431 = tpu.vector_load %arg11[%swap3A_429, %swap3A_430] {strides = array<i32>} : memref<2x80xi32, #tpu.memory_space<vmem>>, vector<16xi32>,
        tpu.vector_store %arg11[%swap3A_429, %swap3A_430], %get3A_427 {strides = array<i32>} : memref<2x80xi32, #tpu.memory_space<vmem>>, vector<16xi32>,
        %mul3A_432 = arith.constant 80 : i32
        %mul3A_433 = arith.muli %add3A_389, %mul3A_432 : i32
        %add3A_434 = arith.constant 32 : i32
        %add3A_435 = arith.addi %mul3A_433, %add3A_434 : i32
        %get3A_436 = arith.index_cast %add3A_435 : i32 to index
        %get3A_437 = tpu.vector_load %arg8[%get3A_436] {strides = array<i32>} : memref<2016xi32, #tpu.memory_space<vmem>>, vector<16xi32>,
        %add3A_438 = arith.addi %get3A_437, %broadcast_in_dim3A_70 : vector<16xi32>
        %swap3A_439 = arith.constant 0 : i32
        %swap3A_440 = arith.index_cast %swap3A_439 : i32 to index
        %swap3A_441 = arith.constant 32 : index
        %swap3A_442 = tpu.vector_load %arg10[%swap3A_440, %swap3A_441] {strides = array<i32>} : memref<2x80xi32, #tpu.memory_space<vmem>>, vector<16xi32>,
        tpu.vector_store %arg10[%swap3A_440, %swap3A_441], %add3A_438 {strides = array<i32>} : memref<2x80xi32, #tpu.memory_space<vmem>>, vector<16xi32>,
        %mul3A_443 = arith.constant 80 : i32
        %mul3A_444 = arith.muli %add3A_389, %mul3A_443 : i32
        %add3A_445 = arith.constant 32 : i32
        %add3A_446 = arith.addi %mul3A_444, %add3A_445 : i32
        %get3A_447 = arith.index_cast %add3A_446 : i32 to index
        %get3A_448 = tpu.vector_load %arg7[%get3A_447] {strides = array<i32>} : memref<2016xi32, #tpu.memory_space<vmem>>, vector<16xi32>,
        %swap3A_449 = arith.constant 0 : i32
        %swap3A_450 = arith.index_cast %swap3A_449 : i32 to index
        %swap3A_451 = arith.constant 32 : index
        %swap3A_452 = tpu.vector_load %arg11[%swap3A_450, %swap3A_451] {strides = array<i32>} : memref<2x80xi32, #tpu.memory_space<vmem>>, vector<16xi32>,
        tpu.vector_store %arg11[%swap3A_450, %swap3A_451], %get3A_448 {strides = array<i32>} : memref<2x80xi32, #tpu.memory_space<vmem>>, vector<16xi32>,
        %mul3A_453 = arith.constant 80 : i32
        %mul3A_454 = arith.muli %add3A_389, %mul3A_453 : i32
        %add3A_455 = arith.constant 48 : i32
        %add3A_456 = arith.addi %mul3A_454, %add3A_455 : i32
        %get3A_457 = arith.index_cast %add3A_456 : i32 to index
        %get3A_458 = tpu.vector_load %arg8[%get3A_457] {strides = array<i32>} : memref<2016xi32, #tpu.memory_space<vmem>>, vector<16xi32>,
        %add3A_459 = arith.addi %get3A_458, %broadcast_in_dim3A_70 : vector<16xi32>
        %swap3A_460 = arith.constant 0 : i32
        %swap3A_461 = arith.index_cast %swap3A_460 : i32 to index
        %swap3A_462 = arith.constant 48 : index
        %swap3A_463 = tpu.vector_load %arg10[%swap3A_461, %swap3A_462] {strides = array<i32>} : memref<2x80xi32, #tpu.memory_space<vmem>>, vector<16xi32>,
        tpu.vector_store %arg10[%swap3A_461, %swap3A_462], %add3A_459 {strides = array<i32>} : memref<2x80xi32, #tpu.memory_space<vmem>>, vector<16xi32>,
        %mul3A_464 = arith.constant 80 : i32
        %mul3A_465 = arith.muli %add3A_389, %mul3A_464 : i32
        %add3A_466 = arith.constant 48 : i32
        %add3A_467 = arith.addi %mul3A_465, %add3A_466 : i32
        %get3A_468 = arith.index_cast %add3A_467 : i32 to index
        %get3A_469 = tpu.vector_load %arg7[%get3A_468] {strides = array<i32>} : memref<2016xi32, #tpu.memory_space<vmem>>, vector<16xi32>,
        %swap3A_470 = arith.constant 0 : i32
        %swap3A_471 = arith.index_cast %swap3A_470 : i32 to index
        %swap3A_472 = arith.constant 48 : index
        %swap3A_473 = tpu.vector_load %arg11[%swap3A_471, %swap3A_472] {strides = array<i32>} : memref<2x80xi32, #tpu.memory_space<vmem>>, vector<16xi32>,
        tpu.vector_store %arg11[%swap3A_471, %swap3A_472], %get3A_469 {strides = array<i32>} : memref<2x80xi32, #tpu.memory_space<vmem>>, vector<16xi32>,
        %mul3A_474 = arith.constant 80 : i32
        %mul3A_475 = arith.muli %add3A_389, %mul3A_474 : i32
        %add3A_476 = arith.constant 64 : i32
        %add3A_477 = arith.addi %mul3A_475, %add3A_476 : i32
        %get3A_478 = arith.index_cast %add3A_477 : i32 to index
        %get3A_479 = tpu.vector_load %arg8[%get3A_478] {strides = array<i32>} : memref<2016xi32, #tpu.memory_space<vmem>>, vector<16xi32>,
        %add3A_480 = arith.addi %get3A_479, %broadcast_in_dim3A_70 : vector<16xi32>
        %swap3A_481 = arith.constant 0 : i32
        %swap3A_482 = arith.index_cast %swap3A_481 : i32 to index
        %swap3A_483 = arith.constant 64 : index
        %swap3A_484 = tpu.vector_load %arg10[%swap3A_482, %swap3A_483] {strides = array<i32>} : memref<2x80xi32, #tpu.memory_space<vmem>>, vector<16xi32>,
        tpu.vector_store %arg10[%swap3A_482, %swap3A_483], %add3A_480 {strides = array<i32>} : memref<2x80xi32, #tpu.memory_space<vmem>>, vector<16xi32>,
        %mul3A_485 = arith.constant 80 : i32
        %mul3A_486 = arith.muli %add3A_389, %mul3A_485 : i32
        %add3A_487 = arith.constant 64 : i32
        %add3A_488 = arith.addi %mul3A_486, %add3A_487 : i32
        %get3A_489 = arith.index_cast %add3A_488 : i32 to index
        %get3A_490 = tpu.vector_load %arg7[%get3A_489] {strides = array<i32>} : memref<2016xi32, #tpu.memory_space<vmem>>, vector<16xi32>,
        %swap3A_491 = arith.constant 0 : i32
        %swap3A_492 = arith.index_cast %swap3A_491 : i32 to index
        %swap3A_493 = arith.constant 64 : index
        %swap3A_494 = tpu.vector_load %arg11[%swap3A_492, %swap3A_493] {strides = array<i32>} : memref<2x80xi32, #tpu.memory_space<vmem>>, vector<16xi32>,
        tpu.vector_store %arg11[%swap3A_492, %swap3A_493], %get3A_490 {strides = array<i32>} : memref<2x80xi32, #tpu.memory_space<vmem>>, vector<16xi32>,
        %dma_start3A_495 = arith.constant 0 : i32
        %dma_start3A_496 = arith.constant 0 : i32
        %dma_start3A_497 = arith.constant 0 : i32
        %dma_start3A_498 = arith.constant 0 : i32
        %dma_start3A_499 = tpu.memref_slice %arg12[%dma_start3A_496, %dma_start3A_497, %dma_start3A_498] : memref<2x80x128xf32, #tpu.memory_space<vmem>> -> memref<1x80x128xf32, #tpu.memory_space<vmem>>
        %dma_start3A_500 = tpu.memref_squeeze %dma_start3A_499 : memref<1x80x128xf32, #tpu.memory_space<vmem>> -> memref<80x128xf32, #tpu.memory_space<vmem>>
        %dma_start3A_501 = arith.constant 0 : i32
        %dma_start3A_502 = tpu.memref_slice %arg10[%dma_start3A_495, %dma_start3A_501] : memref<2x80xi32, #tpu.memory_space<vmem>> -> memref<1x80xi32, #tpu.memory_space<vmem>>
        %dma_start3A_503 = tpu.memref_squeeze %dma_start3A_502 : memref<1x80xi32, #tpu.memory_space<vmem>> -> memref<80xi32, #tpu.memory_space<vmem>>
        %dma_start3A_504 = arith.constant 0 : i32
        %dma_start3A_505 = arith.constant 0 : i32
        %dma_start3A_506 = tpu.memref_slice %arg5[%dma_start3A_504, %dma_start3A_505] : memref<30000x128xf32, #tpu.memory_space<hbm>> -> memref<30000x128xf32, #tpu.memory_space<hbm>>
        tpu.enqueue_indirect_dma source(%dma_start3A_506 : memref<30000x128xf32, #tpu.memory_space<hbm>>) target(%dma_start3A_500 : memref<80x128xf32, #tpu.memory_space<vmem>>) offsets(%dma_start3A_503 : memref<80xi32, #tpu.memory_space<vmem>>) semaphore(%arg16 : memref<!tpu.dma_semaphore, #tpu.memory_space<semaphore_mem>>)
        %add3A_507 = arith.constant 1 : i32
        %add3A_508 = arith.addi %mul3A_248, %add3A_507 : i32
        %dma_wait3A_509 = arith.constant 1 : i32
        %dma_wait3A_510 = arith.constant 1 : i32
        %dma_wait3A_511 = arith.constant 0 : i32
        %dma_wait3A_512 = arith.constant 0 : i32
        %dma_wait3A_513 = tpu.memref_slice %arg12[%dma_wait3A_510, %dma_wait3A_511, %dma_wait3A_512] : memref<2x80x128xf32, #tpu.memory_space<vmem>> -> memref<1x80x128xf32, #tpu.memory_space<vmem>>
        %dma_wait3A_514 = tpu.memref_squeeze %dma_wait3A_513 : memref<1x80x128xf32, #tpu.memory_space<vmem>> -> memref<80x128xf32, #tpu.memory_space<vmem>>
        %dma_wait3A_515 = arith.constant 0 : i32
        %dma_wait3A_516 = tpu.memref_slice %arg10[%dma_wait3A_509, %dma_wait3A_515] : memref<2x80xi32, #tpu.memory_space<vmem>> -> memref<1x80xi32, #tpu.memory_space<vmem>>
        %dma_wait3A_517 = tpu.memref_squeeze %dma_wait3A_516 : memref<1x80xi32, #tpu.memory_space<vmem>> -> memref<80xi32, #tpu.memory_space<vmem>>
        %dma_wait3A_518 = arith.constant 0 : i32
        %dma_wait3A_519 = arith.constant 0 : i32
        %dma_wait3A_520 = tpu.memref_slice %arg5[%dma_wait3A_518, %dma_wait3A_519] : memref<30000x128xf32, #tpu.memory_space<hbm>> -> memref<30000x128xf32, #tpu.memory_space<hbm>>
        tpu.wait_indirect_dma semaphore(%arg17 : memref<!tpu.dma_semaphore, #tpu.memory_space<semaphore_mem>>) src(%dma_wait3A_520 : memref<30000x128xf32, #tpu.memory_space<hbm>>) dst(%dma_wait3A_514 : memref<80x128xf32, #tpu.memory_space<vmem>>)
        %scan3A_521 = arith.constant 0 : i32
        %scan3A_522 = arith.constant 0 : i32
        %scan3A_523 = arith.constant 40 : i32
        %scan3A_524 = arith.addi %scan3A_522, %scan3A_523 : i32
        %scan3A_525 = arith.constant 1 : i32
        scf.for %scan3A_529 = %scan3A_522 to %scan3A_524 step %scan3A_525  : i32 {
          %mul3A_530 = arith.constant 2 : i32
          %mul3A_531 = arith.muli %scan3A_529, %mul3A_530 : i32
          %add3A_532 = arith.constant 0 : i32
          %add3A_533 = arith.addi %mul3A_531, %add3A_532 : i32
          %mul3A_534 = arith.constant 80 : i32
          %mul3A_535 = arith.muli %add3A_508, %mul3A_534 : i32
          %add3A_536 = arith.addi %mul3A_535, %add3A_533 : i32
          %get3A_537 = arith.index_cast %add3A_536 : i32 to index
          %get3A_538 = tpu.vector_load %arg9[%get3A_537] {strides = array<i32>} : memref<2016xf32, #tpu.memory_space<vmem>>, vector<16xf32>,
          %slice3A = vector.extract_strided_slice %get3A_538 {offsets = [0], sizes = [1], strides = [1]} : vector<16xf32> to vector<1xf32>
          %squeeze3A = vector.extract %slice3A[0] : f32 from vector<1xf32>
          %broadcast_in_dim3A_539 = vector.broadcast %squeeze3A : f32 to vector<16xf32>
          %get3A_540 = arith.constant 1 : i32
          %get3A_541 = arith.index_cast %get3A_540 : i32 to index
          %get3A_542 = arith.index_cast %add3A_533 : i32 to index
          %get3A_543 = arith.constant 0 : index
          %get3A_544 = tpu.vector_load %arg12[%get3A_541, %get3A_542, %get3A_543] {strides = array<i32>} : memref<2x80x128xf32, #tpu.memory_space<vmem>>, vector<16xf32>,
          %mul3A_545 = arith.mulf %get3A_544, %broadcast_in_dim3A_539 : vector<16xf32>
          %swap3A_546 = arith.constant 1 : i32
          %swap3A_547 = arith.index_cast %swap3A_546 : i32 to index
          %swap3A_548 = arith.index_cast %add3A_533 : i32 to index
          %swap3A_549 = arith.constant 0 : index
          %swap3A_550 = tpu.vector_load %arg12[%swap3A_547, %swap3A_548, %swap3A_549] {strides = array<i32>} : memref<2x80x128xf32, #tpu.memory_space<vmem>>, vector<16xf32>,
          tpu.vector_store %arg12[%swap3A_547, %swap3A_548, %swap3A_549], %mul3A_545 {strides = array<i32>} : memref<2x80x128xf32, #tpu.memory_space<vmem>>, vector<16xf32>,
          %get3A_551 = arith.constant 1 : i32
          %get3A_552 = arith.index_cast %get3A_551 : i32 to index
          %get3A_553 = arith.index_cast %add3A_533 : i32 to index
          %get3A_554 = arith.constant 16 : index
          %get3A_555 = tpu.vector_load %arg12[%get3A_552, %get3A_553, %get3A_554] {strides = array<i32>} : memref<2x80x128xf32, #tpu.memory_space<vmem>>, vector<16xf32>,
          %mul3A_556 = arith.mulf %get3A_555, %broadcast_in_dim3A_539 : vector<16xf32>
          %swap3A_557 = arith.constant 1 : i32
          %swap3A_558 = arith.index_cast %swap3A_557 : i32 to index
          %swap3A_559 = arith.index_cast %add3A_533 : i32 to index
          %swap3A_560 = arith.constant 16 : index
          %swap3A_561 = tpu.vector_load %arg12[%swap3A_558, %swap3A_559, %swap3A_560] {strides = array<i32>} : memref<2x80x128xf32, #tpu.memory_space<vmem>>, vector<16xf32>,
          tpu.vector_store %arg12[%swap3A_558, %swap3A_559, %swap3A_560], %mul3A_556 {strides = array<i32>} : memref<2x80x128xf32, #tpu.memory_space<vmem>>, vector<16xf32>,
          %get3A_562 = arith.constant 1 : i32
          %get3A_563 = arith.index_cast %get3A_562 : i32 to index
          %get3A_564 = arith.index_cast %add3A_533 : i32 to index
          %get3A_565 = arith.constant 32 : index
          %get3A_566 = tpu.vector_load %arg12[%get3A_563, %get3A_564, %get3A_565] {strides = array<i32>} : memref<2x80x128xf32, #tpu.memory_space<vmem>>, vector<16xf32>,
          %mul3A_567 = arith.mulf %get3A_566, %broadcast_in_dim3A_539 : vector<16xf32>
          %swap3A_568 = arith.constant 1 : i32
          %swap3A_569 = arith.index_cast %swap3A_568 : i32 to index
          %swap3A_570 = arith.index_cast %add3A_533 : i32 to index
          %swap3A_571 = arith.constant 32 : index
          %swap3A_572 = tpu.vector_load %arg12[%swap3A_569, %swap3A_570, %swap3A_571] {strides = array<i32>} : memref<2x80x128xf32, #tpu.memory_space<vmem>>, vector<16xf32>,
          tpu.vector_store %arg12[%swap3A_569, %swap3A_570, %swap3A_571], %mul3A_567 {strides = array<i32>} : memref<2x80x128xf32, #tpu.memory_space<vmem>>, vector<16xf32>,
          %get3A_573 = arith.constant 1 : i32
          %get3A_574 = arith.index_cast %get3A_573 : i32 to index
          %get3A_575 = arith.index_cast %add3A_533 : i32 to index
          %get3A_576 = arith.constant 48 : index
          %get3A_577 = tpu.vector_load %arg12[%get3A_574, %get3A_575, %get3A_576] {strides = array<i32>} : memref<2x80x128xf32, #tpu.memory_space<vmem>>, vector<16xf32>,
          %mul3A_578 = arith.mulf %get3A_577, %broadcast_in_dim3A_539 : vector<16xf32>
          %swap3A_579 = arith.constant 1 : i32
          %swap3A_580 = arith.index_cast %swap3A_579 : i32 to index
          %swap3A_581 = arith.index_cast %add3A_533 : i32 to index
          %swap3A_582 = arith.constant 48 : index
          %swap3A_583 = tpu.vector_load %arg12[%swap3A_580, %swap3A_581, %swap3A_582] {strides = array<i32>} : memref<2x80x128xf32, #tpu.memory_space<vmem>>, vector<16xf32>,
          tpu.vector_store %arg12[%swap3A_580, %swap3A_581, %swap3A_582], %mul3A_578 {strides = array<i32>} : memref<2x80x128xf32, #tpu.memory_space<vmem>>, vector<16xf32>,
          %get3A_584 = arith.constant 1 : i32
          %get3A_585 = arith.index_cast %get3A_584 : i32 to index
          %get3A_586 = arith.index_cast %add3A_533 : i32 to index
          %get3A_587 = arith.constant 64 : index
          %get3A_588 = tpu.vector_load %arg12[%get3A_585, %get3A_586, %get3A_587] {strides = array<i32>} : memref<2x80x128xf32, #tpu.memory_space<vmem>>, vector<16xf32>,
          %mul3A_589 = arith.mulf %get3A_588, %broadcast_in_dim3A_539 : vector<16xf32>
          %swap3A_590 = arith.constant 1 : i32
          %swap3A_591 = arith.index_cast %swap3A_590 : i32 to index
          %swap3A_592 = arith.index_cast %add3A_533 : i32 to index
          %swap3A_593 = arith.constant 64 : index
          %swap3A_594 = tpu.vector_load %arg12[%swap3A_591, %swap3A_592, %swap3A_593] {strides = array<i32>} : memref<2x80x128xf32, #tpu.memory_space<vmem>>, vector<16xf32>,
          tpu.vector_store %arg12[%swap3A_591, %swap3A_592, %swap3A_593], %mul3A_589 {strides = array<i32>} : memref<2x80x128xf32, #tpu.memory_space<vmem>>, vector<16xf32>,
          %get3A_595 = arith.constant 1 : i32
          %get3A_596 = arith.index_cast %get3A_595 : i32 to index
          %get3A_597 = arith.index_cast %add3A_533 : i32 to index
          %get3A_598 = arith.constant 80 : index
          %get3A_599 = tpu.vector_load %arg12[%get3A_596, %get3A_597, %get3A_598] {strides = array<i32>} : memref<2x80x128xf32, #tpu.memory_space<vmem>>, vector<16xf32>,
          %mul3A_600 = arith.mulf %get3A_599, %broadcast_in_dim3A_539 : vector<16xf32>
          %swap3A_601 = arith.constant 1 : i32
          %swap3A_602 = arith.index_cast %swap3A_601 : i32 to index
          %swap3A_603 = arith.index_cast %add3A_533 : i32 to index
          %swap3A_604 = arith.constant 80 : index
          %swap3A_605 = tpu.vector_load %arg12[%swap3A_602, %swap3A_603, %swap3A_604] {strides = array<i32>} : memref<2x80x128xf32, #tpu.memory_space<vmem>>, vector<16xf32>,
          tpu.vector_store %arg12[%swap3A_602, %swap3A_603, %swap3A_604], %mul3A_600 {strides = array<i32>} : memref<2x80x128xf32, #tpu.memory_space<vmem>>, vector<16xf32>,
          %get3A_606 = arith.constant 1 : i32
          %get3A_607 = arith.index_cast %get3A_606 : i32 to index
          %get3A_608 = arith.index_cast %add3A_533 : i32 to index
          %get3A_609 = arith.constant 96 : index
          %get3A_610 = tpu.vector_load %arg12[%get3A_607, %get3A_608, %get3A_609] {strides = array<i32>} : memref<2x80x128xf32, #tpu.memory_space<vmem>>, vector<16xf32>,
          %mul3A_611 = arith.mulf %get3A_610, %broadcast_in_dim3A_539 : vector<16xf32>
          %swap3A_612 = arith.constant 1 : i32
          %swap3A_613 = arith.index_cast %swap3A_612 : i32 to index
          %swap3A_614 = arith.index_cast %add3A_533 : i32 to index
          %swap3A_615 = arith.constant 96 : index
          %swap3A_616 = tpu.vector_load %arg12[%swap3A_613, %swap3A_614, %swap3A_615] {strides = array<i32>} : memref<2x80x128xf32, #tpu.memory_space<vmem>>, vector<16xf32>,
          tpu.vector_store %arg12[%swap3A_613, %swap3A_614, %swap3A_615], %mul3A_611 {strides = array<i32>} : memref<2x80x128xf32, #tpu.memory_space<vmem>>, vector<16xf32>,
          %get3A_617 = arith.constant 1 : i32
          %get3A_618 = arith.index_cast %get3A_617 : i32 to index
          %get3A_619 = arith.index_cast %add3A_533 : i32 to index
          %get3A_620 = arith.constant 112 : index
          %get3A_621 = tpu.vector_load %arg12[%get3A_618, %get3A_619, %get3A_620] {strides = array<i32>} : memref<2x80x128xf32, #tpu.memory_space<vmem>>, vector<16xf32>,
          %mul3A_622 = arith.mulf %get3A_621, %broadcast_in_dim3A_539 : vector<16xf32>
          %swap3A_623 = arith.constant 1 : i32
          %swap3A_624 = arith.index_cast %swap3A_623 : i32 to index
          %swap3A_625 = arith.index_cast %add3A_533 : i32 to index
          %swap3A_626 = arith.constant 112 : index
          %swap3A_627 = tpu.vector_load %arg12[%swap3A_624, %swap3A_625, %swap3A_626] {strides = array<i32>} : memref<2x80x128xf32, #tpu.memory_space<vmem>>, vector<16xf32>,
          tpu.vector_store %arg12[%swap3A_624, %swap3A_625, %swap3A_626], %mul3A_622 {strides = array<i32>} : memref<2x80x128xf32, #tpu.memory_space<vmem>>, vector<16xf32>,
          %mul3A_628 = arith.constant 2 : i32
          %mul3A_629 = arith.muli %scan3A_529, %mul3A_628 : i32
          %add3A_630 = arith.constant 1 : i32
          %add3A_631 = arith.addi %mul3A_629, %add3A_630 : i32
          %mul3A_632 = arith.constant 80 : i32
          %mul3A_633 = arith.muli %add3A_508, %mul3A_632 : i32
          %add3A_634 = arith.addi %mul3A_633, %add3A_631 : i32
          %get3A_635 = arith.index_cast %add3A_634 : i32 to index
          %get3A_636 = tpu.vector_load %arg9[%get3A_635] {strides = array<i32>} : memref<2016xf32, #tpu.memory_space<vmem>>, vector<16xf32>,
          %slice3A_637 = vector.extract_strided_slice %get3A_636 {offsets = [0], sizes = [1], strides = [1]} : vector<16xf32> to vector<1xf32>
          %squeeze3A_638 = vector.extract %slice3A_637[0] : f32 from vector<1xf32>
          %broadcast_in_dim3A_639 = vector.broadcast %squeeze3A_638 : f32 to vector<16xf32>
          %get3A_640 = arith.constant 1 : i32
          %get3A_641 = arith.index_cast %get3A_640 : i32 to index
          %get3A_642 = arith.index_cast %add3A_631 : i32 to index
          %get3A_643 = arith.constant 0 : index
          %get3A_644 = tpu.vector_load %arg12[%get3A_641, %get3A_642, %get3A_643] {strides = array<i32>} : memref<2x80x128xf32, #tpu.memory_space<vmem>>, vector<16xf32>,
          %mul3A_645 = arith.mulf %get3A_644, %broadcast_in_dim3A_639 : vector<16xf32>
          %swap3A_646 = arith.constant 1 : i32
          %swap3A_647 = arith.index_cast %swap3A_646 : i32 to index
          %swap3A_648 = arith.index_cast %add3A_631 : i32 to index
          %swap3A_649 = arith.constant 0 : index
          %swap3A_650 = tpu.vector_load %arg12[%swap3A_647, %swap3A_648, %swap3A_649] {strides = array<i32>} : memref<2x80x128xf32, #tpu.memory_space<vmem>>, vector<16xf32>,
          tpu.vector_store %arg12[%swap3A_647, %swap3A_648, %swap3A_649], %mul3A_645 {strides = array<i32>} : memref<2x80x128xf32, #tpu.memory_space<vmem>>, vector<16xf32>,
          %get3A_651 = arith.constant 1 : i32
          %get3A_652 = arith.index_cast %get3A_651 : i32 to index
          %get3A_653 = arith.index_cast %add3A_631 : i32 to index
          %get3A_654 = arith.constant 16 : index
          %get3A_655 = tpu.vector_load %arg12[%get3A_652, %get3A_653, %get3A_654] {strides = array<i32>} : memref<2x80x128xf32, #tpu.memory_space<vmem>>, vector<16xf32>,
          %mul3A_656 = arith.mulf %get3A_655, %broadcast_in_dim3A_639 : vector<16xf32>
          %swap3A_657 = arith.constant 1 : i32
          %swap3A_658 = arith.index_cast %swap3A_657 : i32 to index
          %swap3A_659 = arith.index_cast %add3A_631 : i32 to index
          %swap3A_660 = arith.constant 16 : index
          %swap3A_661 = tpu.vector_load %arg12[%swap3A_658, %swap3A_659, %swap3A_660] {strides = array<i32>} : memref<2x80x128xf32, #tpu.memory_space<vmem>>, vector<16xf32>,
          tpu.vector_store %arg12[%swap3A_658, %swap3A_659, %swap3A_660], %mul3A_656 {strides = array<i32>} : memref<2x80x128xf32, #tpu.memory_space<vmem>>, vector<16xf32>,
          %get3A_662 = arith.constant 1 : i32
          %get3A_663 = arith.index_cast %get3A_662 : i32 to index
          %get3A_664 = arith.index_cast %add3A_631 : i32 to index
          %get3A_665 = arith.constant 32 : index
          %get3A_666 = tpu.vector_load %arg12[%get3A_663, %get3A_664, %get3A_665] {strides = array<i32>} : memref<2x80x128xf32, #tpu.memory_space<vmem>>, vector<16xf32>,
          %mul3A_667 = arith.mulf %get3A_666, %broadcast_in_dim3A_639 : vector<16xf32>
          %swap3A_668 = arith.constant 1 : i32
          %swap3A_669 = arith.index_cast %swap3A_668 : i32 to index
          %swap3A_670 = arith.index_cast %add3A_631 : i32 to index
          %swap3A_671 = arith.constant 32 : index
          %swap3A_672 = tpu.vector_load %arg12[%swap3A_669, %swap3A_670, %swap3A_671] {strides = array<i32>} : memref<2x80x128xf32, #tpu.memory_space<vmem>>, vector<16xf32>,
          tpu.vector_store %arg12[%swap3A_669, %swap3A_670, %swap3A_671], %mul3A_667 {strides = array<i32>} : memref<2x80x128xf32, #tpu.memory_space<vmem>>, vector<16xf32>,
          %get3A_673 = arith.constant 1 : i32
          %get3A_674 = arith.index_cast %get3A_673 : i32 to index
          %get3A_675 = arith.index_cast %add3A_631 : i32 to index
          %get3A_676 = arith.constant 48 : index
          %get3A_677 = tpu.vector_load %arg12[%get3A_674, %get3A_675, %get3A_676] {strides = array<i32>} : memref<2x80x128xf32, #tpu.memory_space<vmem>>, vector<16xf32>,
          %mul3A_678 = arith.mulf %get3A_677, %broadcast_in_dim3A_639 : vector<16xf32>
          %swap3A_679 = arith.constant 1 : i32
          %swap3A_680 = arith.index_cast %swap3A_679 : i32 to index
          %swap3A_681 = arith.index_cast %add3A_631 : i32 to index
          %swap3A_682 = arith.constant 48 : index
          %swap3A_683 = tpu.vector_load %arg12[%swap3A_680, %swap3A_681, %swap3A_682] {strides = array<i32>} : memref<2x80x128xf32, #tpu.memory_space<vmem>>, vector<16xf32>,
          tpu.vector_store %arg12[%swap3A_680, %swap3A_681, %swap3A_682], %mul3A_678 {strides = array<i32>} : memref<2x80x128xf32, #tpu.memory_space<vmem>>, vector<16xf32>,
          %get3A_684 = arith.constant 1 : i32
          %get3A_685 = arith.index_cast %get3A_684 : i32 to index
          %get3A_686 = arith.index_cast %add3A_631 : i32 to index
          %get3A_687 = arith.constant 64 : index
          %get3A_688 = tpu.vector_load %arg12[%get3A_685, %get3A_686, %get3A_687] {strides = array<i32>} : memref<2x80x128xf32, #tpu.memory_space<vmem>>, vector<16xf32>,
          %mul3A_689 = arith.mulf %get3A_688, %broadcast_in_dim3A_639 : vector<16xf32>
          %swap3A_690 = arith.constant 1 : i32
          %swap3A_691 = arith.index_cast %swap3A_690 : i32 to index
          %swap3A_692 = arith.index_cast %add3A_631 : i32 to index
          %swap3A_693 = arith.constant 64 : index
          %swap3A_694 = tpu.vector_load %arg12[%swap3A_691, %swap3A_692, %swap3A_693] {strides = array<i32>} : memref<2x80x128xf32, #tpu.memory_space<vmem>>, vector<16xf32>,
          tpu.vector_store %arg12[%swap3A_691, %swap3A_692, %swap3A_693], %mul3A_689 {strides = array<i32>} : memref<2x80x128xf32, #tpu.memory_space<vmem>>, vector<16xf32>,
          %get3A_695 = arith.constant 1 : i32
          %get3A_696 = arith.index_cast %get3A_695 : i32 to index
          %get3A_697 = arith.index_cast %add3A_631 : i32 to index
          %get3A_698 = arith.constant 80 : index
          %get3A_699 = tpu.vector_load %arg12[%get3A_696, %get3A_697, %get3A_698] {strides = array<i32>} : memref<2x80x128xf32, #tpu.memory_space<vmem>>, vector<16xf32>,
          %mul3A_700 = arith.mulf %get3A_699, %broadcast_in_dim3A_639 : vector<16xf32>
          %swap3A_701 = arith.constant 1 : i32
          %swap3A_702 = arith.index_cast %swap3A_701 : i32 to index
          %swap3A_703 = arith.index_cast %add3A_631 : i32 to index
          %swap3A_704 = arith.constant 80 : index
          %swap3A_705 = tpu.vector_load %arg12[%swap3A_702, %swap3A_703, %swap3A_704] {strides = array<i32>} : memref<2x80x128xf32, #tpu.memory_space<vmem>>, vector<16xf32>,
          tpu.vector_store %arg12[%swap3A_702, %swap3A_703, %swap3A_704], %mul3A_700 {strides = array<i32>} : memref<2x80x128xf32, #tpu.memory_space<vmem>>, vector<16xf32>,
          %get3A_706 = arith.constant 1 : i32
          %get3A_707 = arith.index_cast %get3A_706 : i32 to index
          %get3A_708 = arith.index_cast %add3A_631 : i32 to index
          %get3A_709 = arith.constant 96 : index
          %get3A_710 = tpu.vector_load %arg12[%get3A_707, %get3A_708, %get3A_709] {strides = array<i32>} : memref<2x80x128xf32, #tpu.memory_space<vmem>>, vector<16xf32>,
          %mul3A_711 = arith.mulf %get3A_710, %broadcast_in_dim3A_639 : vector<16xf32>
          %swap3A_712 = arith.constant 1 : i32
          %swap3A_713 = arith.index_cast %swap3A_712 : i32 to index
          %swap3A_714 = arith.index_cast %add3A_631 : i32 to index
          %swap3A_715 = arith.constant 96 : index
          %swap3A_716 = tpu.vector_load %arg12[%swap3A_713, %swap3A_714, %swap3A_715] {strides = array<i32>} : memref<2x80x128xf32, #tpu.memory_space<vmem>>, vector<16xf32>,
          tpu.vector_store %arg12[%swap3A_713, %swap3A_714, %swap3A_715], %mul3A_711 {strides = array<i32>} : memref<2x80x128xf32, #tpu.memory_space<vmem>>, vector<16xf32>,
          %get3A_717 = arith.constant 1 : i32
          %get3A_718 = arith.index_cast %get3A_717 : i32 to index
          %get3A_719 = arith.index_cast %add3A_631 : i32 to index
          %get3A_720 = arith.constant 112 : index
          %get3A_721 = tpu.vector_load %arg12[%get3A_718, %get3A_719, %get3A_720] {strides = array<i32>} : memref<2x80x128xf32, #tpu.memory_space<vmem>>, vector<16xf32>,
          %mul3A_722 = arith.mulf %get3A_721, %broadcast_in_dim3A_639 : vector<16xf32>
          %swap3A_723 = arith.constant 1 : i32
          %swap3A_724 = arith.index_cast %swap3A_723 : i32 to index
          %swap3A_725 = arith.index_cast %add3A_631 : i32 to index
          %swap3A_726 = arith.constant 112 : index
          %swap3A_727 = tpu.vector_load %arg12[%swap3A_724, %swap3A_725, %swap3A_726] {strides = array<i32>} : memref<2x80x128xf32, #tpu.memory_space<vmem>>, vector<16xf32>,
          tpu.vector_store %arg12[%swap3A_724, %swap3A_725, %swap3A_726], %mul3A_722 {strides = array<i32>} : memref<2x80x128xf32, #tpu.memory_space<vmem>>, vector<16xf32>,
        }
        %scan3A_526 = arith.constant 40 : i32
        %run_scoped3A_527 = arith.constant 1 : i32
        %run_scoped3A_528 = arith.constant 1 : i32
        "tpu.region"() ({
          %run_scoped3A_529 = tpu.sem_alloc : memref<!tpu.dma_semaphore, #tpu.memory_space<semaphore_mem>>
          %dma_start3A_530 = arith.constant 0 : i32
          %dma_start3A_531 = arith.constant 0 : i32
          %dma_start3A_532 = tpu.memref_slice %arg12[%run_scoped3A_527, %dma_start3A_530, %dma_start3A_531] : memref<2x80x128xf32, #tpu.memory_space<vmem>> -> memref<1x80x128xf32, #tpu.memory_space<vmem>>
          %dma_start3A_533 = tpu.memref_squeeze %dma_start3A_532 : memref<1x80x128xf32, #tpu.memory_space<vmem>> -> memref<80x128xf32, #tpu.memory_space<vmem>>
          %dma_start3A_534 = arith.constant 0 : i32
          %dma_start3A_535 = tpu.memref_slice %arg11[%run_scoped3A_528, %dma_start3A_534] : memref<2x80xi32, #tpu.memory_space<vmem>> -> memref<1x80xi32, #tpu.memory_space<vmem>>
          %dma_start3A_536 = tpu.memref_squeeze %dma_start3A_535 : memref<1x80xi32, #tpu.memory_space<vmem>> -> memref<80xi32, #tpu.memory_space<vmem>>
          %dma_start3A_537 = arith.constant 0 : i32
          %dma_start3A_538 = arith.constant 0 : i32
          %dma_start3A_539 = tpu.memref_slice %arg14[%dma_start3A_537, %dma_start3A_538] : memref<10240x128xf32, #tpu.memory_space<vmem_shared>> -> memref<10240x128xf32, #tpu.memory_space<vmem_shared>>
          tpu.enqueue_indirect_dma source(%dma_start3A_533 : memref<80x128xf32, #tpu.memory_space<vmem>>) target(%dma_start3A_539 : memref<10240x128xf32, #tpu.memory_space<vmem_shared>>) offsets(%dma_start3A_536 : memref<80xi32, #tpu.memory_space<vmem>>) semaphore(%run_scoped3A_529 : memref<!tpu.dma_semaphore, #tpu.memory_space<semaphore_mem>>) {add = true}
          %dma_wait3A_540 = arith.constant 0 : i32
          %dma_wait3A_541 = arith.constant 0 : i32
          %dma_wait3A_542 = tpu.memref_slice %arg12[%run_scoped3A_527, %dma_wait3A_540, %dma_wait3A_541] : memref<2x80x128xf32, #tpu.memory_space<vmem>> -> memref<1x80x128xf32, #tpu.memory_space<vmem>>
          %dma_wait3A_543 = tpu.memref_squeeze %dma_wait3A_542 : memref<1x80x128xf32, #tpu.memory_space<vmem>> -> memref<80x128xf32, #tpu.memory_space<vmem>>
          %dma_wait3A_544 = arith.constant 0 : i32
          %dma_wait3A_545 = tpu.memref_slice %arg11[%run_scoped3A_528, %dma_wait3A_544] : memref<2x80xi32, #tpu.memory_space<vmem>> -> memref<1x80xi32, #tpu.memory_space<vmem>>
          %dma_wait3A_546 = tpu.memref_squeeze %dma_wait3A_545 : memref<1x80xi32, #tpu.memory_space<vmem>> -> memref<80xi32, #tpu.memory_space<vmem>>
          %dma_wait3A_547 = arith.constant 0 : i32
          %dma_wait3A_548 = arith.constant 0 : i32
          %dma_wait3A_549 = tpu.memref_slice %arg14[%dma_wait3A_547, %dma_wait3A_548] : memref<10240x128xf32, #tpu.memory_space<vmem_shared>> -> memref<10240x128xf32, #tpu.memory_space<vmem_shared>>
          tpu.wait_indirect_dma semaphore(%run_scoped3A_529 : memref<!tpu.dma_semaphore, #tpu.memory_space<semaphore_mem>>) src(%dma_wait3A_543 : memref<80x128xf32, #tpu.memory_space<vmem>>) dst(%dma_wait3A_549 : memref<10240x128xf32, #tpu.memory_space<vmem_shared>>)
          tpu.yield
        }) : () -> ()
      }
      %scan3A_226 = arith.constant 12 : i32
      %dma_wait3A_227 = arith.constant 0 : i32
      %dma_wait3A_228 = arith.constant 0 : i32
      %dma_wait3A_229 = arith.constant 0 : i32
      %dma_wait3A_230 = arith.constant 0 : i32
      %dma_wait3A_231 = tpu.memref_slice %arg12[%dma_wait3A_228, %dma_wait3A_229, %dma_wait3A_230] : memref<2x80x128xf32, #tpu.memory_space<vmem>> -> memref<1x80x128xf32, #tpu.memory_space<vmem>>
      %dma_wait3A_232 = tpu.memref_squeeze %dma_wait3A_231 : memref<1x80x128xf32, #tpu.memory_space<vmem>> -> memref<80x128xf32, #tpu.memory_space<vmem>>
      %dma_wait3A_233 = arith.constant 0 : i32
      %dma_wait3A_234 = tpu.memref_slice %arg10[%dma_wait3A_227, %dma_wait3A_233] : memref<2x80xi32, #tpu.memory_space<vmem>> -> memref<1x80xi32, #tpu.memory_space<vmem>>
      %dma_wait3A_235 = tpu.memref_squeeze %dma_wait3A_234 : memref<1x80xi32, #tpu.memory_space<vmem>> -> memref<80xi32, #tpu.memory_space<vmem>>
      %dma_wait3A_236 = arith.constant 0 : i32
      %dma_wait3A_237 = arith.constant 0 : i32
      %dma_wait3A_238 = tpu.memref_slice %arg5[%dma_wait3A_236, %dma_wait3A_237] : memref<30000x128xf32, #tpu.memory_space<hbm>> -> memref<30000x128xf32, #tpu.memory_space<hbm>>
      tpu.wait_indirect_dma semaphore(%arg16 : memref<!tpu.dma_semaphore, #tpu.memory_space<semaphore_mem>>) src(%dma_wait3A_238 : memref<30000x128xf32, #tpu.memory_space<hbm>>) dst(%dma_wait3A_232 : memref<80x128xf32, #tpu.memory_space<vmem>>)
      %scan3A_239 = arith.constant 0 : i32
      %scan3A_240 = arith.constant 0 : i32
      %scan3A_241 = arith.constant 40 : i32
      %scan3A_242 = arith.addi %scan3A_240, %scan3A_241 : i32
      %scan3A_243 = arith.constant 1 : i32
      scf.for %scan3A_246 = %scan3A_240 to %scan3A_242 step %scan3A_243  : i32 {
        %mul3A_247 = arith.constant 2 : i32
        %mul3A_248 = arith.muli %scan3A_246, %mul3A_247 : i32
        %add3A_249 = arith.constant 0 : i32
        %add3A_250 = arith.addi %mul3A_248, %add3A_249 : i32
        %add3A_251 = arith.constant 1920 : i32
        %add3A_252 = arith.addi %add3A_251, %add3A_250 : i32
        %get3A_253 = arith.index_cast %add3A_252 : i32 to index
        %get3A_254 = tpu.vector_load %arg9[%get3A_253] {strides = array<i32>} : memref<2016xf32, #tpu.memory_space<vmem>>, vector<16xf32>,
        %slice3A = vector.extract_strided_slice %get3A_254 {offsets = [0], sizes = [1], strides = [1]} : vector<16xf32> to vector<1xf32>
        %squeeze3A = vector.extract %slice3A[0] : f32 from vector<1xf32>
        %broadcast_in_dim3A_255 = vector.broadcast %squeeze3A : f32 to vector<16xf32>
        %get3A_256 = arith.constant 0 : i32
        %get3A_257 = arith.index_cast %get3A_256 : i32 to index
        %get3A_258 = arith.index_cast %add3A_250 : i32 to index
        %get3A_259 = arith.constant 0 : index
        %get3A_260 = tpu.vector_load %arg12[%get3A_257, %get3A_258, %get3A_259] {strides = array<i32>} : memref<2x80x128xf32, #tpu.memory_space<vmem>>, vector<16xf32>,
        %mul3A_261 = arith.mulf %get3A_260, %broadcast_in_dim3A_255 : vector<16xf32>
        %swap3A_262 = arith.constant 0 : i32
        %swap3A_263 = arith.index_cast %swap3A_262 : i32 to index
        %swap3A_264 = arith.index_cast %add3A_250 : i32 to index
        %swap3A_265 = arith.constant 0 : index
        %swap3A_266 = tpu.vector_load %arg12[%swap3A_263, %swap3A_264, %swap3A_265] {strides = array<i32>} : memref<2x80x128xf32, #tpu.memory_space<vmem>>, vector<16xf32>,
        tpu.vector_store %arg12[%swap3A_263, %swap3A_264, %swap3A_265], %mul3A_261 {strides = array<i32>} : memref<2x80x128xf32, #tpu.memory_space<vmem>>, vector<16xf32>,
        %get3A_267 = arith.constant 0 : i32
        %get3A_268 = arith.index_cast %get3A_267 : i32 to index
        %get3A_269 = arith.index_cast %add3A_250 : i32 to index
        %get3A_270 = arith.constant 16 : index
        %get3A_271 = tpu.vector_load %arg12[%get3A_268, %get3A_269, %get3A_270] {strides = array<i32>} : memref<2x80x128xf32, #tpu.memory_space<vmem>>, vector<16xf32>,
        %mul3A_272 = arith.mulf %get3A_271, %broadcast_in_dim3A_255 : vector<16xf32>
        %swap3A_273 = arith.constant 0 : i32
        %swap3A_274 = arith.index_cast %swap3A_273 : i32 to index
        %swap3A_275 = arith.index_cast %add3A_250 : i32 to index
        %swap3A_276 = arith.constant 16 : index
        %swap3A_277 = tpu.vector_load %arg12[%swap3A_274, %swap3A_275, %swap3A_276] {strides = array<i32>} : memref<2x80x128xf32, #tpu.memory_space<vmem>>, vector<16xf32>,
        tpu.vector_store %arg12[%swap3A_274, %swap3A_275, %swap3A_276], %mul3A_272 {strides = array<i32>} : memref<2x80x128xf32, #tpu.memory_space<vmem>>, vector<16xf32>,
        %get3A_278 = arith.constant 0 : i32
        %get3A_279 = arith.index_cast %get3A_278 : i32 to index
        %get3A_280 = arith.index_cast %add3A_250 : i32 to index
        %get3A_281 = arith.constant 32 : index
        %get3A_282 = tpu.vector_load %arg12[%get3A_279, %get3A_280, %get3A_281] {strides = array<i32>} : memref<2x80x128xf32, #tpu.memory_space<vmem>>, vector<16xf32>,
        %mul3A_283 = arith.mulf %get3A_282, %broadcast_in_dim3A_255 : vector<16xf32>
        %swap3A_284 = arith.constant 0 : i32
        %swap3A_285 = arith.index_cast %swap3A_284 : i32 to index
        %swap3A_286 = arith.index_cast %add3A_250 : i32 to index
        %swap3A_287 = arith.constant 32 : index
        %swap3A_288 = tpu.vector_load %arg12[%swap3A_285, %swap3A_286, %swap3A_287] {strides = array<i32>} : memref<2x80x128xf32, #tpu.memory_space<vmem>>, vector<16xf32>,
        tpu.vector_store %arg12[%swap3A_285, %swap3A_286, %swap3A_287], %mul3A_283 {strides = array<i32>} : memref<2x80x128xf32, #tpu.memory_space<vmem>>, vector<16xf32>,
        %get3A_289 = arith.constant 0 : i32
        %get3A_290 = arith.index_cast %get3A_289 : i32 to index
        %get3A_291 = arith.index_cast %add3A_250 : i32 to index
        %get3A_292 = arith.constant 48 : index
        %get3A_293 = tpu.vector_load %arg12[%get3A_290, %get3A_291, %get3A_292] {strides = array<i32>} : memref<2x80x128xf32, #tpu.memory_space<vmem>>, vector<16xf32>,
        %mul3A_294 = arith.mulf %get3A_293, %broadcast_in_dim3A_255 : vector<16xf32>
        %swap3A_295 = arith.constant 0 : i32
        %swap3A_296 = arith.index_cast %swap3A_295 : i32 to index
        %swap3A_297 = arith.index_cast %add3A_250 : i32 to index
        %swap3A_298 = arith.constant 48 : index
        %swap3A_299 = tpu.vector_load %arg12[%swap3A_296, %swap3A_297, %swap3A_298] {strides = array<i32>} : memref<2x80x128xf32, #tpu.memory_space<vmem>>, vector<16xf32>,
        tpu.vector_store %arg12[%swap3A_296, %swap3A_297, %swap3A_298], %mul3A_294 {strides = array<i32>} : memref<2x80x128xf32, #tpu.memory_space<vmem>>, vector<16xf32>,
        %get3A_300 = arith.constant 0 : i32
        %get3A_301 = arith.index_cast %get3A_300 : i32 to index
        %get3A_302 = arith.index_cast %add3A_250 : i32 to index
        %get3A_303 = arith.constant 64 : index
        %get3A_304 = tpu.vector_load %arg12[%get3A_301, %get3A_302, %get3A_303] {strides = array<i32>} : memref<2x80x128xf32, #tpu.memory_space<vmem>>, vector<16xf32>,
        %mul3A_305 = arith.mulf %get3A_304, %broadcast_in_dim3A_255 : vector<16xf32>
        %swap3A_306 = arith.constant 0 : i32
        %swap3A_307 = arith.index_cast %swap3A_306 : i32 to index
        %swap3A_308 = arith.index_cast %add3A_250 : i32 to index
        %swap3A_309 = arith.constant 64 : index
        %swap3A_310 = tpu.vector_load %arg12[%swap3A_307, %swap3A_308, %swap3A_309] {strides = array<i32>} : memref<2x80x128xf32, #tpu.memory_space<vmem>>, vector<16xf32>,
        tpu.vector_store %arg12[%swap3A_307, %swap3A_308, %swap3A_309], %mul3A_305 {strides = array<i32>} : memref<2x80x128xf32, #tpu.memory_space<vmem>>, vector<16xf32>,
        %get3A_311 = arith.constant 0 : i32
        %get3A_312 = arith.index_cast %get3A_311 : i32 to index
        %get3A_313 = arith.index_cast %add3A_250 : i32 to index
        %get3A_314 = arith.constant 80 : index
        %get3A_315 = tpu.vector_load %arg12[%get3A_312, %get3A_313, %get3A_314] {strides = array<i32>} : memref<2x80x128xf32, #tpu.memory_space<vmem>>, vector<16xf32>,
        %mul3A_316 = arith.mulf %get3A_315, %broadcast_in_dim3A_255 : vector<16xf32>
        %swap3A_317 = arith.constant 0 : i32
        %swap3A_318 = arith.index_cast %swap3A_317 : i32 to index
        %swap3A_319 = arith.index_cast %add3A_250 : i32 to index
        %swap3A_320 = arith.constant 80 : index
        %swap3A_321 = tpu.vector_load %arg12[%swap3A_318, %swap3A_319, %swap3A_320] {strides = array<i32>} : memref<2x80x128xf32, #tpu.memory_space<vmem>>, vector<16xf32>,
        tpu.vector_store %arg12[%swap3A_318, %swap3A_319, %swap3A_320], %mul3A_316 {strides = array<i32>} : memref<2x80x128xf32, #tpu.memory_space<vmem>>, vector<16xf32>,
        %get3A_322 = arith.constant 0 : i32
        %get3A_323 = arith.index_cast %get3A_322 : i32 to index
        %get3A_324 = arith.index_cast %add3A_250 : i32 to index
        %get3A_325 = arith.constant 96 : index
        %get3A_326 = tpu.vector_load %arg12[%get3A_323, %get3A_324, %get3A_325] {strides = array<i32>} : memref<2x80x128xf32, #tpu.memory_space<vmem>>, vector<16xf32>,
        %mul3A_327 = arith.mulf %get3A_326, %broadcast_in_dim3A_255 : vector<16xf32>
        %swap3A_328 = arith.constant 0 : i32
        %swap3A_329 = arith.index_cast %swap3A_328 : i32 to index
        %swap3A_330 = arith.index_cast %add3A_250 : i32 to index
        %swap3A_331 = arith.constant 96 : index
        %swap3A_332 = tpu.vector_load %arg12[%swap3A_329, %swap3A_330, %swap3A_331] {strides = array<i32>} : memref<2x80x128xf32, #tpu.memory_space<vmem>>, vector<16xf32>,
        tpu.vector_store %arg12[%swap3A_329, %swap3A_330, %swap3A_331], %mul3A_327 {strides = array<i32>} : memref<2x80x128xf32, #tpu.memory_space<vmem>>, vector<16xf32>,
        %get3A_333 = arith.constant 0 : i32
        %get3A_334 = arith.index_cast %get3A_333 : i32 to index
        %get3A_335 = arith.index_cast %add3A_250 : i32 to index
        %get3A_336 = arith.constant 112 : index
        %get3A_337 = tpu.vector_load %arg12[%get3A_334, %get3A_335, %get3A_336] {strides = array<i32>} : memref<2x80x128xf32, #tpu.memory_space<vmem>>, vector<16xf32>,
        %mul3A_338 = arith.mulf %get3A_337, %broadcast_in_dim3A_255 : vector<16xf32>
        %swap3A_339 = arith.constant 0 : i32
        %swap3A_340 = arith.index_cast %swap3A_339 : i32 to index
        %swap3A_341 = arith.index_cast %add3A_250 : i32 to index
        %swap3A_342 = arith.constant 112 : index
        %swap3A_343 = tpu.vector_load %arg12[%swap3A_340, %swap3A_341, %swap3A_342] {strides = array<i32>} : memref<2x80x128xf32, #tpu.memory_space<vmem>>, vector<16xf32>,
        tpu.vector_store %arg12[%swap3A_340, %swap3A_341, %swap3A_342], %mul3A_338 {strides = array<i32>} : memref<2x80x128xf32, #tpu.memory_space<vmem>>, vector<16xf32>,
        %mul3A_344 = arith.constant 2 : i32
        %mul3A_345 = arith.muli %scan3A_246, %mul3A_344 : i32
        %add3A_346 = arith.constant 1 : i32
        %add3A_347 = arith.addi %mul3A_345, %add3A_346 : i32
        %add3A_348 = arith.constant 1920 : i32
        %add3A_349 = arith.addi %add3A_348, %add3A_347 : i32
        %get3A_350 = arith.index_cast %add3A_349 : i32 to index
        %get3A_351 = tpu.vector_load %arg9[%get3A_350] {strides = array<i32>} : memref<2016xf32, #tpu.memory_space<vmem>>, vector<16xf32>,
        %slice3A_352 = vector.extract_strided_slice %get3A_351 {offsets = [0], sizes = [1], strides = [1]} : vector<16xf32> to vector<1xf32>
        %squeeze3A_353 = vector.extract %slice3A_352[0] : f32 from vector<1xf32>
        %broadcast_in_dim3A_354 = vector.broadcast %squeeze3A_353 : f32 to vector<16xf32>
        %get3A_355 = arith.constant 0 : i32
        %get3A_356 = arith.index_cast %get3A_355 : i32 to index
        %get3A_357 = arith.index_cast %add3A_347 : i32 to index
        %get3A_358 = arith.constant 0 : index
        %get3A_359 = tpu.vector_load %arg12[%get3A_356, %get3A_357, %get3A_358] {strides = array<i32>} : memref<2x80x128xf32, #tpu.memory_space<vmem>>, vector<16xf32>,
        %mul3A_360 = arith.mulf %get3A_359, %broadcast_in_dim3A_354 : vector<16xf32>
        %swap3A_361 = arith.constant 0 : i32
        %swap3A_362 = arith.index_cast %swap3A_361 : i32 to index
        %swap3A_363 = arith.index_cast %add3A_347 : i32 to index
        %swap3A_364 = arith.constant 0 : index
        %swap3A_365 = tpu.vector_load %arg12[%swap3A_362, %swap3A_363, %swap3A_364] {strides = array<i32>} : memref<2x80x128xf32, #tpu.memory_space<vmem>>, vector<16xf32>,
        tpu.vector_store %arg12[%swap3A_362, %swap3A_363, %swap3A_364], %mul3A_360 {strides = array<i32>} : memref<2x80x128xf32, #tpu.memory_space<vmem>>, vector<16xf32>,
        %get3A_366 = arith.constant 0 : i32
        %get3A_367 = arith.index_cast %get3A_366 : i32 to index
        %get3A_368 = arith.index_cast %add3A_347 : i32 to index
        %get3A_369 = arith.constant 16 : index
        %get3A_370 = tpu.vector_load %arg12[%get3A_367, %get3A_368, %get3A_369] {strides = array<i32>} : memref<2x80x128xf32, #tpu.memory_space<vmem>>, vector<16xf32>,
        %mul3A_371 = arith.mulf %get3A_370, %broadcast_in_dim3A_354 : vector<16xf32>
        %swap3A_372 = arith.constant 0 : i32
        %swap3A_373 = arith.index_cast %swap3A_372 : i32 to index
        %swap3A_374 = arith.index_cast %add3A_347 : i32 to index
        %swap3A_375 = arith.constant 16 : index
        %swap3A_376 = tpu.vector_load %arg12[%swap3A_373, %swap3A_374, %swap3A_375] {strides = array<i32>} : memref<2x80x128xf32, #tpu.memory_space<vmem>>, vector<16xf32>,
        tpu.vector_store %arg12[%swap3A_373, %swap3A_374, %swap3A_375], %mul3A_371 {strides = array<i32>} : memref<2x80x128xf32, #tpu.memory_space<vmem>>, vector<16xf32>,
        %get3A_377 = arith.constant 0 : i32
        %get3A_378 = arith.index_cast %get3A_377 : i32 to index
        %get3A_379 = arith.index_cast %add3A_347 : i32 to index
        %get3A_380 = arith.constant 32 : index
        %get3A_381 = tpu.vector_load %arg12[%get3A_378, %get3A_379, %get3A_380] {strides = array<i32>} : memref<2x80x128xf32, #tpu.memory_space<vmem>>, vector<16xf32>,
        %mul3A_382 = arith.mulf %get3A_381, %broadcast_in_dim3A_354 : vector<16xf32>
        %swap3A_383 = arith.constant 0 : i32
        %swap3A_384 = arith.index_cast %swap3A_383 : i32 to index
        %swap3A_385 = arith.index_cast %add3A_347 : i32 to index
        %swap3A_386 = arith.constant 32 : index
        %swap3A_387 = tpu.vector_load %arg12[%swap3A_384, %swap3A_385, %swap3A_386] {strides = array<i32>} : memref<2x80x128xf32, #tpu.memory_space<vmem>>, vector<16xf32>,
        tpu.vector_store %arg12[%swap3A_384, %swap3A_385, %swap3A_386], %mul3A_382 {strides = array<i32>} : memref<2x80x128xf32, #tpu.memory_space<vmem>>, vector<16xf32>,
        %get3A_388 = arith.constant 0 : i32
        %get3A_389 = arith.index_cast %get3A_388 : i32 to index
        %get3A_390 = arith.index_cast %add3A_347 : i32 to index
        %get3A_391 = arith.constant 48 : index
        %get3A_392 = tpu.vector_load %arg12[%get3A_389, %get3A_390, %get3A_391] {strides = array<i32>} : memref<2x80x128xf32, #tpu.memory_space<vmem>>, vector<16xf32>,
        %mul3A_393 = arith.mulf %get3A_392, %broadcast_in_dim3A_354 : vector<16xf32>
        %swap3A_394 = arith.constant 0 : i32
        %swap3A_395 = arith.index_cast %swap3A_394 : i32 to index
        %swap3A_396 = arith.index_cast %add3A_347 : i32 to index
        %swap3A_397 = arith.constant 48 : index
        %swap3A_398 = tpu.vector_load %arg12[%swap3A_395, %swap3A_396, %swap3A_397] {strides = array<i32>} : memref<2x80x128xf32, #tpu.memory_space<vmem>>, vector<16xf32>,
        tpu.vector_store %arg12[%swap3A_395, %swap3A_396, %swap3A_397], %mul3A_393 {strides = array<i32>} : memref<2x80x128xf32, #tpu.memory_space<vmem>>, vector<16xf32>,
        %get3A_399 = arith.constant 0 : i32
        %get3A_400 = arith.index_cast %get3A_399 : i32 to index
        %get3A_401 = arith.index_cast %add3A_347 : i32 to index
        %get3A_402 = arith.constant 64 : index
        %get3A_403 = tpu.vector_load %arg12[%get3A_400, %get3A_401, %get3A_402] {strides = array<i32>} : memref<2x80x128xf32, #tpu.memory_space<vmem>>, vector<16xf32>,
        %mul3A_404 = arith.mulf %get3A_403, %broadcast_in_dim3A_354 : vector<16xf32>
        %swap3A_405 = arith.constant 0 : i32
        %swap3A_406 = arith.index_cast %swap3A_405 : i32 to index
        %swap3A_407 = arith.index_cast %add3A_347 : i32 to index
        %swap3A_408 = arith.constant 64 : index
        %swap3A_409 = tpu.vector_load %arg12[%swap3A_406, %swap3A_407, %swap3A_408] {strides = array<i32>} : memref<2x80x128xf32, #tpu.memory_space<vmem>>, vector<16xf32>,
        tpu.vector_store %arg12[%swap3A_406, %swap3A_407, %swap3A_408], %mul3A_404 {strides = array<i32>} : memref<2x80x128xf32, #tpu.memory_space<vmem>>, vector<16xf32>,
        %get3A_410 = arith.constant 0 : i32
        %get3A_411 = arith.index_cast %get3A_410 : i32 to index
        %get3A_412 = arith.index_cast %add3A_347 : i32 to index
        %get3A_413 = arith.constant 80 : index
        %get3A_414 = tpu.vector_load %arg12[%get3A_411, %get3A_412, %get3A_413] {strides = array<i32>} : memref<2x80x128xf32, #tpu.memory_space<vmem>>, vector<16xf32>,
        %mul3A_415 = arith.mulf %get3A_414, %broadcast_in_dim3A_354 : vector<16xf32>
        %swap3A_416 = arith.constant 0 : i32
        %swap3A_417 = arith.index_cast %swap3A_416 : i32 to index
        %swap3A_418 = arith.index_cast %add3A_347 : i32 to index
        %swap3A_419 = arith.constant 80 : index
        %swap3A_420 = tpu.vector_load %arg12[%swap3A_417, %swap3A_418, %swap3A_419] {strides = array<i32>} : memref<2x80x128xf32, #tpu.memory_space<vmem>>, vector<16xf32>,
        tpu.vector_store %arg12[%swap3A_417, %swap3A_418, %swap3A_419], %mul3A_415 {strides = array<i32>} : memref<2x80x128xf32, #tpu.memory_space<vmem>>, vector<16xf32>,
        %get3A_421 = arith.constant 0 : i32
        %get3A_422 = arith.index_cast %get3A_421 : i32 to index
        %get3A_423 = arith.index_cast %add3A_347 : i32 to index
        %get3A_424 = arith.constant 96 : index
        %get3A_425 = tpu.vector_load %arg12[%get3A_422, %get3A_423, %get3A_424] {strides = array<i32>} : memref<2x80x128xf32, #tpu.memory_space<vmem>>, vector<16xf32>,
        %mul3A_426 = arith.mulf %get3A_425, %broadcast_in_dim3A_354 : vector<16xf32>
        %swap3A_427 = arith.constant 0 : i32
        %swap3A_428 = arith.index_cast %swap3A_427 : i32 to index
        %swap3A_429 = arith.index_cast %add3A_347 : i32 to index
        %swap3A_430 = arith.constant 96 : index
        %swap3A_431 = tpu.vector_load %arg12[%swap3A_428, %swap3A_429, %swap3A_430] {strides = array<i32>} : memref<2x80x128xf32, #tpu.memory_space<vmem>>, vector<16xf32>,
        tpu.vector_store %arg12[%swap3A_428, %swap3A_429, %swap3A_430], %mul3A_426 {strides = array<i32>} : memref<2x80x128xf32, #tpu.memory_space<vmem>>, vector<16xf32>,
        %get3A_432 = arith.constant 0 : i32
        %get3A_433 = arith.index_cast %get3A_432 : i32 to index
        %get3A_434 = arith.index_cast %add3A_347 : i32 to index
        %get3A_435 = arith.constant 112 : index
        %get3A_436 = tpu.vector_load %arg12[%get3A_433, %get3A_434, %get3A_435] {strides = array<i32>} : memref<2x80x128xf32, #tpu.memory_space<vmem>>, vector<16xf32>,
        %mul3A_437 = arith.mulf %get3A_436, %broadcast_in_dim3A_354 : vector<16xf32>
        %swap3A_438 = arith.constant 0 : i32
        %swap3A_439 = arith.index_cast %swap3A_438 : i32 to index
        %swap3A_440 = arith.index_cast %add3A_347 : i32 to index
        %swap3A_441 = arith.constant 112 : index
        %swap3A_442 = tpu.vector_load %arg12[%swap3A_439, %swap3A_440, %swap3A_441] {strides = array<i32>} : memref<2x80x128xf32, #tpu.memory_space<vmem>>, vector<16xf32>,
        tpu.vector_store %arg12[%swap3A_439, %swap3A_440, %swap3A_441], %mul3A_437 {strides = array<i32>} : memref<2x80x128xf32, #tpu.memory_space<vmem>>, vector<16xf32>,
      }
      %scan3A_244 = arith.constant 40 : i32
      %run_scoped3A = arith.constant 0 : i32
      %run_scoped3A_245 = arith.constant 0 : i32
      "tpu.region"() ({
        %run_scoped3A_246 = tpu.sem_alloc : memref<!tpu.dma_semaphore, #tpu.memory_space<semaphore_mem>>
        %dma_start3A_247 = arith.constant 0 : i32
        %dma_start3A_248 = arith.constant 0 : i32
        %dma_start3A_249 = tpu.memref_slice %arg12[%run_scoped3A, %dma_start3A_247, %dma_start3A_248] : memref<2x80x128xf32, #tpu.memory_space<vmem>> -> memref<1x80x128xf32, #tpu.memory_space<vmem>>
        %dma_start3A_250 = tpu.memref_squeeze %dma_start3A_249 : memref<1x80x128xf32, #tpu.memory_space<vmem>> -> memref<80x128xf32, #tpu.memory_space<vmem>>
        %dma_start3A_251 = arith.constant 0 : i32
        %dma_start3A_252 = tpu.memref_slice %arg11[%run_scoped3A_245, %dma_start3A_251] : memref<2x80xi32, #tpu.memory_space<vmem>> -> memref<1x80xi32, #tpu.memory_space<vmem>>
        %dma_start3A_253 = tpu.memref_squeeze %dma_start3A_252 : memref<1x80xi32, #tpu.memory_space<vmem>> -> memref<80xi32, #tpu.memory_space<vmem>>
        %dma_start3A_254 = arith.constant 0 : i32
        %dma_start3A_255 = arith.constant 0 : i32
        %dma_start3A_256 = tpu.memref_slice %arg14[%dma_start3A_254, %dma_start3A_255] : memref<10240x128xf32, #tpu.memory_space<vmem_shared>> -> memref<10240x128xf32, #tpu.memory_space<vmem_shared>>
        tpu.enqueue_indirect_dma source(%dma_start3A_250 : memref<80x128xf32, #tpu.memory_space<vmem>>) target(%dma_start3A_256 : memref<10240x128xf32, #tpu.memory_space<vmem_shared>>) offsets(%dma_start3A_253 : memref<80xi32, #tpu.memory_space<vmem>>) semaphore(%run_scoped3A_246 : memref<!tpu.dma_semaphore, #tpu.memory_space<semaphore_mem>>) {add = true}
        %dma_wait3A_257 = arith.constant 0 : i32
        %dma_wait3A_258 = arith.constant 0 : i32
        %dma_wait3A_259 = tpu.memref_slice %arg12[%run_scoped3A, %dma_wait3A_257, %dma_wait3A_258] : memref<2x80x128xf32, #tpu.memory_space<vmem>> -> memref<1x80x128xf32, #tpu.memory_space<vmem>>
        %dma_wait3A_260 = tpu.memref_squeeze %dma_wait3A_259 : memref<1x80x128xf32, #tpu.memory_space<vmem>> -> memref<80x128xf32, #tpu.memory_space<vmem>>
        %dma_wait3A_261 = arith.constant 0 : i32
        %dma_wait3A_262 = tpu.memref_slice %arg11[%run_scoped3A_245, %dma_wait3A_261] : memref<2x80xi32, #tpu.memory_space<vmem>> -> memref<1x80xi32, #tpu.memory_space<vmem>>
        %dma_wait3A_263 = tpu.memref_squeeze %dma_wait3A_262 : memref<1x80xi32, #tpu.memory_space<vmem>> -> memref<80xi32, #tpu.memory_space<vmem>>
        %dma_wait3A_264 = arith.constant 0 : i32
        %dma_wait3A_265 = arith.constant 0 : i32
        %dma_wait3A_266 = tpu.memref_slice %arg14[%dma_wait3A_264, %dma_wait3A_265] : memref<10240x128xf32, #tpu.memory_space<vmem_shared>> -> memref<10240x128xf32, #tpu.memory_space<vmem_shared>>
        tpu.wait_indirect_dma semaphore(%run_scoped3A_246 : memref<!tpu.dma_semaphore, #tpu.memory_space<semaphore_mem>>) src(%dma_wait3A_260 : memref<80x128xf32, #tpu.memory_space<vmem>>) dst(%dma_wait3A_266 : memref<10240x128xf32, #tpu.memory_space<vmem_shared>>)
        tpu.yield
      }) : () -> ()
    }
    %scan3A_76 = arith.constant 10 : i32
    %barrier3A_77 = arith.constant 0 : index
    tpu.barrier barrier_id(%barrier3A_77)
    %mul3A_78 = arith.constant 640 : i32
    %mul3A_79 = arith.muli %arg1, %mul3A_78 : i32
    %add3A_80 = arith.constant 0 : i32
    %add3A_81 = arith.addi %mul3A_79, %add3A_80 : i32
    %mul3A_82 = arith.constant 10240 : i32
    %mul3A_83 = arith.muli %arg0, %mul3A_82 : i32
    %add3A_84 = arith.addi %mul3A_83, %add3A_81 : i32
    "tpu.region"() ({
      %run_scoped3A = tpu.sem_alloc : memref<!tpu.dma_semaphore, #tpu.memory_space<semaphore_mem>>
      %dma_start3A = arith.constant 0 : i32
      %dma_start3A_106 = tpu.memref_slice %arg6[%add3A_84, %dma_start3A] : memref<20480x128xf32, #tpu.memory_space<hbm>> -> memref<160x128xf32, #tpu.memory_space<hbm>>
      %dma_start3A_107 = arith.constant 0 : i32
      %dma_start3A_108 = tpu.memref_slice %arg14[%add3A_81, %dma_start3A_107] : memref<10240x128xf32, #tpu.memory_space<vmem_shared>> -> memref<160x128xf32, #tpu.memory_space<vmem_shared>>
      tpu.enqueue_dma source(%dma_start3A_108 : memref<160x128xf32, #tpu.memory_space<vmem_shared>>) target(%dma_start3A_106 : memref<160x128xf32, #tpu.memory_space<hbm>>) target_semaphore(%run_scoped3A : memref<!tpu.dma_semaphore, #tpu.memory_space<semaphore_mem>>)
      %dma_wait3A = arith.constant 0 : i32
      %dma_wait3A_109 = tpu.memref_slice %arg6[%add3A_84, %dma_wait3A] : memref<20480x128xf32, #tpu.memory_space<hbm>> -> memref<160x128xf32, #tpu.memory_space<hbm>>
      %dma_wait3A_110 = arith.constant 0 : i32
      %dma_wait3A_111 = tpu.memref_slice %arg14[%add3A_81, %dma_wait3A_110] : memref<10240x128xf32, #tpu.memory_space<vmem_shared>> -> memref<160x128xf32, #tpu.memory_space<vmem_shared>>
      tpu.wait_dma2 semaphore(%run_scoped3A : memref<!tpu.dma_semaphore, #tpu.memory_space<semaphore_mem>>) src(%dma_wait3A_111 : memref<160x128xf32, #tpu.memory_space<vmem_shared>>) dst(%dma_wait3A_109 : memref<160x128xf32, #tpu.memory_space<hbm>>)
      tpu.yield
    }) : () -> ()
    %mul3A_85 = arith.constant 640 : i32
    %mul3A_86 = arith.muli %arg1, %mul3A_85 : i32
    %add3A_87 = arith.constant 160 : i32
    %add3A_88 = arith.addi %mul3A_86, %add3A_87 : i32
    %mul3A_89 = arith.constant 10240 : i32
    %mul3A_90 = arith.muli %arg0, %mul3A_89 : i32
    %add3A_91 = arith.addi %mul3A_90, %add3A_88 : i32
    "tpu.region"() ({
      %run_scoped3A = tpu.sem_alloc : memref<!tpu.dma_semaphore, #tpu.memory_space<semaphore_mem>>
      %dma_start3A = arith.constant 0 : i32
      %dma_start3A_106 = tpu.memref_slice %arg6[%add3A_91, %dma_start3A] : memref<20480x128xf32, #tpu.memory_space<hbm>> -> memref<160x128xf32, #tpu.memory_space<hbm>>
      %dma_start3A_107 = arith.constant 0 : i32
      %dma_start3A_108 = tpu.memref_slice %arg14[%add3A_88, %dma_start3A_107] : memref<10240x128xf32, #tpu.memory_space<vmem_shared>> -> memref<160x128xf32, #tpu.memory_space<vmem_shared>>
      tpu.enqueue_dma source(%dma_start3A_108 : memref<160x128xf32, #tpu.memory_space<vmem_shared>>) target(%dma_start3A_106 : memref<160x128xf32, #tpu.memory_space<hbm>>) target_semaphore(%run_scoped3A : memref<!tpu.dma_semaphore, #tpu.memory_space<semaphore_mem>>)
      %dma_wait3A = arith.constant 0 : i32
      %dma_wait3A_109 = tpu.memref_slice %arg6[%add3A_91, %dma_wait3A] : memref<20480x128xf32, #tpu.memory_space<hbm>> -> memref<160x128xf32, #tpu.memory_space<hbm>>
      %dma_wait3A_110 = arith.constant 0 : i32
      %dma_wait3A_111 = tpu.memref_slice %arg14[%add3A_88, %dma_wait3A_110] : memref<10240x128xf32, #tpu.memory_space<vmem_shared>> -> memref<160x128xf32, #tpu.memory_space<vmem_shared>>
      tpu.wait_dma2 semaphore(%run_scoped3A : memref<!tpu.dma_semaphore, #tpu.memory_space<semaphore_mem>>) src(%dma_wait3A_111 : memref<160x128xf32, #tpu.memory_space<vmem_shared>>) dst(%dma_wait3A_109 : memref<160x128xf32, #tpu.memory_space<hbm>>)
      tpu.yield
    }) : () -> ()
    %mul3A_92 = arith.constant 640 : i32
    %mul3A_93 = arith.muli %arg1, %mul3A_92 : i32
    %add3A_94 = arith.constant 320 : i32
    %add3A_95 = arith.addi %mul3A_93, %add3A_94 : i32
    %mul3A_96 = arith.constant 10240 : i32
    %mul3A_97 = arith.muli %arg0, %mul3A_96 : i32
    %add3A_98 = arith.addi %mul3A_97, %add3A_95 : i32
    "tpu.region"() ({
      %run_scoped3A = tpu.sem_alloc : memref<!tpu.dma_semaphore, #tpu.memory_space<semaphore_mem>>
      %dma_start3A = arith.constant 0 : i32
      %dma_start3A_106 = tpu.memref_slice %arg6[%add3A_98, %dma_start3A] : memref<20480x128xf32, #tpu.memory_space<hbm>> -> memref<160x128xf32, #tpu.memory_space<hbm>>
      %dma_start3A_107 = arith.constant 0 : i32
      %dma_start3A_108 = tpu.memref_slice %arg14[%add3A_95, %dma_start3A_107] : memref<10240x128xf32, #tpu.memory_space<vmem_shared>> -> memref<160x128xf32, #tpu.memory_space<vmem_shared>>
      tpu.enqueue_dma source(%dma_start3A_108 : memref<160x128xf32, #tpu.memory_space<vmem_shared>>) target(%dma_start3A_106 : memref<160x128xf32, #tpu.memory_space<hbm>>) target_semaphore(%run_scoped3A : memref<!tpu.dma_semaphore, #tpu.memory_space<semaphore_mem>>)
      %dma_wait3A = arith.constant 0 : i32
      %dma_wait3A_109 = tpu.memref_slice %arg6[%add3A_98, %dma_wait3A] : memref<20480x128xf32, #tpu.memory_space<hbm>> -> memref<160x128xf32, #tpu.memory_space<hbm>>
      %dma_wait3A_110 = arith.constant 0 : i32
      %dma_wait3A_111 = tpu.memref_slice %arg14[%add3A_95, %dma_wait3A_110] : memref<10240x128xf32, #tpu.memory_space<vmem_shared>> -> memref<160x128xf32, #tpu.memory_space<vmem_shared>>
      tpu.wait_dma2 semaphore(%run_scoped3A : memref<!tpu.dma_semaphore, #tpu.memory_space<semaphore_mem>>) src(%dma_wait3A_111 : memref<160x128xf32, #tpu.memory_space<vmem_shared>>) dst(%dma_wait3A_109 : memref<160x128xf32, #tpu.memory_space<hbm>>)
      tpu.yield
    }) : () -> ()
    %mul3A_99 = arith.constant 640 : i32
    %mul3A_100 = arith.muli %arg1, %mul3A_99 : i32
    %add3A_101 = arith.constant 480 : i32
    %add3A_102 = arith.addi %mul3A_100, %add3A_101 : i32
    %mul3A_103 = arith.constant 10240 : i32
    %mul3A_104 = arith.muli %arg0, %mul3A_103 : i32
    %add3A_105 = arith.addi %mul3A_104, %add3A_102 : i32
    "tpu.region"() ({
      %run_scoped3A = tpu.sem_alloc : memref<!tpu.dma_semaphore, #tpu.memory_space<semaphore_mem>>
      %dma_start3A = arith.constant 0 : i32
      %dma_start3A_106 = tpu.memref_slice %arg6[%add3A_105, %dma_start3A] : memref<20480x128xf32, #tpu.memory_space<hbm>> -> memref<160x128xf32, #tpu.memory_space<hbm>>
      %dma_start3A_107 = arith.constant 0 : i32
      %dma_start3A_108 = tpu.memref_slice %arg14[%add3A_102, %dma_start3A_107] : memref<10240x128xf32, #tpu.memory_space<vmem_shared>> -> memref<160x128xf32, #tpu.memory_space<vmem_shared>>
      tpu.enqueue_dma source(%dma_start3A_108 : memref<160x128xf32, #tpu.memory_space<vmem_shared>>) target(%dma_start3A_106 : memref<160x128xf32, #tpu.memory_space<hbm>>) target_semaphore(%run_scoped3A : memref<!tpu.dma_semaphore, #tpu.memory_space<semaphore_mem>>)
      %dma_wait3A = arith.constant 0 : i32
      %dma_wait3A_109 = tpu.memref_slice %arg6[%add3A_105, %dma_wait3A] : memref<20480x128xf32, #tpu.memory_space<hbm>> -> memref<160x128xf32, #tpu.memory_space<hbm>>
      %dma_wait3A_110 = arith.constant 0 : i32
      %dma_wait3A_111 = tpu.memref_slice %arg14[%add3A_102, %dma_wait3A_110] : memref<10240x128xf32, #tpu.memory_space<vmem_shared>> -> memref<160x128xf32, #tpu.memory_space<vmem_shared>>
      tpu.wait_dma2 semaphore(%run_scoped3A : memref<!tpu.dma_semaphore, #tpu.memory_space<semaphore_mem>>) src(%dma_wait3A_111 : memref<160x128xf32, #tpu.memory_space<vmem_shared>>) dst(%dma_wait3A_109 : memref<160x128xf32, #tpu.memory_space<hbm>>)
      tpu.yield
    }) : () -> ()
    return
  }
}

module attributes {stable_mosaic.version = 14 : i64} {
  func.func @_tables_body(%arg0: i32, %arg1: memref<400x128xf32, #tpu.memory_space<vmem>>, %arg2: memref<2x128x128xf32, #tpu.memory_space<vmem>>, %arg3: memref<8x128xf32, #tpu.memory_space<vmem>>, %arg4: memref<3x400x128xf32, #tpu.memory_space<vmem>>) attributes {dimension_semantics = [#tpu.dimension_semantics<arbitrary>], iteration_bounds = array<i64: 25>, scalar_prefetch = 0 : i64, scratch_operands = 0 : i64, tpu.core_type = #tpu.core_type<tc>, window_params = [{transform_indices = @transform_0, window_bounds = array<i64: 400, 128>}, {pipeline_mode = #tpu.pipeline_mode<synchronous>, transform_indices = @transform_1, window_bounds = array<i64: 2, 128, 128>}, {pipeline_mode = #tpu.pipeline_mode<synchronous>, transform_indices = @transform_2, window_bounds = array<i64: 8, 128>}, {transform_indices = @transform_3, window_bounds = array<i64: 3, 400, 128>}]} {
    %get3A = arith.constant 0 : index
    %get3A_0 = arith.constant 0 : index
    %get3A_1 = vector.load %arg1[%get3A, %get3A_0] : memref<400x128xf32, #tpu.memory_space<vmem>>, vector<400x128xf32>
    %get3A_2 = arith.constant 0 : index
    %get3A_3 = arith.constant 0 : index
    %get3A_4 = arith.constant 0 : index
    %get3A_5 = vector.load %arg2[%get3A_2, %get3A_3, %get3A_4] : memref<2x128x128xf32, #tpu.memory_space<vmem>>, vector<1x128x128xf32>
    %get3A_6 = vector.shape_cast %get3A_5 : vector<1x128x128xf32> to vector<128x128xf32>
    %dot_general3A = arith.constant dense<0.000000e+00> : vector<400x128xf32>
    %dot_general3A_7 = tpu.matmul %get3A_1, %get3A_6, %dot_general3A {dimension_numbers = #tpu.dot_dimension_numbers<[1], [1], [0], [0], [0, 0, 1, 0], [], []>, transpose_lhs_hint = false} : vector<400x128xf32>, vector<128x128xf32>, vector<400x128xf32> -> vector<400x128xf32>
    %get3A_8 = arith.constant 2 : index
    %get3A_9 = arith.constant 0 : index
    %get3A_10 = vector.load %arg3[%get3A_8, %get3A_9] : memref<8x128xf32, #tpu.memory_space<vmem>>, vector<1x128xf32>
    %add3A = vector.broadcast %get3A_10 : vector<1x128xf32> to vector<400x128xf32>
    %add3A_11 = arith.addf %dot_general3A_7, %add3A : vector<400x128xf32>
    %get3A_12 = arith.constant 1 : index
    %get3A_13 = arith.constant 0 : index
    %get3A_14 = arith.constant 0 : index
    %get3A_15 = vector.load %arg2[%get3A_12, %get3A_13, %get3A_14] : memref<2x128x128xf32, #tpu.memory_space<vmem>>, vector<1x128x128xf32>
    %get3A_16 = vector.shape_cast %get3A_15 : vector<1x128x128xf32> to vector<128x128xf32>
    %dot_general3A_17 = arith.constant dense<0.000000e+00> : vector<400x128xf32>
    %dot_general3A_18 = tpu.matmul %get3A_1, %get3A_16, %dot_general3A_17 {dimension_numbers = #tpu.dot_dimension_numbers<[1], [1], [0], [0], [0, 0, 1, 0], [], []>, transpose_lhs_hint = false} : vector<400x128xf32>, vector<128x128xf32>, vector<400x128xf32> -> vector<400x128xf32>
    %get3A_19 = arith.constant 3 : index
    %get3A_20 = arith.constant 0 : index
    %get3A_21 = vector.load %arg3[%get3A_19, %get3A_20] : memref<8x128xf32, #tpu.memory_space<vmem>>, vector<1x128xf32>
    %add3A_22 = vector.broadcast %get3A_21 : vector<1x128xf32> to vector<400x128xf32>
    %add3A_23 = arith.addf %dot_general3A_18, %add3A_22 : vector<400x128xf32>
    %swap3A = arith.constant 0 : index
    %swap3A_24 = arith.constant 0 : index
    %swap3A_25 = arith.constant 0 : index
    %swap3A_26 = vector.load %arg4[%swap3A, %swap3A_24, %swap3A_25] : memref<3x400x128xf32, #tpu.memory_space<vmem>>, vector<1x400x128xf32>
    %swap3A_27 = vector.shape_cast %swap3A_26 : vector<1x400x128xf32> to vector<400x128xf32>
    %swap3A_28 = vector.shape_cast %get3A_1 : vector<400x128xf32> to vector<1x400x128xf32>
    tpu.vector_store %arg4[%swap3A, %swap3A_24, %swap3A_25], %swap3A_28 {strides = array<i32>} : memref<3x400x128xf32, #tpu.memory_space<vmem>>, vector<1x400x128xf32>,
    %mul3A = arith.mulf %add3A_11, %add3A_11 : vector<400x128xf32>
    %swap3A_29 = arith.constant 1 : index
    %swap3A_30 = arith.constant 0 : index
    %swap3A_31 = arith.constant 0 : index
    %swap3A_32 = vector.load %arg4[%swap3A_29, %swap3A_30, %swap3A_31] : memref<3x400x128xf32, #tpu.memory_space<vmem>>, vector<1x400x128xf32>
    %swap3A_33 = vector.shape_cast %swap3A_32 : vector<1x400x128xf32> to vector<400x128xf32>
    %swap3A_34 = vector.shape_cast %mul3A : vector<400x128xf32> to vector<1x400x128xf32>
    tpu.vector_store %arg4[%swap3A_29, %swap3A_30, %swap3A_31], %swap3A_34 {strides = array<i32>} : memref<3x400x128xf32, #tpu.memory_space<vmem>>, vector<1x400x128xf32>,
    %swap3A_35 = arith.constant 2 : index
    %swap3A_36 = arith.constant 0 : index
    %swap3A_37 = arith.constant 0 : index
    %swap3A_38 = vector.load %arg4[%swap3A_35, %swap3A_36, %swap3A_37] : memref<3x400x128xf32, #tpu.memory_space<vmem>>, vector<1x400x128xf32>
    %swap3A_39 = vector.shape_cast %swap3A_38 : vector<1x400x128xf32> to vector<400x128xf32>
    %swap3A_40 = vector.shape_cast %add3A_23 : vector<400x128xf32> to vector<1x400x128xf32>
    tpu.vector_store %arg4[%swap3A_35, %swap3A_36, %swap3A_37], %swap3A_40 {strides = array<i32>} : memref<3x400x128xf32, #tpu.memory_space<vmem>>, vector<1x400x128xf32>,
    return
  }
  func.func @transform_0(%arg0: i32) -> (i32, i32) {
    %c0_i32 = arith.constant 0 : i32
    %c0_i32_0 = arith.constant 0 : i32
    return %arg0, %c0_i32 : i32, i32
  }
  func.func @transform_1(%arg0: i32) -> (i32, i32, i32) {
    %c0_i32 = arith.constant 0 : i32
    %c0_i32_0 = arith.constant 0 : i32
    %c0_i32_1 = arith.constant 0 : i32
    %c0_i32_2 = arith.constant 0 : i32
    return %c0_i32, %c0_i32_0, %c0_i32_1 : i32, i32, i32
  }
  func.func @transform_2(%arg0: i32) -> (i32, i32) {
    %c0_i32 = arith.constant 0 : i32
    %c0_i32_0 = arith.constant 0 : i32
    %c0_i32_1 = arith.constant 0 : i32
    return %c0_i32, %c0_i32_0 : i32, i32
  }
  func.func @transform_3(%arg0: i32) -> (i32, i32, i32) {
    %c0_i32 = arith.constant 0 : i32
    %c0_i32_0 = arith.constant 0 : i32
    %c0_i32_1 = arith.constant 0 : i32
    return %c0_i32, %arg0, %c0_i32_0 : i32, i32, i32
  }
}

module attributes {stable_mosaic.version = 14 : i64} {
  func.func @_final_body(%arg0: i32, %arg1: memref<400x128xf32, #tpu.memory_space<vmem>>, %arg2: memref<400x128xf32, #tpu.memory_space<vmem>>, %arg3: memref<400x128xf32, #tpu.memory_space<vmem>>, %arg4: memref<400x128xf32, #tpu.memory_space<vmem>>, %arg5: memref<400x2xf32, #tpu.memory_space<vmem>>, %arg6: memref<8x128x128xf32, #tpu.memory_space<vmem>>, %arg7: memref<8x128xf32, #tpu.memory_space<vmem>>, %arg8: memref<400x128xf32, #tpu.memory_space<vmem>>) attributes {dimension_semantics = [#tpu.dimension_semantics<arbitrary>], iteration_bounds = array<i64: 25>, scalar_prefetch = 0 : i64, scratch_operands = 0 : i64, tpu.core_type = #tpu.core_type<tc>, window_params = [{transform_indices = @transform_0, window_bounds = array<i64: 400, 128>}, {transform_indices = @transform_1, window_bounds = array<i64: 400, 128>}, {transform_indices = @transform_2, window_bounds = array<i64: 400, 128>}, {transform_indices = @transform_3, window_bounds = array<i64: 400, 128>}, {transform_indices = @transform_4, window_bounds = array<i64: 400, 2>}, {pipeline_mode = #tpu.pipeline_mode<synchronous>, transform_indices = @transform_5, window_bounds = array<i64: 8, 128, 128>}, {pipeline_mode = #tpu.pipeline_mode<synchronous>, transform_indices = @transform_6, window_bounds = array<i64: 8, 128>}, {transform_indices = @transform_7, window_bounds = array<i64: 400, 128>}]} {
    %get3A = arith.constant 0 : index
    %get3A_0 = arith.constant 0 : index
    %get3A_1 = vector.load %arg1[%get3A, %get3A_0] : memref<400x128xf32, #tpu.memory_space<vmem>>, vector<400x128xf32>
    %get3A_2 = arith.constant 0 : index
    %get3A_3 = arith.constant 0 : index
    %get3A_4 = vector.load %arg2[%get3A_2, %get3A_3] : memref<400x128xf32, #tpu.memory_space<vmem>>, vector<400x128xf32>
    %get3A_5 = arith.constant 0 : index
    %get3A_6 = arith.constant 0 : index
    %get3A_7 = vector.load %arg5[%get3A_5, %get3A_6] : memref<400x2xf32, #tpu.memory_space<vmem>>, vector<400x2xf32>
    %slice3A = vector.extract_strided_slice %get3A_7 {offsets = [0, 0], sizes = [400, 1], strides = [1, 1]} : vector<400x2xf32> to vector<400x1xf32>
    %slice3A_8 = vector.extract_strided_slice %get3A_7 {offsets = [0, 1], sizes = [400, 1], strides = [1, 1]} : vector<400x2xf32> to vector<400x1xf32>
    %max3A = arith.constant 1.000000e+00 : f32
    %max3A_9 = vector.broadcast %max3A : f32 to vector<400x1xf32>
    %max3A_10 = arith.maximumf %slice3A_8, %max3A_9 : vector<400x1xf32>
    %gt3A = arith.constant 0.000000e+00 : f32
    %gt3A_11 = vector.broadcast %gt3A : f32 to vector<400x1xf32>
    %gt3A_12 = arith.cmpf ogt, %slice3A_8, %gt3A_11 : vector<400x1xf32>
    %get3A_13 = arith.constant 0 : index
    %get3A_14 = arith.constant 0 : index
    %get3A_15 = arith.constant 0 : index
    %get3A_16 = vector.load %arg6[%get3A_13, %get3A_14, %get3A_15] : memref<8x128x128xf32, #tpu.memory_space<vmem>>, vector<1x128x128xf32>
    %get3A_17 = vector.shape_cast %get3A_16 : vector<1x128x128xf32> to vector<128x128xf32>
    %dot_general3A = arith.constant dense<0.000000e+00> : vector<400x128xf32>
    %dot_general3A_18 = tpu.matmul %get3A_4, %get3A_17, %dot_general3A {dimension_numbers = #tpu.dot_dimension_numbers<[1], [1], [0], [0], [0, 0, 1, 0], [], []>, transpose_lhs_hint = false} : vector<400x128xf32>, vector<128x128xf32>, vector<400x128xf32> -> vector<400x128xf32>
    %get3A_19 = arith.constant 0 : index
    %get3A_20 = arith.constant 0 : index
    %get3A_21 = vector.load %arg7[%get3A_19, %get3A_20] : memref<8x128xf32, #tpu.memory_space<vmem>>, vector<1x128xf32>
    %mul3A = vector.broadcast %slice3A : vector<400x1xf32> to vector<400x128xf32>
    %mul3A_22 = vector.broadcast %get3A_21 : vector<1x128xf32> to vector<400x128xf32>
    %mul3A_23 = arith.mulf %mul3A, %mul3A_22 : vector<400x128xf32>
    %add3A = arith.addf %dot_general3A_18, %mul3A_23 : vector<400x128xf32>
    %get3A_24 = arith.constant 1 : index
    %get3A_25 = arith.constant 0 : index
    %get3A_26 = arith.constant 0 : index
    %get3A_27 = vector.load %arg6[%get3A_24, %get3A_25, %get3A_26] : memref<8x128x128xf32, #tpu.memory_space<vmem>>, vector<1x128x128xf32>
    %get3A_28 = vector.shape_cast %get3A_27 : vector<1x128x128xf32> to vector<128x128xf32>
    %dot_general3A_29 = arith.constant dense<0.000000e+00> : vector<400x128xf32>
    %dot_general3A_30 = tpu.matmul %get3A_4, %get3A_28, %dot_general3A_29 {dimension_numbers = #tpu.dot_dimension_numbers<[1], [1], [0], [0], [0, 0, 1, 0], [], []>, transpose_lhs_hint = false} : vector<400x128xf32>, vector<128x128xf32>, vector<400x128xf32> -> vector<400x128xf32>
    %get3A_31 = arith.constant 1 : index
    %get3A_32 = arith.constant 0 : index
    %get3A_33 = vector.load %arg7[%get3A_31, %get3A_32] : memref<8x128xf32, #tpu.memory_space<vmem>>, vector<1x128xf32>
    %mul3A_34 = vector.broadcast %slice3A : vector<400x1xf32> to vector<400x128xf32>
    %mul3A_35 = vector.broadcast %get3A_33 : vector<1x128xf32> to vector<400x128xf32>
    %mul3A_36 = arith.mulf %mul3A_34, %mul3A_35 : vector<400x128xf32>
    %add3A_37 = arith.addf %dot_general3A_30, %mul3A_36 : vector<400x128xf32>
    %div3A = vector.broadcast %max3A_10 : vector<400x1xf32> to vector<400x128xf32>
    %div3A_38 = arith.divf %add3A_37, %div3A : vector<400x128xf32>
    %get3A_39 = arith.constant 2 : index
    %get3A_40 = arith.constant 0 : index
    %get3A_41 = arith.constant 0 : index
    %get3A_42 = vector.load %arg6[%get3A_39, %get3A_40, %get3A_41] : memref<8x128x128xf32, #tpu.memory_space<vmem>>, vector<1x128x128xf32>
    %get3A_43 = vector.shape_cast %get3A_42 : vector<1x128x128xf32> to vector<128x128xf32>
    %dot_general3A_44 = arith.constant dense<0.000000e+00> : vector<400x128xf32>
    %dot_general3A_45 = tpu.matmul %get3A_4, %get3A_43, %dot_general3A_44 {dimension_numbers = #tpu.dot_dimension_numbers<[1], [1], [0], [0], [0, 0, 1, 0], [], []>, transpose_lhs_hint = false} : vector<400x128xf32>, vector<128x128xf32>, vector<400x128xf32> -> vector<400x128xf32>
    %get3A_46 = arith.constant 2 : index
    %get3A_47 = arith.constant 0 : index
    %get3A_48 = vector.load %arg7[%get3A_46, %get3A_47] : memref<8x128xf32, #tpu.memory_space<vmem>>, vector<1x128xf32>
    %mul3A_49 = vector.broadcast %slice3A : vector<400x1xf32> to vector<400x128xf32>
    %mul3A_50 = vector.broadcast %get3A_48 : vector<1x128xf32> to vector<400x128xf32>
    %mul3A_51 = arith.mulf %mul3A_49, %mul3A_50 : vector<400x128xf32>
    %add3A_52 = arith.addf %dot_general3A_45, %mul3A_51 : vector<400x128xf32>
    %div3A_53 = vector.broadcast %max3A_10 : vector<400x1xf32> to vector<400x128xf32>
    %div3A_54 = arith.divf %add3A_52, %div3A_53 : vector<400x128xf32>
    %get3A_55 = arith.constant 0 : index
    %get3A_56 = arith.constant 0 : index
    %get3A_57 = vector.load %arg3[%get3A_55, %get3A_56] : memref<400x128xf32, #tpu.memory_space<vmem>>, vector<400x128xf32>
    %div3A_58 = vector.broadcast %max3A_10 : vector<400x1xf32> to vector<400x128xf32>
    %div3A_59 = arith.divf %get3A_57, %div3A_58 : vector<400x128xf32>
    %mul3A_60 = arith.mulf %div3A_54, %div3A_54 : vector<400x128xf32>
    %sub3A = arith.subf %div3A_59, %mul3A_60 : vector<400x128xf32>
    %get3A_61 = arith.constant 0 : index
    %get3A_62 = arith.constant 0 : index
    %get3A_63 = vector.load %arg4[%get3A_61, %get3A_62] : memref<400x128xf32, #tpu.memory_space<vmem>>, vector<400x128xf32>
    %broadcast_in_dim3A = arith.constant 0.000000e+00 : f32
    %broadcast_in_dim3A_64 = vector.broadcast %broadcast_in_dim3A : f32 to vector<400x128xf32>
    %broadcast_in_dim3A_65 = vector.shape_cast %gt3A_12 : vector<400x1xi1> to vector<400x1xi1>
    %broadcast_in_dim3A_66 = vector.broadcast %broadcast_in_dim3A_65 : vector<400x1xi1> to vector<400x128xi1>
    %select_n3A = arith.select %broadcast_in_dim3A_66, %add3A, %broadcast_in_dim3A_64 : vector<400x128xi1>, vector<400x128xf32>
    %broadcast_in_dim3A_67 = vector.shape_cast %gt3A_12 : vector<400x1xi1> to vector<400x1xi1>
    %broadcast_in_dim3A_68 = vector.broadcast %broadcast_in_dim3A_67 : vector<400x1xi1> to vector<400x128xi1>
    %select_n3A_69 = arith.select %broadcast_in_dim3A_68, %div3A_38, %broadcast_in_dim3A_64 : vector<400x128xi1>, vector<400x128xf32>
    %broadcast_in_dim3A_70 = vector.shape_cast %gt3A_12 : vector<400x1xi1> to vector<400x1xi1>
    %broadcast_in_dim3A_71 = vector.broadcast %broadcast_in_dim3A_70 : vector<400x1xi1> to vector<400x128xi1>
    %select_n3A_72 = arith.select %broadcast_in_dim3A_71, %get3A_63, %broadcast_in_dim3A_64 : vector<400x128xi1>, vector<400x128xf32>
    %broadcast_in_dim3A_73 = vector.shape_cast %gt3A_12 : vector<400x1xi1> to vector<400x1xi1>
    %broadcast_in_dim3A_74 = vector.broadcast %broadcast_in_dim3A_73 : vector<400x1xi1> to vector<400x128xi1>
    %select_n3A_75 = arith.select %broadcast_in_dim3A_74, %sub3A, %broadcast_in_dim3A_64 : vector<400x128xi1>, vector<400x128xf32>
    %get3A_76 = arith.constant 3 : index
    %get3A_77 = arith.constant 0 : index
    %get3A_78 = arith.constant 0 : index
    %get3A_79 = vector.load %arg6[%get3A_76, %get3A_77, %get3A_78] : memref<8x128x128xf32, #tpu.memory_space<vmem>>, vector<1x128x128xf32>
    %get3A_80 = vector.shape_cast %get3A_79 : vector<1x128x128xf32> to vector<128x128xf32>
    %dot_general3A_81 = arith.constant dense<0.000000e+00> : vector<400x128xf32>
    %dot_general3A_82 = tpu.matmul %get3A_1, %get3A_80, %dot_general3A_81 {dimension_numbers = #tpu.dot_dimension_numbers<[1], [1], [0], [0], [0, 0, 1, 0], [], []>, transpose_lhs_hint = false} : vector<400x128xf32>, vector<128x128xf32>, vector<400x128xf32> -> vector<400x128xf32>
    %get3A_83 = arith.constant 4 : index
    %get3A_84 = arith.constant 0 : index
    %get3A_85 = arith.constant 0 : index
    %get3A_86 = vector.load %arg6[%get3A_83, %get3A_84, %get3A_85] : memref<8x128x128xf32, #tpu.memory_space<vmem>>, vector<1x128x128xf32>
    %get3A_87 = vector.shape_cast %get3A_86 : vector<1x128x128xf32> to vector<128x128xf32>
    %dot_general3A_88 = arith.constant dense<0.000000e+00> : vector<400x128xf32>
    %dot_general3A_89 = tpu.matmul %select_n3A, %get3A_87, %dot_general3A_88 {dimension_numbers = #tpu.dot_dimension_numbers<[1], [1], [0], [0], [0, 0, 1, 0], [], []>, transpose_lhs_hint = false} : vector<400x128xf32>, vector<128x128xf32>, vector<400x128xf32> -> vector<400x128xf32>
    %add3A_90 = arith.addf %dot_general3A_82, %dot_general3A_89 : vector<400x128xf32>
    %get3A_91 = arith.constant 5 : index
    %get3A_92 = arith.constant 0 : index
    %get3A_93 = arith.constant 0 : index
    %get3A_94 = vector.load %arg6[%get3A_91, %get3A_92, %get3A_93] : memref<8x128x128xf32, #tpu.memory_space<vmem>>, vector<1x128x128xf32>
    %get3A_95 = vector.shape_cast %get3A_94 : vector<1x128x128xf32> to vector<128x128xf32>
    %dot_general3A_96 = arith.constant dense<0.000000e+00> : vector<400x128xf32>
    %dot_general3A_97 = tpu.matmul %select_n3A_69, %get3A_95, %dot_general3A_96 {dimension_numbers = #tpu.dot_dimension_numbers<[1], [1], [0], [0], [0, 0, 1, 0], [], []>, transpose_lhs_hint = false} : vector<400x128xf32>, vector<128x128xf32>, vector<400x128xf32> -> vector<400x128xf32>
    %add3A_98 = arith.addf %add3A_90, %dot_general3A_97 : vector<400x128xf32>
    %get3A_99 = arith.constant 6 : index
    %get3A_100 = arith.constant 0 : index
    %get3A_101 = arith.constant 0 : index
    %get3A_102 = vector.load %arg6[%get3A_99, %get3A_100, %get3A_101] : memref<8x128x128xf32, #tpu.memory_space<vmem>>, vector<1x128x128xf32>
    %get3A_103 = vector.shape_cast %get3A_102 : vector<1x128x128xf32> to vector<128x128xf32>
    %dot_general3A_104 = arith.constant dense<0.000000e+00> : vector<400x128xf32>
    %dot_general3A_105 = tpu.matmul %select_n3A_72, %get3A_103, %dot_general3A_104 {dimension_numbers = #tpu.dot_dimension_numbers<[1], [1], [0], [0], [0, 0, 1, 0], [], []>, transpose_lhs_hint = false} : vector<400x128xf32>, vector<128x128xf32>, vector<400x128xf32> -> vector<400x128xf32>
    %add3A_106 = arith.addf %add3A_98, %dot_general3A_105 : vector<400x128xf32>
    %get3A_107 = arith.constant 7 : index
    %get3A_108 = arith.constant 0 : index
    %get3A_109 = arith.constant 0 : index
    %get3A_110 = vector.load %arg6[%get3A_107, %get3A_108, %get3A_109] : memref<8x128x128xf32, #tpu.memory_space<vmem>>, vector<1x128x128xf32>
    %get3A_111 = vector.shape_cast %get3A_110 : vector<1x128x128xf32> to vector<128x128xf32>
    %dot_general3A_112 = arith.constant dense<0.000000e+00> : vector<400x128xf32>
    %dot_general3A_113 = tpu.matmul %select_n3A_75, %get3A_111, %dot_general3A_112 {dimension_numbers = #tpu.dot_dimension_numbers<[1], [1], [0], [0], [0, 0, 1, 0], [], []>, transpose_lhs_hint = false} : vector<400x128xf32>, vector<128x128xf32>, vector<400x128xf32> -> vector<400x128xf32>
    %add3A_114 = arith.addf %add3A_106, %dot_general3A_113 : vector<400x128xf32>
    %get3A_115 = arith.constant 4 : index
    %get3A_116 = arith.constant 0 : index
    %get3A_117 = vector.load %arg7[%get3A_115, %get3A_116] : memref<8x128xf32, #tpu.memory_space<vmem>>, vector<1x128xf32>
    %add3A_118 = vector.broadcast %get3A_117 : vector<1x128xf32> to vector<400x128xf32>
    %add3A_119 = arith.addf %add3A_114, %add3A_118 : vector<400x128xf32>
    %swap3A = arith.constant 0 : index
    %swap3A_120 = arith.constant 0 : index
    %swap3A_121 = vector.load %arg8[%swap3A, %swap3A_120] : memref<400x128xf32, #tpu.memory_space<vmem>>, vector<400x128xf32>
    tpu.vector_store %arg8[%swap3A, %swap3A_120], %add3A_119 {strides = array<i32>} : memref<400x128xf32, #tpu.memory_space<vmem>>, vector<400x128xf32>,
    return
  }
  func.func @transform_0(%arg0: i32) -> (i32, i32) {
    %c0_i32 = arith.constant 0 : i32
    %c0_i32_0 = arith.constant 0 : i32
    return %arg0, %c0_i32 : i32, i32
  }
  func.func @transform_1(%arg0: i32) -> (i32, i32) {
    %c0_i32 = arith.constant 0 : i32
    %c0_i32_0 = arith.constant 0 : i32
    return %arg0, %c0_i32 : i32, i32
  }
  func.func @transform_2(%arg0: i32) -> (i32, i32) {
    %c0_i32 = arith.constant 0 : i32
    %c0_i32_0 = arith.constant 0 : i32
    return %arg0, %c0_i32 : i32, i32
  }
  func.func @transform_3(%arg0: i32) -> (i32, i32) {
    %c0_i32 = arith.constant 0 : i32
    %c0_i32_0 = arith.constant 0 : i32
    return %arg0, %c0_i32 : i32, i32
  }
  func.func @transform_4(%arg0: i32) -> (i32, i32) {
    %c0_i32 = arith.constant 0 : i32
    %c0_i32_0 = arith.constant 0 : i32
    return %arg0, %c0_i32 : i32, i32
  }
  func.func @transform_5(%arg0: i32) -> (i32, i32, i32) {
    %c0_i32 = arith.constant 0 : i32
    %c0_i32_0 = arith.constant 0 : i32
    %c0_i32_1 = arith.constant 0 : i32
    %c0_i32_2 = arith.constant 0 : i32
    return %c0_i32, %c0_i32_0, %c0_i32_1 : i32, i32, i32
  }
  func.func @transform_6(%arg0: i32) -> (i32, i32) {
    %c0_i32 = arith.constant 0 : i32
    %c0_i32_0 = arith.constant 0 : i32
    %c0_i32_1 = arith.constant 0 : i32
    return %c0_i32, %c0_i32_0 : i32, i32
  }
  func.func @transform_7(%arg0: i32) -> (i32, i32) {
    %c0_i32 = arith.constant 0 : i32
    %c0_i32_0 = arith.constant 0 : i32
    return %arg0, %c0_i32 : i32, i32
  }
}

</mosaic_0001>

<sc_bundles>
// kernel: kernel.6.cloned.1.call-start
scs
__scs_entry_jumppad:
0x0: {  	(pc) =	sbr.rel $0x88, $3  }
0x1: {  	(tag) =	ssettag $0x0;
	lr =	simm.s32 $0x1  }
0x2: {  	[smem:$0x3F9A] =	sst lr;
	_ =	strace $0xD0000000  }
0x3: {  	_ = 	snop  }
0x4: {  	_ = 	snop  }
0x5: {  	_ = 	snop  }
0x6: {  	_ = 	snop  }
0x7: {  	_ = 	snop  }
__scs_overlays_trampoline_lowered:
0x8: {  	[smem:$0x3FA9] =	sst s0  }
0x9: {  	[smem:$0x3FAA] =	sst s1  }
0xa: {  	[smem:$0x3FAB] =	sst s2  }
0xb: {  	[smem:$0x3FAC] =	sst s3  }
0xc: {  	[smem:$0x3FAD] =	sst s4  }
0xd: {  	[smem:$0x3FAE] =	sst s5  }
0xe: {  	[smem:$0x3FAF] =	sst s6  }
0xf: {  	[smem:$0x3FB0] =	sst s7  }
0x10: {  	[smem:$0x3FB1] =	sst s8  }
0x11: {  	[smem:$0x3FB2] =	sst s9;
	s0 =	simm.s32 @!p0 $0x0  }
0x12: {  	s1 =	sld [smem:$0x3F98];
	s0 =	simm.s32 @p0 $0x1  }
0x13: {  	[smem:$0x3FB3] =	sst s0;
	s0 =	simm.s32 @!p1 $0x0  }
0x14: {  	s2 =	sld [smem:$0x3F97];
	s0 =	simm.s32 @p1 $0x1  }
0x15: {  	[smem:$0x3FB4] =	sst s0;
	s0 =	simm.s32 @!p2 $0x0  }
0x16: {  	s3 =	sld [smem:$0x3FDB];
	s0 =	simm.s32 @p2 $0x1  }
0x17: {  	s4 =	simm.s32 $0x1BF5;
	[smem:$0x3FB6] =	sst s0  }
0x18: {  	s0 =	sld [smem:$0x3F99];
	_ =	swait.ge [sflag:s4], $0x0  }
0x19: {  	s7 =	sld [smem:$0x3F9A]  }
0x1a: {  	s8 =	sadd.s32 $0xFFFFE003, lr  }
0x1b: {  	s9 =	sadd.s32 $0xFFFFFEF7, lr;
	s5 =	simm.s32 $0xFFFFFFFF;
	p2 =	slt.u32 s8, $0xFFFFF086  }
0x1c: {  	p1 =	slt.u32 s9, $0xF7A;
	s5 =	simm.s32 @!p2 $0x0  }
0x1d: {  	s5 =	simm.s32 @p1 $0x1;
	p0 =	seq.s32 s7, s2  }
0x1e: {  	s7 =	smul.u32 @!p0 $0xF7A, s2;
	p2 =	seq.s32 @!p0 s5, $0x0  }
0x1f: {  	s9 =	smul.u32 $0xF7A, s1;
	s8 =	simm.s32 @!p0 $0x1BF5;
	p2 =	por !p2, p0  }
0x20: {  	[sflag:s8] =	ssyncset.s32 @!p0 $0xFFFFF086;
	s6 =	sadd.s32 @!p0 s3, s7;
	s7 =	simm.s32 @!p0 $0x108  }
0x21: {  	s3 =	sadd.s32 s3, s9;
	s6 =	sadd.s32 @!p0 $0x88, s6;
	s7 =	simm.s32 @p2 $0x1082  }
0x22: {  	[simem:s7], [sflag:s8] =	dma.local @!p0 [hbm:s6], $0xF7A  }
0x23: {  	s9 =	sor.u32 $0xD0000000, s2;
	s6 =	simm.s32 $0x108;
	_ =	swait.ge @!p0 [sflag:s8], $0x0  }
0x24: {  	s3 =	sadd.s32 $0x88, s3;
	s6 =	simm.s32 @!p1 $0x1082;
	[sflag:s4] =	ssyncset.s32 $0xFFFFF086  }
0x25: {  	[simem:s6], [sflag:s4] =	dma.local [hbm:s3], $0xF7A  }
0x26: {  	[smem:$0x3F9A] =	sst s1;
	(tag) =	ssettag s2;
	_ =	strace s9  }
0x27: {  	s1 =	sld [smem:$0x3FAA]  }
0x28: {  	s2 =	sld [smem:$0x3FAB]  }
0x29: {  	s4 =	sld [smem:$0x3FAD]  }
0x2a: {  	p0 =	seq.s32 s5, $0x0;
	s5 =	sld [smem:$0x3FAE]  }
0x2b: {  	s6 =	sld [smem:$0x3FAF]  }
0x2c: {  	s7 =	sld [smem:$0x3FB0]  }
0x2d: {  	s3 =	simm.s32 $0x108;
	s8 =	sld [smem:$0x3FB1]  }
0x2e: {  	s3 =	simm.s32 @!p0 $0x1082;
	s9 =	sld [smem:$0x3FB2]  }
0x2f: {  	lr =	sadd.s32 s0, s3;
	s0 =	sld [smem:$0x3FA9]  }
0x30: {  	s3 =	sld [smem:$0x3FAC]  }
0x31: {  	[smem:$0x3FB5] =	sst s10  }
0x32: {  	s10 =	sld [smem:$0x3FB3];
	_ =	sdelay $0x3  }
0x33: {  	p0 =	seq.s32 s10, $0x1;
	s10 =	sld [smem:$0x3FB5];
	_ =	sdelay $0x3  }
0x34: {  	[smem:$0x3FB5] =	sst s10  }
0x35: {  	s10 =	sld [smem:$0x3FB4];
	_ =	sdelay $0x3  }
0x36: {  	p1 =	seq.s32 s10, $0x1;
	s10 =	sld [smem:$0x3FB5];
	_ =	sdelay $0x3  }
0x37: {  	[smem:$0x3FB5] =	sst s10  }
0x38: {  	s10 =	sld [smem:$0x3FB6]  }
0x39: {  	_ = 	snop;
	(pc) =	sbr.ind lr, $3  }
0x3a: {  	_ = 	snop  }
0x3b: {  	_ = 	snop  }
0x3c: {  	p2 =	seq.s32 s10, $0x1;
	s10 =	sld [smem:$0x3FB5]  }
0x3d: {  	_ =	shalt  }
0x3e: {  	_ =	shalt  }
0x3f: {  	_ =	shalt  }
0x40: {  	_ =	shalt  }
0x41: {  	_ =	shalt  }
0x42: {  	_ =	shalt  }
0x43: {  	_ =	shalt  }
0x44: {  	_ =	shalt  }
0x45: {  	_ =	shalt  }
0x46: {  	_ =	shalt  }
0x47: {  	_ =	shalt  }
0x48: {  	_ =	shalt  }
0x49: {  	_ =	shalt  }
0x4a: {  	_ =	shalt  }
0x4b: {  	_ =	shalt  }
0x4c: {  	_ =	shalt  }
0x4d: {  	_ =	shalt  }
0x4e: {  	_ =	shalt  }
0x4f: {  	_ =	shalt  }
0x50: {  	_ =	shalt  }
0x51: {  	_ =	shalt  }
0x52: {  	_ =	shalt  }
0x53: {  	_ =	shalt  }
0x54: {  	_ =	shalt  }
0x55: {  	_ =	shalt  }
0x56: {  	_ =	shalt  }
0x57: {  	_ =	shalt  }
0x58: {  	_ =	shalt  }
0x59: {  	_ =	shalt  }
0x5a: {  	_ =	shalt  }
0x5b: {  	_ =	shalt  }
0x5c: {  	_ =	shalt  }
0x5d: {  	_ =	shalt  }
0x5e: {  	_ =	shalt  }
0x5f: {  	_ =	shalt  }
0x60: {  	_ =	shalt  }
0x61: {  	_ =	shalt  }
0x62: {  	_ =	shalt  }
0x63: {  	_ =	shalt  }
0x64: {  	_ =	shalt  }
0x65: {  	_ =	shalt  }
0x66: {  	_ =	shalt  }
0x67: {  	_ =	shalt  }
0x68: {  	_ =	shalt  }
0x69: {  	_ =	shalt  }
0x6a: {  	_ =	shalt  }
0x6b: {  	_ =	shalt  }
0x6c: {  	_ =	shalt  }
0x6d: {  	_ =	shalt  }
0x6e: {  	_ =	shalt  }
0x6f: {  	_ =	shalt  }
0x70: {  	_ =	shalt  }
0x71: {  	_ =	shalt  }
0x72: {  	_ =	shalt  }
0x73: {  	_ =	shalt  }
0x74: {  	_ =	shalt  }
0x75: {  	_ =	shalt  }
0x76: {  	_ =	shalt  }
0x77: {  	_ =	shalt  }
0x78: {  	_ =	shalt  }
0x79: {  	_ =	shalt  }
0x7a: {  	_ =	shalt  }
0x7b: {  	_ =	shalt  }
0x7c: {  	_ =	shalt  }
0x7d: {  	_ =	shalt  }
0x7e: {  	_ =	shalt  }
0x7f: {  	_ =	shalt  }
0x80: {  	_ =	shalt  }
0x81: {  	_ =	shalt  }
0x82: {  	_ =	shalt  }
0x83: {  	_ =	shalt  }
0x84: {  	_ =	shalt  }
0x85: {  	_ =	shalt  }
0x86: {  	_ =	shalt  }
0x87: {  	_ =	shalt  }
.Lfunc_end0:
.L_simem_size_0:
called_computation_lowered:
.L_overlay_start_0:
0x88: {  	s2 =	sld [smem:$0x3FD9]  }
0x89: {  	s3 =	sld [smem:$0x3FFE];
	_ =	sdelay $0x1  }
0x8a: {  	s1 =	srdreg.scid  }
0x8b: {  	s0 =	sand.u32 $0x1, s1  }
0x8c: {  	s17 =	sshll.u32 s0, $0xA;
	s2 =	sadd.s32 s3, s2  }
0x8d: {  	s2 =	sadd.s32 s2, s17  }
0x8e: {  	[smem:$0x3FC1] =	sst s2  }
0x8f: {  	_ = 	snop  }
0x90: {  	s18 =	sld [smem:$0x3FC7]  }
0x91: {  	s4 =	sld [smem:$0x3FD0];
	(tm) =	ssettm $0x1  }
0x92: {  	s19 =	sld [smem:$0x3FFB];
	_ =	sdelay $0x3  }
0x93: {  	_ =	strace s19  }
0x94: {  	s2 =	sld [smem:$0x3FFC];
	_ =	sdelay $0x3  }
0x95: {  	_ =	strace s2  }
0x96: {  	s2 =	sld [smem:$0x3FFD];
	_ =	sdelay $0x3  }
0x97: {  	_ =	strace s2  }
0x98: {  	_ =	strace $0x8FFFFFFF  }
0x99: {  	s20 =	sld [smem:$0x3FDB];
	_ =	sdelay $0x1  }
0x9a: {  	s5 =	simm.s32 $_scs_section_size  }
0x9b: {  	s6 =	simm.s32 $_size__tile_overlayer_lowered;
	s7 =	simm.s32 $_tile_overlayer_lowered  }
0x9c: {  	s8 =	simm.s32 $0x1BFF;
	s21 =	sshll.u32 s7, $0x1;
	s5 =	sadd.s32 s5, s20  }
0x9d: {  	s22 =	simm.s32 $0x0;
	s6 =	sshll.u32 s6, $0x1;
	s7 =	sadd.s32 s21, s5  }
0x9e: {  	[timem:s22], [sflag:s8] =	dma.local [hbm:s7], s6  }
0x9f: {  	_ =	swait.ge [sflag:s8], s6  }
0xa0: {  	s6 =	ssub.s32 $0x0, s6;
	[sflag:s8] =	ssyncset.done $0x0  }
0xa1: {  	[sflag:s8] =	ssyncadd.s32 s6;
	_ =	sdelay $0x1  }
0xa2: {  	s23 =	simm.s32 $0x1B8B  }
0xa3: {  	_ =	swait.ge [sflag:s23], $0x1  }
0xa4: {  	[sflag:s23] =	ssyncset.done $0x0  }
0xa5: {  	[sflag:s23] =	ssyncadd.s32 $0xFFFFFFFF  }
0xa6: {  	s6 =	sld [smem:$0x0]  }
0xa7: {  	s7 =	sand.u32 $0xFFFFFFFE, s1  }
0xa8: {  	p0 =	sne.s32 s1, s7  }
0xa9: {  	s7 =	sshll.u32 @p0 s7, $0xE  }
0xaa: {  	s7 =	sadd.s32 @p0 $0x11B8D, s7;
	s8 =	sshll.u32 @p0 s6, $0x11  }
0xab: {  	s7 =	sor.u32 @p0 s8, s7  }
0xac: {  	[sflag:s7] =	ssyncadd.remote.s32 @p0 $0x1;
	_ =	sdelay $0x1  }
0xad: {  	s7 =	simm.s32 @p0 $0x1B8D  }
0xae: {  	_ =	swait.eq @p0 [sflag:s7], $0x1  }
0xaf: {  	[sflag:s7] =	ssyncadd.s32 @p0 $0xFFFFFFFF  }
0xb0: {  	s8 =	sshll.u32 @!p0 s1, $0xE  }
0xb1: {  	s8 =	sor.u32 @!p0 $0x4000, s8;
	s7 =	simm.s32 @!p0 $0x1B8D  }
0xb2: {  	s6 =	sshll.u32 @!p0 s6, $0x11;
	s8 =	sadd.s32 @!p0 $0x11B8D, s8;
	_ =	swait.eq @!p0 [sflag:s7], $0x1  }
0xb3: {  	s6 =	sor.u32 @!p0 s6, s8;
	[sflag:s7] =	ssyncadd.s32 @!p0 $0xFFFFFFFF  }
0xb4: {  	s25 =	simm.s32 $0x1B8E;
	s24 =	sld [smem:$0x3FFE];
	[sflag:s6] =	ssyncadd.remote.s32 @!p0 $0x1  }
0xb5: {  	s26 =	simm.s32 $execute0_lowered;
	[smem:$0x3FD2] =	sst s25  }
0xb6: {  	s7 =	sshll.u32 s26, $0x1;
	_ =	strace $0x80000049;
	[dreg:$0x1] =	wrdreg $0xFFFFFFFF  }
0xb7: {  	s28 =	simm.s32 $_size_execute0_lowered;
	s5 =	sadd.s32 s5, s7;
	[dreg:$0x0] =	wrdreg $0x0  }
0xb8: {  	s7 =	sshll.u32 s28, $0x1;
	[dreg:$0x2] =	wrdreg s5  }
0xb9: {  	[dreg:$0x3] =	wrdreg s7  }
0xba: {  	[dreg:$0x4] =	wrdreg $0xC0  }
0xbb: {  	_ =	task [dreg:s22], $0x5FFFF  }
0xbc: {  	[dreg:$0x1] =	wrdreg $0xFFFFFFFF  }
0xbd: {  	[dreg:$0x0] =	wrdreg $0x60  }
0xbe: {  	[dreg:$0x2] =	wrdreg s24  }
0xbf: {  	[dreg:$0x3] =	wrdreg s4  }
0xc0: {  	[dreg:$0x4] =	wrdreg s18  }
0xc1: {  	[dreg:$0x5] =	wrdreg $0x7E000  }
0xc2: {  	[dreg:$0x6] =	wrdreg $0x9  }
0xc3: {  	_ =	task.clear_ibuf [dreg:s22], $0x7FFFF;
	_ =	strace $0x90000049  }
0xc4: {  	s29 =	simm.s32 $0x9;
	_ =	strace $0x8000004B  }
0xc5: {  	_ =	swait.ge [sflag:s29], $0x1  }
0xc6: {  	[sflag:s29] =	ssyncadd.s32 $0xFFFFFFFF  }
0xc7: {  	_ =	strace $0x9000004B  }
0xc8: {  	_ =	sfence  }
0xc9: {  	s30 =	sld [smem:$0x0];
	_ =	sdelay $0x2  }
0xca: {  	s31 =	sshll.u32 s1, $0xD;
	s1 =	sshrl.u32 s1, $0x2  }
0xcb: {  	s4 =	sand.u32 $0x4000, s31;
	s1 =	sadd.s32 s1, s30  }
0xcc: {  	s0 =	sor.u32 s4, s0;
	s1 =	sshll.u32 s1, $0x11  }
0xcd: {  	s0 =	sor.u32 s1, s0  }
0xce: {  	s0 =	sadd.s32 $0x8F2B, s0  }
0xcf: {  	[sflag:s0] =	ssyncadd.remote.s32 $0x1  }
0xd0: {  	_ =	sfence.sel $0xFFFF  }
0xd1: {  	[dreg:$0x0] =	wrdreg $0xFFFFFFFF;
	(pc) =	sbr.abs _section_cstart, $3  }
0xd2: {  	[dreg:$0x1] =	wrdreg $0xFFFFFFFF  }
0xd3: {  	_ =	task.clear_ibuf [dreg:s22], $0x2FFFF;
	_ =	strace $0x9FFFFFFF  }
0xd4: {  	(tm) =	ssettm $0x7FFFFFFF  }
0xd5: {  	_ =	shalt  }
tec
execute0_lowered:
.L_overlay_start_1:
0x0: {  	(tag) =	ssettag $0x1  }
0x1: {  	s0 =	rddreg [dreg:$0x0]  }
0x2: {  	s1 =	rddreg [dreg:$0x1]  }
0x3: {  	s2 =	rddreg [dreg:$0x2]  }
0x4: {  	s4 =	rddreg [dreg:$0x3];
	s5 =	simm.s32 $0x0;
	s15 =	stileid.u32  }
0x5: {  	s3 =	srdreg.scid;
	s31 =	simm.s32 $0x6A00;
	[smem:$0x7FF] =	sst s5  }
0x6: {  	s8 =	smul.u32 $0x50000, s15;
	s6 =	sadd.s32 $0x1800, s0;
	s7 =	sadd.s32 $0xB600, s0  }
0x7: {  	s3 =	sand.u32 $0x1, s3;
	s10 =	smul.u32 $0x280, s15;
	s0 =	sadd.s32 $0xADA00, s0  }
0x8: {  	s30 =	smul.u32 $0x4E20, s15;
	s15 =	simm.s32 $0x4200;
	_ =	strace $0x8000004A  }
0x9: {  	s9 =	ssub.s32 $0x2, s3;
	s13 =	smul.u32 $0x2800, s3;
	s8 =	sshrl.u32 s8, $0x2  }
0xa: {  	s11 =	sshrl.u32 s9, $0x1;
	s20 =	sadd.s32 $0xA0, s10;
	s24 =	sadd.s32 $0x140, s10  }
0xb: {  	s23 =	sadd.s32 s8, s4;
	s9 =	ssub.s32 s9, s11;
	s22 =	sshll.u32 s20, $0x7  }
0xc: {  	s26 =	sshll.u32 s24, $0x7;
	s28 =	sadd.s32 s10, s13;
	s10 =	sadd.s32 $0x1E0, s10  }
0xd: {  	s11 =	sadd.s32 s13, s20;
	s19 =	sadd.s32 $0x1400, s23;
	[dreg:$0xc] =	wrdreg s23  }
0xe: {  	s12 =	sadd.s32 $0x2800, s23;
	s21 =	sadd.s32 $0x3C00, s23;
	[dreg:$0x5] =	wrdreg s19  }
0xf: {  	s14 =	sadd.s32 $0x6400, s23;
	s25 =	sadd.s32 $0x7800, s23;
	[dreg:$0x6] =	wrdreg s12  }
0x10: {  	s16 =	sadd.s32 $0x8C00, s23;
	s8 =	sadd.s32 $0xB400, s23;
	[dreg:$0x7] =	wrdreg s21  }
0x11: {  	s11 =	sshll.u32 s11, $0x4;
	s17 =	sadd.s32 $0xC800, s23;
	[dreg:$0x9] =	wrdreg s14  }
0x12: {  	s18 =	sshll.u32 s10, $0x7;
	s20 =	smax.u32 s9, $0x1;
	[dreg:$0xa] =	wrdreg s25  }
0x13: {  	s9 =	simm.s32 $0x1;
	s21 =	sadd.s32 s22, s4;
	[dreg:$0xb] =	wrdreg s16  }
0x14: {  	s22 =	sadd.s32 s26, s4;
	[dreg:$0xd] =	wrdreg s8;
	s14 =	sshll.u32 s28, $0x4  }
0x15: {  	s12 =	sadd.s32 s13, s24;
	s13 =	sadd.s32 s13, s10;
	[dreg:$0x12] =	wrdreg s17  }
0x16: {  	s11 =	sadd.s32 s0, s11;
	s24 =	sadd.s32 s18, s4;
	[dreg:$0x14] =	wrdreg s20  }
0x17: {  	s19 =	smul.u32 $0x2710, s3;
	s25 =	sadd.s32 $0xDC00, s23;
	[dreg:$0xf] =	wrdreg s11  }
0x18: {  	s26 =	sadd.s32 $0x10400, s23;
	s28 =	sadd.s32 $0x11800, s23;
	[dreg:$0x15] =	wrdreg s25  }
0x19: {  	s3 =	simm.s32 $0x800;
	s10 =	simm.s32 $0x50;
	[dreg:$0x16] =	wrdreg s26  }
0x1a: {  	s17 =	simm.s32 $0x2;
	s18 =	simm.s32 $0x1900;
	[dreg:$0x17] =	wrdreg s28  }
0x1b: {  	s20 =	simm.s32 $0x1980;
	s29 =	sadd.s32 s0, s14;
	[dreg:$0x8] =	wrdreg s21  }
0x1c: {  	s12 =	sshll.u32 s12, $0x4;
	s16 =	sshll.u32 s13, $0x4;
	[dreg:$0x13] =	wrdreg s24  }
0x1d: {  	s11 =	simm.s32 $0x1800;
	[dreg:$0xe] =	wrdreg s29;
	s14 =	sadd.s32 s0, s12  }
0x1e: {  	s13 =	simm.s32 $0x1A00;
	s0 =	sadd.s32 s0, s16;
	[dreg:$0x10] =	wrdreg s14  }
0x1f: {  	s29 =	sadd.s32 $0x12C00, s23;
	v0 =	vmov s19;
	s19 =	simm.s32 $0x3;
	[dreg:$0x11] =	wrdreg s0  }
0x20: {  	v1 =	vimm.f32 $0.0e+00;
	[dreg:$0x18] =	wrdreg s29;
	s0 =	simm.s32 $0x4;
	s14 =	simm.s32 $0x1880  }
.LBB2_1:
0x21: {  	s12 =	simm.s32 $0x0;
	s16 =	simm.s32 $0x200  }
.LBB2_2:
0x22: {  	p0 =	sne.s32 s16, $0x4E00;
	[tilespmem:s12+$0x6A70] =	vst v1  }
0x23: {  	[tilespmem:s12+$0x6A00] =	vst v1  }
0x24: {  	[tilespmem:s12+$0x6A10] =	vst v1  }
.Ltmp0:
0x25: {  	[tilespmem:s12+$0x6A20] =	vst v1;
	(pc) =	sbr.rel @p0 .LBB2_2-.Ltmp0, $4  }
0x26: {  	[tilespmem:s12+$0x6A30] =	vst v1  }
0x27: {  	[tilespmem:s12+$0x6A40] =	vst v1  }
0x28: {  	[tilespmem:s12+$0x6A50] =	vst v1  }
0x29: {  	[tilespmem:s12+$0x6A60] =	vst v1;
	s12 =	sshra.s32 s16, $0x2;
	s16 =	sadd.s32 $0x200, s16  }
0x2a: {  	[tilespmem:s12+$0x6A70] =	vst v1  }
0x2b: {  	[tilespmem:s12+$0x6A00] =	vst v1  }
0x2c: {  	[tilespmem:s12+$0x6A10] =	vst v1  }
0x2d: {  	[tilespmem:s12+$0x6A20] =	vst v1  }
0x2e: {  	[tilespmem:s12+$0x6A30] =	vst v1  }
0x2f: {  	[tilespmem:s12+$0x6A40] =	vst v1  }
0x30: {  	[tilespmem:s12+$0x6A50] =	vst v1  }
0x31: {  	[tilespmem:s12+$0x6A60] =	vst v1  }
0x32: {  	[spmem:s23] =	stream.linear.scatter [tilespmem:s31], [sflag:$0x4], $0x1400, $0x38;
	[tilespmem:$0x1BE00] =	vst v63  }
0x33: {  	_ =	swait.ge [sflag:s0], $0x1400  }
0x34: {  	[sflag:s0] =	ssyncset.done $0x0  }
0x35: {  	s26 =	rddreg [dreg:$0x5];
	[sflag:s0] =	ssyncadd.s32 $0xFFFFEC00  }
0x36: {  	[spmem:s26] =	stream.linear.scatter [tilespmem:s31], [sflag:$0x4], $0x1400, $0x38;
	[tilespmem:$0x1BE00] =	vst v63  }
0x37: {  	_ =	swait.ge [sflag:s0], $0x1400  }
0x38: {  	[sflag:s0] =	ssyncset.done $0x0  }
0x39: {  	s28 =	rddreg [dreg:$0x6];
	[sflag:s0] =	ssyncadd.s32 $0xFFFFEC00  }
0x3a: {  	[spmem:s28] =	stream.linear.scatter [tilespmem:s31], [sflag:$0x4], $0x1400, $0x38;
	[tilespmem:$0x1BE00] =	vst v63  }
0x3b: {  	_ =	swait.ge [sflag:s0], $0x1400  }
0x3c: {  	[sflag:s0] =	ssyncset.done $0x0  }
0x3d: {  	s29 =	rddreg [dreg:$0x7];
	[sflag:s0] =	ssyncadd.s32 $0xFFFFEC00  }
0x3e: {  	[spmem:s29] =	stream.linear.scatter [tilespmem:s31], [sflag:$0x4], $0x1400, $0x38;
	[tilespmem:$0x1BE00] =	vst v63  }
0x3f: {  	_ =	swait.ge [sflag:s0], $0x1400  }
0x40: {  	[sflag:s0] =	ssyncset.done $0x0  }
0x41: {  	[sflag:s0] =	ssyncadd.s32 $0xFFFFEC00  }
0x42: {  	[spmem:s21] =	stream.linear.scatter [tilespmem:s31], [sflag:$0x4], $0x1400, $0x38;
	[tilespmem:$0x1BE00] =	vst v63  }
0x43: {  	_ =	swait.ge [sflag:s0], $0x1400  }
0x44: {  	[sflag:s0] =	ssyncset.done $0x0  }
0x45: {  	s8 =	rddreg [dreg:$0x9];
	[sflag:s0] =	ssyncadd.s32 $0xFFFFEC00  }
0x46: {  	[spmem:s8] =	stream.linear.scatter [tilespmem:s31], [sflag:$0x4], $0x1400, $0x38;
	[tilespmem:$0x1BE00] =	vst v63  }
0x47: {  	_ =	swait.ge [sflag:s0], $0x1400  }
0x48: {  	[sflag:s0] =	ssyncset.done $0x0  }
0x49: {  	s16 =	rddreg [dreg:$0xa];
	[sflag:s0] =	ssyncadd.s32 $0xFFFFEC00  }
0x4a: {  	[spmem:s16] =	stream.linear.scatter [tilespmem:s31], [sflag:$0x4], $0x1400, $0x38;
	[tilespmem:$0x1BE00] =	vst v63  }
0x4b: {  	_ =	swait.ge [sflag:s0], $0x1400  }
0x4c: {  	[sflag:s0] =	ssyncset.done $0x0  }
0x4d: {  	s21 =	rddreg [dreg:$0xb];
	[sflag:s0] =	ssyncadd.s32 $0xFFFFEC00  }
0x4e: {  	[spmem:s21] =	stream.linear.scatter [tilespmem:s31], [sflag:$0x4], $0x1400, $0x38;
	[tilespmem:$0x1BE00] =	vst v63  }
0x4f: {  	_ =	swait.ge [sflag:s0], $0x1400  }
0x50: {  	[sflag:s0] =	ssyncset.done $0x0  }
0x51: {  	[sflag:s0] =	ssyncadd.s32 $0xFFFFEC00  }
0x52: {  	[spmem:s22] =	stream.linear.scatter [tilespmem:s31], [sflag:$0x4], $0x1400, $0x38;
	[tilespmem:$0x1BE00] =	vst v63  }
0x53: {  	_ =	swait.ge [sflag:s0], $0x1400  }
0x54: {  	[sflag:s0] =	ssyncset.done $0x0  }
0x55: {  	s8 =	smov.u32 s22;
	s22 =	rddreg [dreg:$0xd];
	[sflag:s0] =	ssyncadd.s32 $0xFFFFEC00  }
0x56: {  	[spmem:s22] =	stream.linear.scatter [tilespmem:s31], [sflag:$0x4], $0x1400, $0x38;
	[tilespmem:$0x1BE00] =	vst v63  }
0x57: {  	_ =	swait.ge [sflag:s0], $0x1400  }
0x58: {  	[sflag:s0] =	ssyncset.done $0x0  }
0x59: {  	s23 =	rddreg [dreg:$0x12];
	[sflag:s0] =	ssyncadd.s32 $0xFFFFEC00  }
0x5a: {  	[spmem:s23] =	stream.linear.scatter [tilespmem:s31], [sflag:$0x4], $0x1400, $0x38;
	[tilespmem:$0x1BE00] =	vst v63  }
0x5b: {  	_ =	swait.ge [sflag:s0], $0x1400  }
0x5c: {  	[sflag:s0] =	ssyncset.done $0x0  }
0x5d: {  	s25 =	rddreg [dreg:$0x15];
	[sflag:s0] =	ssyncadd.s32 $0xFFFFEC00  }
0x5e: {  	[spmem:s25] =	stream.linear.scatter [tilespmem:s31], [sflag:$0x4], $0x1400, $0x38;
	[tilespmem:$0x1BE00] =	vst v63  }
0x5f: {  	_ =	swait.ge [sflag:s0], $0x1400  }
0x60: {  	[sflag:s0] =	ssyncset.done $0x0  }
0x61: {  	[sflag:s0] =	ssyncadd.s32 $0xFFFFEC00  }
0x62: {  	[spmem:s24] =	stream.linear.scatter [tilespmem:s31], [sflag:$0x4], $0x1400, $0x38;
	[tilespmem:$0x1BE00] =	vst v63  }
0x63: {  	_ =	swait.ge [sflag:s0], $0x1400  }
0x64: {  	[sflag:s0] =	ssyncset.done $0x0  }
0x65: {  	s26 =	rddreg [dreg:$0x16];
	[sflag:s0] =	ssyncadd.s32 $0xFFFFEC00  }
0x66: {  	[spmem:s26] =	stream.linear.scatter [tilespmem:s31], [sflag:$0x4], $0x1400, $0x38;
	[tilespmem:$0x1BE00] =	vst v63  }
0x67: {  	_ =	swait.ge [sflag:s0], $0x1400  }
0x68: {  	[sflag:s0] =	ssyncset.done $0x0  }
0x69: {  	s28 =	rddreg [dreg:$0x17];
	[sflag:s0] =	ssyncadd.s32 $0xFFFFEC00  }
0x6a: {  	[spmem:s28] =	stream.linear.scatter [tilespmem:s31], [sflag:$0x4], $0x1400, $0x38;
	[tilespmem:$0x1BE00] =	vst v63  }
0x6b: {  	_ =	swait.ge [sflag:s0], $0x1400  }
0x6c: {  	[sflag:s0] =	ssyncset.done $0x0  }
0x6d: {  	s29 =	rddreg [dreg:$0x18];
	[sflag:s0] =	ssyncadd.s32 $0xFFFFEC00  }
0x6e: {  	[spmem:s29] =	stream.linear.scatter [tilespmem:s31], [sflag:$0x4], $0x1400, $0x38;
	[tilespmem:$0x1BE00] =	vst v63  }
0x6f: {  	_ =	swait.ge [sflag:s0], $0x1400  }
0x70: {  	[sflag:s0] =	ssyncset.done $0x0  }
0x71: {  	[sflag:s0] =	ssyncadd.s32 $0xFFFFEC00  }
0x72: {  	s21 =	simm.s32 $0x0;
	s22 =	simm.s32 $0x0;
	[bflag:$0x0] =	sbarrier.arrive $0xFFFF  }
.LBB2_4:
0x73: {  	s12 =	smul.u32 $0x7D0, s22;
	_ =	sdelay $0x1  }
0x74: {  	s12 =	sadd.s32 s30, s12  }
0x75: {  	s12 =	sshrl.u32 s12, $0x3  }
0x76: {  	s16 =	sadd.s32 s6, s12  }
0x77: {  	[tilespmem:s3], [sflag:$0x1] =	stream.linear.gather [hbm4b:s16+s21], $0x7D0, $0x38;
	[tilespmem:$0x1BE00] =	vst v63  }
0x78: {  	s29 =	sadd.s32 s1, s12  }
0x79: {  	[tilespmem:s21], [sflag:$0x1] =	stream.linear.gather [hbm4b:s29+s21], $0x7D0, $0x38;
	[tilespmem:$0x1BE00] =	vst v63  }
0x7a: {  	s24 =	simm.s32 $0x1000;
	s12 =	sadd.s32 s2, s12  }
0x7b: {  	[tilespmem:s24], [sflag:$0x1] =	stream.linear.gather [hbm4b:s12+s21], $0x7D0, $0x38;
	[tilespmem:$0x1BE00] =	vst v63  }
0x7c: {  	_ =	swait.ge [sflag:s9], $0x7D0  }
0x7d: {  	[sflag:s9] =	ssyncset.done $0x0  }
0x7e: {  	[sflag:s9] =	ssyncadd.s32 $0xFFFFF830  }
0x7f: {  	_ =	swait.ge [sflag:s9], $0x7D0  }
0x80: {  	[sflag:s9] =	ssyncset.done $0x0  }
0x81: {  	[sflag:s9] =	ssyncadd.s32 $0xFFFFF830  }
0x82: {  	_ =	swait.ge [sflag:s9], $0x7D0  }
0x83: {  	[sflag:s9] =	ssyncset.done $0x0  }
0x84: {  	[sflag:s9] =	ssyncadd.s32 $0xFFFFF830  }
0x85: {  	v2 =	vld [tilespmem:$0x800]  }
0x86: {  	v3 =	vld [tilespmem:$0x0]  }
0x87: {  	v5 =	vld [tilespmem:$0x10]  }
0x88: {  	v4 =	vld [tilespmem:$0x810]  }
0x89: {  	v6 =	vld [tilespmem:$0x820]  }
0x8a: {  	v7 =	vld [tilespmem:$0x20]  }
0x8b: {  	v61 =	vld [tilespmem:$0x30];
	[tilespmem:$0x1900] =	vst v3  }
0x8c: {  	v63 =	vld [tilespmem:$0x40];
	v2 =	vadd.s32 v0, v2;
	[tilespmem:$0x1910] =	vst v5  }
0x8d: {  	v3 =	vadd.s32 v0, v4;
	[tilespmem:$0x1800] =	vst v2;
	v2 =	vld [tilespmem:$0x830]  }
0x8e: {  	[tilespmem:$0x1810] =	vst v3;
	v3 =	vld [tilespmem:$0x840]  }
0x8f: {  	[tilespmem:$0x1920] =	vst v7  }
0x90: {  	[tilespmem:$0x1930] =	vst v61  }
0x91: {  	v62 =	vadd.s32 v0, v6;
	[tilespmem:$0x1940] =	vst v63  }
0x92: {  	[tilespmem:$0x1820] =	vst v62;
	v2 =	vadd.s32 v0, v2  }
0x93: {  	[tilespmem:$0x1830] =	vst v2;
	v2 =	vadd.s32 v0, v3  }
0x94: {  	s25 =	simm.s32 $0x1051;
	s26 =	simm.s32 $0x0;
	[tilespmem:$0x1840] =	vst v2  }
0x95: {  	[tilespmem:s13], [sflag:$0x2] =	stream.indirect.gather [hbm4b:s7+s10], $0x80, s11, s10, $0xb8;
	[tilespmem:$0x1BE00] =	vst v63  }
.LBB2_5:
0x96: {  	s28 =	smul.u32 $0xA0, s26;
	_ =	sdelay $0x1  }
0x97: {  	v2 =	vld [tilespmem:s28+$0x850];
	_ =	sdelay $0x4  }
0x98: {  	v2 =	vadd.s32 v0, v2  }
0x99: {  	[tilespmem:$0x1880] =	vst v2  }
0x9a: {  	v2 =	vld [tilespmem:s28+$0x50];
	_ =	sdelay $0x4  }
0x9b: {  	[tilespmem:$0x1980] =	vst v2  }
0x9c: {  	v2 =	vld [tilespmem:s28+$0x860];
	_ =	sdelay $0x4  }
0x9d: {  	v2 =	vadd.s32 v0, v2  }
0x9e: {  	[tilespmem:$0x1890] =	vst v2  }
0x9f: {  	v2 =	vld [tilespmem:s28+$0x60];
	_ =	sdelay $0x4  }
0xa0: {  	[tilespmem:$0x1990] =	vst v2  }
0xa1: {  	v2 =	vld [tilespmem:s28+$0x870];
	_ =	sdelay $0x4  }
0xa2: {  	v2 =	vadd.s32 v0, v2  }
0xa3: {  	[tilespmem:$0x18A0] =	vst v2  }
0xa4: {  	v2 =	vld [tilespmem:s28+$0x70];
	_ =	sdelay $0x4  }
0xa5: {  	s12 =	sand.u32 $0xFE0, s28;
	[tilespmem:$0x19A0] =	vst v2  }
0xa6: {  	v2 =	vld [tilespmem:s12+$0x880];
	_ =	sdelay $0x4  }
0xa7: {  	v2 =	vadd.s32 v0, v2  }
0xa8: {  	[tilespmem:$0x18B0] =	vst v2  }
0xa9: {  	v2 =	vld [tilespmem:s12+$0x80];
	_ =	sdelay $0x4  }
0xaa: {  	[tilespmem:$0x19B0] =	vst v2  }
0xab: {  	v2 =	vld [tilespmem:s28+$0x890];
	_ =	sdelay $0x4  }
0xac: {  	v2 =	vadd.s32 v0, v2  }
0xad: {  	[tilespmem:$0x18C0] =	vst v2  }
0xae: {  	v2 =	vld [tilespmem:s28+$0x90];
	_ =	sdelay $0x4  }
0xaf: {  	[tilespmem:$0x19C0] =	vst v2  }
0xb0: {  	[tilespmem:s15], [sflag:$0x3] =	stream.indirect.gather [hbm4b:s7+s10], $0x80, s14, s10, $0xb8;
	[tilespmem:$0x1BE00] =	vst v63  }
0xb1: {  	_ =	swait.ge [sflag:s17], $0x2800  }
0xb2: {  	[sflag:s17] =	ssyncset.done $0x0  }
0xb3: {  	s29 =	simm.s32 $0x1A80;
	[sflag:s17] =	ssyncadd.s32 $0xFFFFD800  }
0xb4: {  	s16 =	sadd.s32 $0x1, s24;
	v3 =	vld [tilespmem:s29+$0xFFFFFFF0]  }
0xb5: {  	v6 =	vld.msk [tilespmem:s16+$0xFFFFFFFF ss:$0x0], $0xffff  }
0xb6: {  	v7 =	vld [tilespmem:s29+$0xFFFFFF80]  }
0xb7: {  	v8 =	vld [tilespmem:s29+$0xFFFFFFA0]  }
0xb8: {  	v9 =	vld [tilespmem:s29+$0xFFFFFFB0]  }
0xb9: {  	v4 =	vld [tilespmem:s29+$0xFFFFFFD0]  }
0xba: {  	v11 =	vld [tilespmem:s29+$0xFFFFFF90];
	v12 =	vmul.f32 v3, v6  }
0xbb: {  	v10 =	vld [tilespmem:s29+$0xFFFFFFE0];
	v7 =	vmul.f32 v6, v7  }
0xbc: {  	v5 =	vld [tilespmem:s29+$0xFFFFFFC0];
	v8 =	vmul.f32 v8, v6;
	[tilespmem:s29+$0xFFFFFFF0] =	vst v12  }
0xbd: {  	v9 =	vmul.f32 v9, v6;
	[tilespmem:s29+$0xFFFFFF80] =	vst v7  }
0xbe: {  	v4 =	vmul.f32 v4, v6;
	[tilespmem:s29+$0xFFFFFFA0] =	vst v8  }
0xbf: {  	v7 =	vmul.f32 v11, v6;
	[tilespmem:s29+$0xFFFFFFB0] =	vst v9  }
0xc0: {  	v2 =	vld [tilespmem:s29+$0x0];
	v8 =	vmul.f32 v10, v6;
	[tilespmem:s29+$0xFFFFFFD0] =	vst v4  }
0xc1: {  	v3 =	vld [tilespmem:s29+$0x10];
	v4 =	vmul.f32 v5, v6;
	[tilespmem:s29+$0xFFFFFF90] =	vst v7  }
0xc2: {  	v6 =	vld [tilespmem:s29+$0x50];
	[tilespmem:s29+$0xFFFFFFE0] =	vst v8  }
0xc3: {  	v5 =	vld [tilespmem:s29+$0x60];
	[tilespmem:s29+$0xFFFFFFC0] =	vst v4  }
0xc4: {  	s12 =	simm.s32 $0xC;
	v4 =	vld.msk [tilespmem:s16+$0x0 ss:$0x0], $0xffff;
	s16 =	simm.s32 $0x1A80  }
.LBB2_6:
0xc5: {  	p0 =	sne.s32 s12, $0x13C  }
0xc6: {  	v7 =	vld [tilespmem:s29+$0x30];
	s16 =	sadd.s32 $0x100, s16;
	s23 =	smov.u32 s12;
	s12 =	sadd.s32 $0x8, s12  }
0xc7: {  	v8 =	vld [tilespmem:s29+$0x20]  }
0xc8: {  	v9 =	vld [tilespmem:s29+$0x40]  }
0xc9: {  	v10 =	vld [tilespmem:s29+$0x70];
	_ =	sdelay $0x1  }
0xca: {  	v2 =	vmul.f32 v4, v2;
	v3 =	vmul.f32 v3, v4  }
0xcb: {  	v7 =	vmul.f32 v7, v4;
	v8 =	vmul.f32 v8, v4  }
0xcc: {  	v6 =	vmul.f32 v6, v4;
	[tilespmem:s29+$0x0] =	vst v2;
	v9 =	vmul.f32 v9, v4  }
0xcd: {  	v5 =	vmul.f32 v5, v4;
	v2 =	vld [tilespmem:s16+$0x0];
	[tilespmem:s29+$0x30] =	vst v7;
	v4 =	vmul.f32 v10, v4  }
0xce: {  	[tilespmem:s29+$0x40] =	vst v9  }
0xcf: {  	v7 =	vld [tilespmem:s16+$0xFFFFFFD0];
	[tilespmem:s29+$0x50] =	vst v6  }
0xd0: {  	v6 =	vld [tilespmem:s16+$0xFFFFFFC0];
	[tilespmem:s29+$0x20] =	vst v8  }
0xd1: {  	v8 =	vld [tilespmem:s16+$0xFFFFFFB0];
	[tilespmem:s29+$0x60] =	vst v5  }
0xd2: {  	s23 =	sshra.s32 s23, $0x2;
	v5 =	vld [tilespmem:s16+$0xFFFFFFE0];
	[tilespmem:s29+$0x10] =	vst v3  }
0xd3: {  	s23 =	sadd.s32 s23, s24;
	v9 =	vld [tilespmem:s16+$0xFFFFFFF0];
	[tilespmem:s29+$0x70] =	vst v4;
	s29 =	smov.u32 s16  }
0xd4: {  	v4 =	vld.msk [tilespmem:s23+$0xFFFFFFFF ss:$0x0], $0xffff  }
0xd5: {  	v10 =	vld [tilespmem:s16+$0xFFFFFF80]  }
0xd6: {  	v11 =	vld [tilespmem:s16+$0xFFFFFFA0]  }
0xd7: {  	v12 =	vld [tilespmem:s16+$0xFFFFFF90]  }
0xd8: {  	v3 =	vld [tilespmem:s16+$0x10];
	_ =	sdelay $0x1  }
0xd9: {  	v9 =	vmul.f32 v9, v4;
	v10 =	vmul.f32 v4, v10  }
0xda: {  	v5 =	vmul.f32 v5, v4;
	v11 =	vmul.f32 v11, v4  }
0xdb: {  	v8 =	vmul.f32 v8, v4;
	v12 =	vmul.f32 v12, v4;
	[tilespmem:s16+$0xFFFFFFF0] =	vst v9  }
0xdc: {  	v9 =	vmul.f32 v6, v4;
	v4 =	vmul.f32 v7, v4;
	[tilespmem:s16+$0xFFFFFF80] =	vst v10  }
0xdd: {  	[tilespmem:s16+$0xFFFFFFA0] =	vst v11  }
0xde: {  	[tilespmem:s16+$0xFFFFFFB0] =	vst v8  }
.Ltmp1:
0xdf: {  	[tilespmem:s16+$0xFFFFFFD0] =	vst v4;
	(pc) =	sbr.rel @p0 .LBB2_6-.Ltmp1, $4  }
0xe0: {  	[tilespmem:s16+$0xFFFFFF90] =	vst v12  }
0xe1: {  	[tilespmem:s16+$0xFFFFFFE0] =	vst v5;
	v6 =	vld [tilespmem:s16+$0x50]  }
0xe2: {  	[tilespmem:s16+$0xFFFFFFC0] =	vst v9;
	v5 =	vld [tilespmem:s16+$0x60]  }
0xe3: {  	v4 =	vld.msk [tilespmem:s23+$0x0 ss:$0x0], $0xffff  }
0xe4: {  	_ =	sdelay $0x1  }
0xe5: {  	v7 =	vld [tilespmem:s29+$0x30]  }
0xe6: {  	v8 =	vld [tilespmem:s29+$0x40]  }
0xe7: {  	v9 =	vld [tilespmem:s29+$0x20];
	v2 =	vmul.f32 v4, v2  }
0xe8: {  	v6 =	vmul.f32 v6, v4  }
0xe9: {  	v10 =	vld [tilespmem:s29+$0x70];
	v3 =	vmul.f32 v3, v4;
	[tilespmem:s29+$0x0] =	vst v2  }
0xea: {  	v7 =	vmul.f32 v7, v4;
	[tilespmem:s29+$0x50] =	vst v6  }
0xeb: {  	v2 =	vmul.f32 v8, v4;
	[tilespmem:s29+$0x10] =	vst v3  }
0xec: {  	[tilespmem:s29+$0x30] =	vst v7;
	v7 =	vmul.f32 v9, v4  }
0xed: {  	[tilespmem:s29+$0x40] =	vst v2;
	v2 =	vmul.f32 v5, v4  }
0xee: {  	v4 =	vmul.f32 v10, v4;
	[tilespmem:s29+$0x20] =	vst v7  }
0xef: {  	[tilespmem:s29+$0x60] =	vst v2  }
0xf0: {  	[tilespmem:s29+$0x70] =	vst v4  }
0xf1: {  	[spmem:s4] =	stream.indirect.scatter.add.f32 [tilespmem:s13], [sflag:$0x4], $0x80, s18, s10, $0xb8;
	[tilespmem:$0x1BE00] =	vst v63  }
0xf2: {  	_ =	swait.ge [sflag:s0], $0x2800  }
0xf3: {  	[sflag:s0] =	ssyncset.done $0x0  }
0xf4: {  	[sflag:s0] =	ssyncadd.s32 $0xFFFFD800  }
0xf5: {  	v2 =	vld [tilespmem:s28+$0x8A0];
	_ =	sdelay $0x4  }
0xf6: {  	v2 =	vadd.s32 v0, v2  }
0xf7: {  	[tilespmem:$0x1800] =	vst v2  }
0xf8: {  	v2 =	vld [tilespmem:s28+$0xA0];
	_ =	sdelay $0x4  }
0xf9: {  	[tilespmem:$0x1900] =	vst v2  }
0xfa: {  	v2 =	vld [tilespmem:s28+$0x8B0];
	_ =	sdelay $0x4  }
0xfb: {  	v2 =	vadd.s32 v0, v2  }
0xfc: {  	[tilespmem:$0x1810] =	vst v2  }
0xfd: {  	v2 =	vld [tilespmem:s28+$0xB0];
	_ =	sdelay $0x4  }
0xfe: {  	[tilespmem:$0x1910] =	vst v2  }
0xff: {  	v2 =	vld [tilespmem:s28+$0x8C0];
	_ =	sdelay $0x4  }
0x100: {  	v2 =	vadd.s32 v0, v2  }
0x101: {  	[tilespmem:$0x1820] =	vst v2  }
0x102: {  	v2 =	vld [tilespmem:s28+$0xC0];
	_ =	sdelay $0x4  }
0x103: {  	[tilespmem:$0x1920] =	vst v2  }
0x104: {  	v2 =	vld [tilespmem:s28+$0x8D0];
	_ =	sdelay $0x4  }
0x105: {  	v2 =	vadd.s32 v0, v2  }
0x106: {  	[tilespmem:$0x1830] =	vst v2  }
0x107: {  	v2 =	vld [tilespmem:s28+$0xD0];
	_ =	sdelay $0x4  }
0x108: {  	[tilespmem:$0x1930] =	vst v2  }
0x109: {  	v2 =	vld [tilespmem:s28+$0x8E0];
	_ =	sdelay $0x4  }
0x10a: {  	v2 =	vadd.s32 v0, v2  }
0x10b: {  	[tilespmem:$0x1840] =	vst v2  }
0x10c: {  	v2 =	vld [tilespmem:s28+$0xE0];
	_ =	sdelay $0x4  }
0x10d: {  	[tilespmem:$0x1940] =	vst v2  }
0x10e: {  	[tilespmem:s13], [sflag:$0x2] =	stream.indirect.gather [hbm4b:s7+s10], $0x80, s11, s10, $0xb8;
	[tilespmem:$0x1BE00] =	vst v63  }
0x10f: {  	_ =	swait.ge [sflag:s19], $0x2800  }
0x110: {  	[sflag:s19] =	ssyncset.done $0x0  }
0x111: {  	s28 =	simm.s32 $0x42F0;
	[sflag:s19] =	ssyncadd.s32 $0xFFFFD800  }
0x112: {  	s16 =	sadd.s32 $0x0, s25;
	v3 =	vld [tilespmem:s28+$0xFFFFFF80]  }
0x113: {  	v6 =	vld.msk [tilespmem:s16+$0xFFFFFFFF ss:$0x0], $0xffff  }
0x114: {  	v7 =	vld [tilespmem:s28+$0xFFFFFF10]  }
0x115: {  	v8 =	vld [tilespmem:s28+$0xFFFFFF30]  }
0x116: {  	v62 =	vld [tilespmem:s28+$0xFFFFFF40]  }
0x117: {  	v4 =	vld [tilespmem:s28+$0xFFFFFF60]  }
0x118: {  	v5 =	vld [tilespmem:s28+$0xFFFFFF50];
	v12 =	vmul.f32 v3, v6  }
0x119: {  	v11 =	vld [tilespmem:s28+$0xFFFFFF20];
	v7 =	vmul.f32 v6, v7  }
0x11a: {  	v63 =	vld [tilespmem:s28+$0xFFFFFF70];
	v8 =	vmul.f32 v8, v6;
	[tilespmem:s28+$0xFFFFFF80] =	vst v12  }
0x11b: {  	v9 =	vmul.f32 v62, v6;
	[tilespmem:s28+$0xFFFFFF10] =	vst v7  }
0x11c: {  	v4 =	vmul.f32 v4, v6;
	[tilespmem:s28+$0xFFFFFF30] =	vst v8  }
0x11d: {  	v5 =	vmul.f32 v5, v6;
	[tilespmem:s28+$0xFFFFFF40] =	vst v9  }
0x11e: {  	v2 =	vld [tilespmem:s28+$0xFFFFFF90];
	v7 =	vmul.f32 v11, v6;
	[tilespmem:s28+$0xFFFFFF60] =	vst v4  }
0x11f: {  	v3 =	vld [tilespmem:s28+$0xFFFFFFA0];
	v8 =	vmul.f32 v63, v6;
	[tilespmem:s28+$0xFFFFFF50] =	vst v5  }
0x120: {  	v4 =	vld [tilespmem:s28+$0xFFFFFFF0];
	[tilespmem:s28+$0xFFFFFF20] =	vst v7  }
0x121: {  	v6 =	vld [tilespmem:s28+$0xFFFFFFE0];
	[tilespmem:s28+$0xFFFFFF70] =	vst v8  }
0x122: {  	s12 =	simm.s32 $0x8;
	v5 =	vld.msk [tilespmem:s16+$0x0 ss:$0x0], $0xffff;
	s16 =	simm.s32 $0x42F0  }
.LBB2_8:
0x123: {  	p0 =	sne.s32 s12, $0x138  }
0x124: {  	v7 =	vld [tilespmem:s28+$0xFFFFFFC0];
	s16 =	sadd.s32 $0x100, s16;
	s23 =	smov.u32 s12;
	s12 =	sadd.s32 $0x8, s12  }
0x125: {  	v8 =	vld [tilespmem:s28+$0xFFFFFFB0]  }
0x126: {  	v9 =	vld [tilespmem:s28+$0xFFFFFFD0]  }
0x127: {  	v10 =	vld [tilespmem:s28+$0x0];
	_ =	sdelay $0x1  }
0x128: {  	v2 =	vmul.f32 v5, v2;
	v3 =	vmul.f32 v3, v5  }
0x129: {  	v7 =	vmul.f32 v7, v5;
	v8 =	vmul.f32 v8, v5  }
0x12a: {  	v6 =	vmul.f32 v6, v5;
	[tilespmem:s28+$0xFFFFFF90] =	vst v2;
	v9 =	vmul.f32 v9, v5  }
0x12b: {  	v4 =	vmul.f32 v4, v5;
	v2 =	vld [tilespmem:s16+$0xFFFFFF90];
	[tilespmem:s28+$0xFFFFFFC0] =	vst v7;
	v5 =	vmul.f32 v10, v5  }
0x12c: {  	[tilespmem:s28+$0xFFFFFFD0] =	vst v9  }
0x12d: {  	v7 =	vld [tilespmem:s16+$0xFFFFFF60];
	[tilespmem:s28+$0xFFFFFFE0] =	vst v6  }
0x12e: {  	v6 =	vld [tilespmem:s16+$0xFFFFFF50];
	[tilespmem:s28+$0xFFFFFFB0] =	vst v8  }
0x12f: {  	v8 =	vld [tilespmem:s16+$0xFFFFFF40];
	[tilespmem:s28+$0xFFFFFFF0] =	vst v4  }
0x130: {  	s23 =	sshra.s32 s23, $0x2;
	v4 =	vld [tilespmem:s16+$0xFFFFFF70];
	[tilespmem:s28+$0xFFFFFFA0] =	vst v3  }
0x131: {  	s23 =	sadd.s32 s23, s25;
	v9 =	vld [tilespmem:s16+$0xFFFFFF80];
	[tilespmem:s28+$0x0] =	vst v5;
	s28 =	smov.u32 s16  }
0x132: {  	v5 =	vld.msk [tilespmem:s23+$0xFFFFFFFF ss:$0x0], $0xffff  }
0x133: {  	v10 =	vld [tilespmem:s16+$0xFFFFFF10]  }
0x134: {  	v11 =	vld [tilespmem:s16+$0xFFFFFF30]  }
0x135: {  	v12 =	vld [tilespmem:s16+$0xFFFFFF20]  }
0x136: {  	v3 =	vld [tilespmem:s16+$0xFFFFFFA0];
	_ =	sdelay $0x1  }
0x137: {  	v9 =	vmul.f32 v9, v5;
	v10 =	vmul.f32 v5, v10  }
0x138: {  	v4 =	vmul.f32 v4, v5;
	v11 =	vmul.f32 v11, v5  }
0x139: {  	v8 =	vmul.f32 v8, v5;
	v12 =	vmul.f32 v12, v5;
	[tilespmem:s16+$0xFFFFFF80] =	vst v9  }
0x13a: {  	v6 =	vmul.f32 v6, v5;
	v5 =	vmul.f32 v7, v5;
	[tilespmem:s16+$0xFFFFFF10] =	vst v10  }
0x13b: {  	[tilespmem:s16+$0xFFFFFF30] =	vst v11  }
0x13c: {  	[tilespmem:s16+$0xFFFFFF40] =	vst v8  }
.Ltmp2:
0x13d: {  	[tilespmem:s16+$0xFFFFFF60] =	vst v5;
	(pc) =	sbr.rel @p0 .LBB2_8-.Ltmp2, $4  }
0x13e: {  	[tilespmem:s16+$0xFFFFFF20] =	vst v12  }
0x13f: {  	[tilespmem:s16+$0xFFFFFF70] =	vst v4;
	v4 =	vld [tilespmem:s16+$0xFFFFFFF0]  }
0x140: {  	[tilespmem:s16+$0xFFFFFF50] =	vst v6;
	v6 =	vld [tilespmem:s16+$0xFFFFFFE0]  }
0x141: {  	v5 =	vld.msk [tilespmem:s23+$0x0 ss:$0x0], $0xffff  }
0x142: {  	_ =	sdelay $0x1  }
0x143: {  	v7 =	vld [tilespmem:s28+$0xFFFFFFC0]  }
0x144: {  	v9 =	vld [tilespmem:s28+$0xFFFFFFB0]  }
0x145: {  	v8 =	vld [tilespmem:s28+$0xFFFFFFD0];
	v2 =	vmul.f32 v5, v2  }
0x146: {  	v10 =	vld [tilespmem:s28+$0x0];
	v6 =	vmul.f32 v6, v5  }
0x147: {  	v3 =	vmul.f32 v3, v5;
	[tilespmem:s28+$0xFFFFFF90] =	vst v2  }
0x148: {  	v7 =	vmul.f32 v7, v5;
	[tilespmem:s28+$0xFFFFFFE0] =	vst v6  }
0x149: {  	v62 =	vmul.f32 v9, v5;
	[tilespmem:s28+$0xFFFFFFA0] =	vst v3  }
0x14a: {  	v2 =	vmul.f32 v8, v5;
	[tilespmem:s28+$0xFFFFFFC0] =	vst v7  }
0x14b: {  	v63 =	vmul.f32 v10, v5;
	[tilespmem:s28+$0xFFFFFFB0] =	vst v62  }
0x14c: {  	s26 =	sadd.s32 $0x1, s26;
	[tilespmem:s28+$0xFFFFFFD0] =	vst v2;
	v2 =	vmul.f32 v4, v5  }
0x14d: {  	p0 =	sne.s32 s26, $0xC;
	[tilespmem:s28+$0x0] =	vst v63  }
.Ltmp3:
0x14e: {  	[tilespmem:s28+$0xFFFFFFF0] =	vst v2;
	(pc) =	sbr.rel @p0 .LBB2_5-.Ltmp3, $4  }
0x14f: {  	[spmem:s4] =	stream.indirect.scatter.add.f32 [tilespmem:s15], [sflag:$0x4], $0x80, s20, s10, $0xb8;
	[tilespmem:$0x1BE00] =	vst v63  }
0x150: {  	_ =	swait.ge [sflag:s0], $0x2800  }
0x151: {  	[sflag:s0] =	ssyncset.done $0x0  }
0x152: {  	s24 =	sadd.s32 $0xA0, s24;
	s25 =	sadd.s32 $0xA0, s25;
	[sflag:s0] =	ssyncadd.s32 $0xFFFFD800  }
0x153: {  	_ =	swait.ge [sflag:s17], $0x2800  }
0x154: {  	[sflag:s17] =	ssyncset.done $0x0  }
0x155: {  	s24 =	simm.s32 $0x1A80;
	[sflag:s17] =	ssyncadd.s32 $0xFFFFD800  }
0x156: {  	s16 =	simm.s32 $0x0;
	v3 =	vld [tilespmem:s24+$0xFFFFFFF0]  }
0x157: {  	v6 =	vld.msk [tilespmem:s16+$0x1780 ss:$0x0], $0xffff  }
0x158: {  	v7 =	vld [tilespmem:s24+$0xFFFFFF80]  }
0x159: {  	v8 =	vld [tilespmem:s24+$0xFFFFFFA0]  }
0x15a: {  	v9 =	vld [tilespmem:s24+$0xFFFFFFB0]  }
0x15b: {  	v4 =	vld [tilespmem:s24+$0xFFFFFFD0]  }
0x15c: {  	v11 =	vld [tilespmem:s24+$0xFFFFFF90];
	v12 =	vmul.f32 v3, v6  }
0x15d: {  	v10 =	vld [tilespmem:s24+$0xFFFFFFE0];
	v7 =	vmul.f32 v6, v7  }
0x15e: {  	v5 =	vld [tilespmem:s24+$0xFFFFFFC0];
	v8 =	vmul.f32 v8, v6;
	[tilespmem:s24+$0xFFFFFFF0] =	vst v12  }
0x15f: {  	v9 =	vmul.f32 v9, v6;
	[tilespmem:s24+$0xFFFFFF80] =	vst v7  }
0x160: {  	v4 =	vmul.f32 v4, v6;
	[tilespmem:s24+$0xFFFFFFA0] =	vst v8  }
0x161: {  	v7 =	vmul.f32 v11, v6;
	[tilespmem:s24+$0xFFFFFFB0] =	vst v9  }
0x162: {  	v2 =	vld [tilespmem:s24+$0x0];
	v8 =	vmul.f32 v10, v6;
	[tilespmem:s24+$0xFFFFFFD0] =	vst v4  }
0x163: {  	v3 =	vld [tilespmem:s24+$0x10];
	v4 =	vmul.f32 v5, v6;
	[tilespmem:s24+$0xFFFFFF90] =	vst v7  }
0x164: {  	v6 =	vld [tilespmem:s24+$0x50];
	[tilespmem:s24+$0xFFFFFFE0] =	vst v8  }
0x165: {  	v5 =	vld [tilespmem:s24+$0x60];
	[tilespmem:s24+$0xFFFFFFC0] =	vst v4  }
0x166: {  	s12 =	simm.s32 $0x8;
	v4 =	vld.msk [tilespmem:s16+$0x1781 ss:$0x0], $0xffff;
	s16 =	simm.s32 $0x1A80  }
.LBB2_11:
0x167: {  	p0 =	sne.s32 s12, $0x138  }
0x168: {  	v7 =	vld [tilespmem:s24+$0x30];
	s16 =	sadd.s32 $0x100, s16;
	s23 =	smov.u32 s12;
	s12 =	sadd.s32 $0x8, s12  }
0x169: {  	v8 =	vld [tilespmem:s24+$0x20]  }
0x16a: {  	v9 =	vld [tilespmem:s24+$0x40]  }
0x16b: {  	v10 =	vld [tilespmem:s24+$0x70];
	_ =	sdelay $0x1  }
0x16c: {  	v2 =	vmul.f32 v4, v2;
	v3 =	vmul.f32 v3, v4  }
0x16d: {  	v7 =	vmul.f32 v7, v4;
	v8 =	vmul.f32 v8, v4  }
0x16e: {  	v6 =	vmul.f32 v6, v4;
	[tilespmem:s24+$0x0] =	vst v2;
	v9 =	vmul.f32 v9, v4  }
0x16f: {  	v5 =	vmul.f32 v5, v4;
	v2 =	vld [tilespmem:s16+$0x0];
	[tilespmem:s24+$0x30] =	vst v7;
	v4 =	vmul.f32 v10, v4  }
0x170: {  	[tilespmem:s24+$0x40] =	vst v9  }
0x171: {  	v7 =	vld [tilespmem:s16+$0xFFFFFFD0];
	[tilespmem:s24+$0x50] =	vst v6  }
0x172: {  	v6 =	vld [tilespmem:s16+$0xFFFFFFC0];
	[tilespmem:s24+$0x20] =	vst v8  }
0x173: {  	v8 =	vld [tilespmem:s16+$0xFFFFFFB0];
	[tilespmem:s24+$0x60] =	vst v5  }
0x174: {  	v5 =	vld [tilespmem:s16+$0xFFFFFFE0];
	[tilespmem:s24+$0x10] =	vst v3  }
0x175: {  	s23 =	sshra.s32 s23, $0x2;
	v9 =	vld [tilespmem:s16+$0xFFFFFFF0];
	[tilespmem:s24+$0x70] =	vst v4;
	s24 =	smov.u32 s16  }
0x176: {  	v4 =	vld.msk [tilespmem:s23+$0x1780 ss:$0x0], $0xffff  }
0x177: {  	v10 =	vld [tilespmem:s16+$0xFFFFFF80]  }
0x178: {  	v11 =	vld [tilespmem:s16+$0xFFFFFFA0]  }
0x179: {  	v12 =	vld [tilespmem:s16+$0xFFFFFF90]  }
0x17a: {  	v3 =	vld [tilespmem:s16+$0x10];
	_ =	sdelay $0x1  }
0x17b: {  	v9 =	vmul.f32 v9, v4;
	v10 =	vmul.f32 v4, v10  }
0x17c: {  	v5 =	vmul.f32 v5, v4;
	v11 =	vmul.f32 v11, v4  }
0x17d: {  	v8 =	vmul.f32 v8, v4;
	v12 =	vmul.f32 v12, v4;
	[tilespmem:s16+$0xFFFFFFF0] =	vst v9  }
0x17e: {  	v9 =	vmul.f32 v6, v4;
	v4 =	vmul.f32 v7, v4;
	[tilespmem:s16+$0xFFFFFF80] =	vst v10  }
0x17f: {  	[tilespmem:s16+$0xFFFFFFA0] =	vst v11  }
0x180: {  	[tilespmem:s16+$0xFFFFFFB0] =	vst v8  }
.Ltmp4:
0x181: {  	[tilespmem:s16+$0xFFFFFFD0] =	vst v4;
	(pc) =	sbr.rel @p0 .LBB2_11-.Ltmp4, $4  }
0x182: {  	[tilespmem:s16+$0xFFFFFF90] =	vst v12  }
0x183: {  	[tilespmem:s16+$0xFFFFFFE0] =	vst v5;
	v6 =	vld [tilespmem:s16+$0x50]  }
0x184: {  	[tilespmem:s16+$0xFFFFFFC0] =	vst v9;
	v5 =	vld [tilespmem:s16+$0x60]  }
0x185: {  	v4 =	vld.msk [tilespmem:s23+$0x1781 ss:$0x0], $0xffff  }
0x186: {  	_ =	sdelay $0x1  }
0x187: {  	v7 =	vld [tilespmem:s24+$0x30]  }
0x188: {  	v9 =	vld [tilespmem:s24+$0x20]  }
0x189: {  	v8 =	vld [tilespmem:s24+$0x40];
	v2 =	vmul.f32 v4, v2  }
0x18a: {  	v10 =	vld [tilespmem:s24+$0x70];
	v6 =	vmul.f32 v6, v4  }
0x18b: {  	v3 =	vmul.f32 v3, v4;
	[tilespmem:s24+$0x0] =	vst v2  }
0x18c: {  	v7 =	vmul.f32 v7, v4;
	[tilespmem:s24+$0x50] =	vst v6  }
0x18d: {  	v62 =	vmul.f32 v9, v4;
	[tilespmem:s24+$0x10] =	vst v3  }
0x18e: {  	v2 =	vmul.f32 v8, v4;
	[tilespmem:s24+$0x30] =	vst v7  }
0x18f: {  	v63 =	vmul.f32 v10, v4;
	[tilespmem:s24+$0x20] =	vst v62  }
0x190: {  	s22 =	sadd.s32 $0x1, s22;
	[tilespmem:s24+$0x40] =	vst v2;
	v2 =	vmul.f32 v5, v4  }
0x191: {  	p0 =	sne.s32 s22, $0xA;
	[tilespmem:s24+$0x70] =	vst v63  }
.Ltmp5:
0x192: {  	[tilespmem:s24+$0x60] =	vst v2;
	(pc) =	sbr.rel @p0 .LBB2_4-.Ltmp5, $4  }
0x193: {  	[spmem:s4] =	stream.indirect.scatter.add.f32 [tilespmem:s13], [sflag:$0x4], $0x80, s18, s10, $0xb8;
	[tilespmem:$0x1BE00] =	vst v63  }
0x194: {  	_ =	swait.ge [sflag:s0], $0x2800  }
0x195: {  	[sflag:s0] =	ssyncset.done $0x0  }
0x196: {  	[sflag:s0] =	ssyncadd.s32 $0xFFFFD800  }
0x197: {  	s12 =	stileid.u32;
	[bflag:$0x0] =	sbarrier.arrive $0xFFFF  }
0x198: {  	s12 =	sshll.u32 s12, $0x6;
	s23 =	rddreg [dreg:$0xc]  }
0x199: {  	s21 =	rddreg [dreg:$0xe];
	s12 =	sor.u32 $0x1C04, s12;
	s16 =	sshrl.u32 s23, $0x3  }
0x19a: {  	[hbm:s21], [sflag:s12] =	dma.local [spmem:s16], $0xA00  }
0x19b: {  	_ =	swait.ge [sflag:s0], $0xA00  }
0x19c: {  	[sflag:s0] =	ssyncset.done $0x0;
	s21 =	rddreg [dreg:$0x8]  }
0x19d: {  	s22 =	rddreg [dreg:$0xf];
	[sflag:s0] =	ssyncadd.s32 $0xFFFFF600;
	s29 =	sshrl.u32 s21, $0x3  }
0x19e: {  	[hbm:s22], [sflag:s12] =	dma.local [spmem:s29], $0xA00  }
0x19f: {  	_ =	swait.ge [sflag:s0], $0xA00  }
0x1a0: {  	[sflag:s0] =	ssyncset.done $0x0  }
0x1a1: {  	s24 =	sshrl.u32 s8, $0x3;
	s25 =	rddreg [dreg:$0x10];
	[sflag:s0] =	ssyncadd.s32 $0xFFFFF600  }
0x1a2: {  	[hbm:s25], [sflag:s12] =	dma.local [spmem:s24], $0xA00  }
0x1a3: {  	_ =	swait.ge [sflag:s0], $0xA00  }
0x1a4: {  	[sflag:s0] =	ssyncset.done $0x0;
	s24 =	rddreg [dreg:$0x13]  }
0x1a5: {  	s28 =	rddreg [dreg:$0x11];
	[sflag:s0] =	ssyncadd.s32 $0xFFFFF600;
	s26 =	sshrl.u32 s24, $0x3  }
0x1a6: {  	[hbm:s28], [sflag:s12] =	dma.local [spmem:s26], $0xA00  }
0x1a7: {  	_ =	swait.ge [sflag:s0], $0xA00  }
0x1a8: {  	s5 =	sadd.s32 $0x1, s5;
	s29 =	rddreg [dreg:$0x14]  }
0x1a9: {  	p0 =	sne.s32 s5, s29  }
.Ltmp6:
0x1aa: {  	_ = 	snop;
	(pc) =	sbr.rel @p0 .LBB2_1-.Ltmp6, $3  }
0x1ab: {  	_ =	sdelay $0x1  }
0x1ac: {  	[sflag:s0] =	ssyncset.done $0x0  }
0x1ad: {  	s22 =	smov.u32 s8;
	[sflag:s0] =	ssyncadd.s32 $0xFFFFF600  }
0x1ae: {  	_ =	sfence.sel $0x180000  }
0x1af: {  	[bflag:$0x0] =	sbarrier.arrive $0xFFFF  }
0x1b0: {  	_ =	strace $0x9000004A  }
0x1b1: {  	s0 =	stileid.u32;
	[bflag:$0x2] =	sbarrier.arrive $0xFFFF  }
0x1b2: {  	p0 =	sne.s32 s0, $0x0;
	s0 =	rddreg [dreg:$0x4]  }
0x1b3: {  	s0 =	sadd.s32 @!p0 $0x100000, s0  }
0x1b4: {  	[sflag:s0] =	ssyncadd.tile.s32 @!p0 $0x1;
	_ =	shalt  }
.Lfunc_end2:
_tile_overlayer_lowered:
.L_overlay_start_2:
0x1b5: {  	(tag) =	ssettag $0x2  }
0x1b6: {  	s0 =	rddreg [dreg:$0x0];
	s2 =	stileid.u32  }
0x1b7: {  	s1 =	rddreg [dreg:$0x1];
	p0 =	sne.s32 s2, $0x0  }
0x1b8: {  	s3 =	rddreg [dreg:$0x2];
	[bflag:$0x3] =	sbarrier.arrive $0xFFFF;
	s2 =	simm.s32 @!p0 $0x1C04  }
0x1b9: {  	[timem:s3], [sflag:s2] =	dma.local @!p0 [hbm:s0], s1  }
0x1ba: {  	s0 =	simm.s32 @!p0 $0x4  }
0x1bb: {  	_ =	swait.ge @!p0 [sflag:s0], s1  }
0x1bc: {  	s1 =	ssub.s32 @!p0 $0x0, s1;
	[sflag:s0] =	ssyncset.done @!p0 $0x0  }
0x1bd: {  	[sflag:s0] =	ssyncadd.s32 @!p0 s1  }
0x1be: {  	[bflag:$0x3] =	sbarrier.arrive $0xFFFF  }
0x1bf: {  	_ =	shalt  }

// kernel: kernel.9.cloned.1.call-start
scs
__scs_entry_jumppad:
0x0: {  	(pc) =	sbr.rel $0x88, $3  }
0x1: {  	(tag) =	ssettag $0x0;
	lr =	simm.s32 $0x1  }
0x2: {  	[smem:$0x3F9A] =	sst lr;
	_ =	strace $0xD0000000  }
0x3: {  	_ = 	snop  }
0x4: {  	_ = 	snop  }
0x5: {  	_ = 	snop  }
0x6: {  	_ = 	snop  }
0x7: {  	_ = 	snop  }
__scs_overlays_trampoline_lowered:
0x8: {  	[smem:$0x3FA9] =	sst s0  }
0x9: {  	[smem:$0x3FAA] =	sst s1  }
0xa: {  	[smem:$0x3FAB] =	sst s2  }
0xb: {  	[smem:$0x3FAC] =	sst s3  }
0xc: {  	[smem:$0x3FAD] =	sst s4  }
0xd: {  	[smem:$0x3FAE] =	sst s5  }
0xe: {  	[smem:$0x3FAF] =	sst s6  }
0xf: {  	[smem:$0x3FB0] =	sst s7  }
0x10: {  	[smem:$0x3FB1] =	sst s8  }
0x11: {  	[smem:$0x3FB2] =	sst s9;
	s0 =	simm.s32 @!p0 $0x0  }
0x12: {  	s1 =	sld [smem:$0x3F98];
	s0 =	simm.s32 @p0 $0x1  }
0x13: {  	[smem:$0x3FB3] =	sst s0;
	s0 =	simm.s32 @!p1 $0x0  }
0x14: {  	s2 =	sld [smem:$0x3F97];
	s0 =	simm.s32 @p1 $0x1  }
0x15: {  	[smem:$0x3FB4] =	sst s0;
	s0 =	simm.s32 @!p2 $0x0  }
0x16: {  	s3 =	sld [smem:$0x3FDB];
	s0 =	simm.s32 @p2 $0x1  }
0x17: {  	s4 =	simm.s32 $0x1BF5;
	[smem:$0x3FB6] =	sst s0  }
0x18: {  	s0 =	sld [smem:$0x3F99];
	_ =	swait.ge [sflag:s4], $0x0  }
0x19: {  	s7 =	sld [smem:$0x3F9A]  }
0x1a: {  	s8 =	sadd.s32 $0xFFFFE003, lr  }
0x1b: {  	s9 =	sadd.s32 $0xFFFFFEF7, lr;
	s5 =	simm.s32 $0xFFFFFFFF;
	p2 =	slt.u32 s8, $0xFFFFF086  }
0x1c: {  	p1 =	slt.u32 s9, $0xF7A;
	s5 =	simm.s32 @!p2 $0x0  }
0x1d: {  	s5 =	simm.s32 @p1 $0x1;
	p0 =	seq.s32 s7, s2  }
0x1e: {  	s7 =	smul.u32 @!p0 $0xF7A, s2;
	p2 =	seq.s32 @!p0 s5, $0x0  }
0x1f: {  	s9 =	smul.u32 $0xF7A, s1;
	s8 =	simm.s32 @!p0 $0x1BF5;
	p2 =	por !p2, p0  }
0x20: {  	[sflag:s8] =	ssyncset.s32 @!p0 $0xFFFFF086;
	s6 =	sadd.s32 @!p0 s3, s7;
	s7 =	simm.s32 @!p0 $0x108  }
0x21: {  	s3 =	sadd.s32 s3, s9;
	s6 =	sadd.s32 @!p0 $0x88, s6;
	s7 =	simm.s32 @p2 $0x1082  }
0x22: {  	[simem:s7], [sflag:s8] =	dma.local @!p0 [hbm:s6], $0xF7A  }
0x23: {  	s9 =	sor.u32 $0xD0000000, s2;
	s6 =	simm.s32 $0x108;
	_ =	swait.ge @!p0 [sflag:s8], $0x0  }
0x24: {  	s3 =	sadd.s32 $0x88, s3;
	s6 =	simm.s32 @!p1 $0x1082;
	[sflag:s4] =	ssyncset.s32 $0xFFFFF086  }
0x25: {  	[simem:s6], [sflag:s4] =	dma.local [hbm:s3], $0xF7A  }
0x26: {  	[smem:$0x3F9A] =	sst s1;
	(tag) =	ssettag s2;
	_ =	strace s9  }
0x27: {  	s1 =	sld [smem:$0x3FAA]  }
0x28: {  	s2 =	sld [smem:$0x3FAB]  }
0x29: {  	s4 =	sld [smem:$0x3FAD]  }
0x2a: {  	p0 =	seq.s32 s5, $0x0;
	s5 =	sld [smem:$0x3FAE]  }
0x2b: {  	s6 =	sld [smem:$0x3FAF]  }
0x2c: {  	s7 =	sld [smem:$0x3FB0]  }
0x2d: {  	s3 =	simm.s32 $0x108;
	s8 =	sld [smem:$0x3FB1]  }
0x2e: {  	s3 =	simm.s32 @!p0 $0x1082;
	s9 =	sld [smem:$0x3FB2]  }
0x2f: {  	lr =	sadd.s32 s0, s3;
	s0 =	sld [smem:$0x3FA9]  }
0x30: {  	s3 =	sld [smem:$0x3FAC]  }
0x31: {  	[smem:$0x3FB5] =	sst s10  }
0x32: {  	s10 =	sld [smem:$0x3FB3];
	_ =	sdelay $0x3  }
0x33: {  	p0 =	seq.s32 s10, $0x1;
	s10 =	sld [smem:$0x3FB5];
	_ =	sdelay $0x3  }
0x34: {  	[smem:$0x3FB5] =	sst s10  }
0x35: {  	s10 =	sld [smem:$0x3FB4];
	_ =	sdelay $0x3  }
0x36: {  	p1 =	seq.s32 s10, $0x1;
	s10 =	sld [smem:$0x3FB5];
	_ =	sdelay $0x3  }
0x37: {  	[smem:$0x3FB5] =	sst s10  }
0x38: {  	s10 =	sld [smem:$0x3FB6]  }
0x39: {  	_ = 	snop;
	(pc) =	sbr.ind lr, $3  }
0x3a: {  	_ = 	snop  }
0x3b: {  	_ = 	snop  }
0x3c: {  	p2 =	seq.s32 s10, $0x1;
	s10 =	sld [smem:$0x3FB5]  }
0x3d: {  	_ =	shalt  }
0x3e: {  	_ =	shalt  }
0x3f: {  	_ =	shalt  }
0x40: {  	_ =	shalt  }
0x41: {  	_ =	shalt  }
0x42: {  	_ =	shalt  }
0x43: {  	_ =	shalt  }
0x44: {  	_ =	shalt  }
0x45: {  	_ =	shalt  }
0x46: {  	_ =	shalt  }
0x47: {  	_ =	shalt  }
0x48: {  	_ =	shalt  }
0x49: {  	_ =	shalt  }
0x4a: {  	_ =	shalt  }
0x4b: {  	_ =	shalt  }
0x4c: {  	_ =	shalt  }
0x4d: {  	_ =	shalt  }
0x4e: {  	_ =	shalt  }
0x4f: {  	_ =	shalt  }
0x50: {  	_ =	shalt  }
0x51: {  	_ =	shalt  }
0x52: {  	_ =	shalt  }
0x53: {  	_ =	shalt  }
0x54: {  	_ =	shalt  }
0x55: {  	_ =	shalt  }
0x56: {  	_ =	shalt  }
0x57: {  	_ =	shalt  }
0x58: {  	_ =	shalt  }
0x59: {  	_ =	shalt  }
0x5a: {  	_ =	shalt  }
0x5b: {  	_ =	shalt  }
0x5c: {  	_ =	shalt  }
0x5d: {  	_ =	shalt  }
0x5e: {  	_ =	shalt  }
0x5f: {  	_ =	shalt  }
0x60: {  	_ =	shalt  }
0x61: {  	_ =	shalt  }
0x62: {  	_ =	shalt  }
0x63: {  	_ =	shalt  }
0x64: {  	_ =	shalt  }
0x65: {  	_ =	shalt  }
0x66: {  	_ =	shalt  }
0x67: {  	_ =	shalt  }
0x68: {  	_ =	shalt  }
0x69: {  	_ =	shalt  }
0x6a: {  	_ =	shalt  }
0x6b: {  	_ =	shalt  }
0x6c: {  	_ =	shalt  }
0x6d: {  	_ =	shalt  }
0x6e: {  	_ =	shalt  }
0x6f: {  	_ =	shalt  }
0x70: {  	_ =	shalt  }
0x71: {  	_ =	shalt  }
0x72: {  	_ =	shalt  }
0x73: {  	_ =	shalt  }
0x74: {  	_ =	shalt  }
0x75: {  	_ =	shalt  }
0x76: {  	_ =	shalt  }
0x77: {  	_ =	shalt  }
0x78: {  	_ =	shalt  }
0x79: {  	_ =	shalt  }
0x7a: {  	_ =	shalt  }
0x7b: {  	_ =	shalt  }
0x7c: {  	_ =	shalt  }
0x7d: {  	_ =	shalt  }
0x7e: {  	_ =	shalt  }
0x7f: {  	_ =	shalt  }
0x80: {  	_ =	shalt  }
0x81: {  	_ =	shalt  }
0x82: {  	_ =	shalt  }
0x83: {  	_ =	shalt  }
0x84: {  	_ =	shalt  }
0x85: {  	_ =	shalt  }
0x86: {  	_ =	shalt  }
0x87: {  	_ =	shalt  }
.Lfunc_end0:
.L_simem_size_0:
called_computation.1_lowered:
.L_overlay_start_0:
0x88: {  	s2 =	sld [smem:$0x3FD9]  }
0x89: {  	s3 =	sld [smem:$0x3FFE];
	_ =	sdelay $0x1  }
0x8a: {  	s1 =	srdreg.scid  }
0x8b: {  	s0 =	sand.u32 $0x1, s1  }
0x8c: {  	s17 =	sshll.u32 s0, $0xA;
	s2 =	sadd.s32 s3, s2  }
0x8d: {  	s2 =	sadd.s32 s2, s17  }
0x8e: {  	[smem:$0x3FC1] =	sst s2  }
0x8f: {  	_ = 	snop  }
0x90: {  	s2 =	sld [smem:$0x3FC7]  }
0x91: {  	s18 =	sld [smem:$0x3FD0];
	(tm) =	ssettm $0x1  }
0x92: {  	s4 =	sld [smem:$0x3FFB];
	_ =	sdelay $0x3  }
0x93: {  	_ =	strace s4  }
0x94: {  	s4 =	sld [smem:$0x3FFC];
	_ =	sdelay $0x3  }
0x95: {  	_ =	strace s4  }
0x96: {  	s4 =	sld [smem:$0x3FFD];
	_ =	sdelay $0x3  }
0x97: {  	_ =	strace s4  }
0x98: {  	_ =	strace $0x8FFFFFFF  }
0x99: {  	s19 =	sld [smem:$0x3FDB];
	_ =	sdelay $0x1  }
0x9a: {  	s5 =	simm.s32 $_scs_section_size  }
0x9b: {  	s6 =	simm.s32 $_size__tile_overlayer_lowered;
	s7 =	simm.s32 $_tile_overlayer_lowered  }
0x9c: {  	s22 =	simm.s32 $0x1BFF;
	s21 =	sshll.u32 s7, $0x1;
	s4 =	sadd.s32 s5, s19  }
0x9d: {  	s8 =	simm.s32 $0x0;
	s20 =	sshll.u32 s6, $0x1;
	s6 =	sadd.s32 s21, s4  }
0x9e: {  	[timem:s8], [sflag:s22] =	dma.local [hbm:s6], s20  }
0x9f: {  	_ =	swait.ge [sflag:s22], s20  }
0xa0: {  	s5 =	ssub.s32 $0x0, s20;
	[sflag:s22] =	ssyncset.done $0x0  }
0xa1: {  	[sflag:s22] =	ssyncadd.s32 s5;
	_ =	sdelay $0x1  }
0xa2: {  	s23 =	simm.s32 $0x1B8B  }
0xa3: {  	_ =	swait.ge [sflag:s23], $0x1  }
0xa4: {  	[sflag:s23] =	ssyncset.done $0x0  }
0xa5: {  	s25 =	simm.s32 $0x1B8E;
	s24 =	sld [smem:$0x3FFE];
	[sflag:s23] =	ssyncadd.s32 $0xFFFFFFFF  }
0xa6: {  	s26 =	simm.s32 $execute0_lowered;
	[smem:$0x3FD2] =	sst s25  }
0xa7: {  	s6 =	sshll.u32 s26, $0x1;
	_ =	strace $0x80000046;
	[dreg:$0x1] =	wrdreg $0xFFFFFFFF  }
0xa8: {  	s28 =	simm.s32 $_size_execute0_lowered;
	s4 =	sadd.s32 s4, s6;
	[dreg:$0x0] =	wrdreg $0x0  }
0xa9: {  	s6 =	sshll.u32 s28, $0x1;
	[dreg:$0x2] =	wrdreg s4  }
0xaa: {  	[dreg:$0x3] =	wrdreg s6  }
0xab: {  	[dreg:$0x4] =	wrdreg $0xC0  }
0xac: {  	_ =	task [dreg:s8], $0x5FFFF  }
0xad: {  	[dreg:$0x1] =	wrdreg $0xFFFFFFFF  }
0xae: {  	[dreg:$0x0] =	wrdreg $0x60  }
0xaf: {  	[dreg:$0x2] =	wrdreg s24  }
0xb0: {  	[dreg:$0x3] =	wrdreg s18  }
0xb1: {  	[dreg:$0x4] =	wrdreg s2  }
0xb2: {  	[dreg:$0x5] =	wrdreg $0xA  }
0xb3: {  	_ =	task.clear_ibuf [dreg:s8], $0x6FFFF;
	_ =	strace $0x90000046  }
0xb4: {  	s29 =	simm.s32 $0xA;
	_ =	strace $0x80000048  }
0xb5: {  	_ =	swait.ge [sflag:s29], $0x1  }
0xb6: {  	[sflag:s29] =	ssyncadd.s32 $0xFFFFFFFF  }
0xb7: {  	_ =	strace $0x90000048  }
0xb8: {  	_ =	sfence  }
0xb9: {  	s30 =	sld [smem:$0x0];
	_ =	sdelay $0x2  }
0xba: {  	s31 =	sshll.u32 s1, $0xD;
	s1 =	sshrl.u32 s1, $0x2  }
0xbb: {  	s3 =	sand.u32 $0x4000, s31;
	s1 =	sadd.s32 s1, s30  }
0xbc: {  	s0 =	sor.u32 s3, s0;
	s1 =	sshll.u32 s1, $0x11  }
0xbd: {  	s0 =	sor.u32 s1, s0  }
0xbe: {  	s0 =	sadd.s32 $0x8F2B, s0  }
0xbf: {  	[sflag:s0] =	ssyncadd.remote.s32 $0x1  }
0xc0: {  	_ =	sfence.sel $0xFFFF  }
0xc1: {  	[dreg:$0x0] =	wrdreg $0xFFFFFFFF;
	(pc) =	sbr.abs _section_cstart, $3  }
0xc2: {  	[dreg:$0x1] =	wrdreg $0xFFFFFFFF  }
0xc3: {  	_ =	task.clear_ibuf [dreg:s8], $0x2FFFF;
	_ =	strace $0x9FFFFFFF  }
0xc4: {  	(tm) =	ssettm $0x7FFFFFFF  }
0xc5: {  	_ =	shalt  }
tec
execute0_lowered:
.L_overlay_start_1:
0x0: {  	(tag) =	ssettag $0x1  }
0x1: {  	s0 =	rddreg [dreg:$0x0]  }
0x2: {  	s2 =	rddreg [dreg:$0x1]  }
0x3: {  	s3 =	rddreg [dreg:$0x2];
	s5 =	srdreg.scid  }
0x4: {  	s1 =	stileid.u32;
	s4 =	simm.s32 $0x0;
	s14 =	simm.s32 $0x3  }
0x5: {  	s15 =	simm.s32 $0xA400;
	s16 =	simm.s32 $0x10;
	s17 =	simm.s32 $0xF200  }
0x6: {  	s18 =	simm.s32 $0xEA00;
	s6 =	sand.u32 $0x1, s5;
	s29 =	sshll.u32 s1, $0x1  }
0x7: {  	s19 =	simm.s32 $0x2;
	s20 =	simm.s32 $0x0;
	s7 =	sor.u32 s6, s29  }
0x8: {  	[smem:$0x7FF] =	sst s4;
	s5 =	sadd.s32 $0x1800, s0;
	s8 =	smul.u32 $0x1400, s7  }
0x9: {  	_ =	strace $0x80000047;
	s10 =	ssub.s32 $0x2, s6;
	s9 =	smul.u32 $0x280, s7  }
.Ltmp0:
0xa: {  	s6 =	sadd.s32 $0xB600, s0;
	s11 =	sshrl.u32 s10, $0x1;
	(pc) =	sbr.rel .LBB2_1-.Ltmp0, $4  }
0xb: {  	s12 =	smul.u32 $0x140, s7;
	s31 =	ssub.s32 s10, s11;
	s10 =	simm.s32 $0xB880  }
0xc: {  	v2 =	vimm.f32 $-Inf;
	v3 =	vimm.f32 $0.0e+00;
	v4 =	vimm.s32 $0x140;
	s11 =	simm.s32 $0xC080;
	s30 =	sadd.s32 s8, s0;
	s0 =	sadd.s32 s9, s0  }
0xd: {  	vm0 =	vcmask $0x704;
	v5 =	vimm.s32 $0x4E20;
	s13 =	sadd.s32 $0x140, s12;
	s9 =	smax.u32 s31, $0x1;
	v0 =	vmov s12;
	s12 =	simm.s32 $0xC880  }
0xe: {  	v6 =	vsel vm0, $0x3F800000, v3;
	vm0 =	vmmov $0x1;
	s7 =	sadd.s32 $0x80A00, s30;
	s8 =	sadd.s32 $0xA8A00, s0;
	v1 =	vmov s13;
	s13 =	simm.s32 $0x1  }
.LBB2_12:
0xf: {  	[hbm4b:s7+s4] =	stream.linear.scatter [tilespmem:s4], [sflag:$0x3], $0xA000, $0x38;
	[tilespmem:$0xF280] =	vst v63  }
0x10: {  	s20 =	sadd.s32 $0x1, s20;
	_ =	swait.ge [sflag:s14], $0xA000  }
0x11: {  	p0 =	sne.s32 s20, s9;
	[sflag:s14] =	ssyncset.done $0x0  }
.Ltmp1:
0x12: {  	[sflag:s14] =	ssyncadd.s32 $0xFFFF6000;
	(pc) =	sbr.rel @!p0 .LBB2_13-.Ltmp1, $4  }
0x13: {  	[hbm4b:s8+s4] =	stream.linear.scatter [tilespmem:s15], [sflag:$0x3], $0x1400, $0x38;
	[tilespmem:$0xF280] =	vst v63  }
0x14: {  	_ =	swait.ge [sflag:s14], $0x1400  }
0x15: {  	[sflag:s14] =	ssyncset.done $0x0  }
0x16: {  	[sflag:s14] =	ssyncadd.s32 $0xFFFFEC00  }
.LBB2_1:
0x17: {  	s21 =	simm.s32 $0x40  }
0x18: {  	[tilespmem:s21+$0xFFFFFFD0] =	vst v2  }
0x19: {  	[tilespmem:s21+$0xFFFFFFE0] =	vst v2  }
0x1a: {  	[tilespmem:s21+$0xFFFFFFF0] =	vst v2  }
0x1b: {  	[tilespmem:s21+$0x0] =	vst v2  }
0x1c: {  	[tilespmem:s21+$0x10] =	vst v2  }
0x1d: {  	[tilespmem:s21+$0x20] =	vst v2  }
0x1e: {  	[tilespmem:s21+$0x30] =	vst v2  }
0x1f: {  	s0 =	simm.s32 $0x0;
	s22 =	simm.s32 $0x40;
	[tilespmem:s21+$0xFFFFFFC0] =	vst v2  }
.LBB2_2:
0x20: {  	p0 =	sne.s32 s22, $0x5000;
	[tilespmem:s0+$0xA400] =	vst v3;
	s21 =	sadd.s32 $0x80, s21  }
0x21: {  	[tilespmem:s21+$0xFFFFFFD0] =	vst v2  }
0x22: {  	[tilespmem:s21+$0xFFFFFFE0] =	vst v2  }
0x23: {  	[tilespmem:s21+$0xFFFFFFF0] =	vst v2  }
.Ltmp2:
0x24: {  	[tilespmem:s21+$0x0] =	vst v2;
	(pc) =	sbr.rel @p0 .LBB2_2-.Ltmp2, $4  }
0x25: {  	[tilespmem:s21+$0x10] =	vst v2  }
0x26: {  	[tilespmem:s21+$0x20] =	vst v2  }
0x27: {  	[tilespmem:s21+$0x30] =	vst v2  }
0x28: {  	s0 =	sshra.s32 s22, $0x2;
	s22 =	sadd.s32 $0x40, s22;
	[tilespmem:s21+$0xFFFFFFC0] =	vst v2  }
.Ltmp3:
0x29: {  	(pc) =	sbr.rel .LBB2_4-.Ltmp3, $2  }
0x2a: {  	_ =	sdelay $0x2  }
0x2b: {  	[tilespmem:s0+$0xA400] =	vst v3;
	s21 =	simm.s32 $0x0;
	s22 =	simm.s32 $0x0  }
.LBB2_11:
0x2c: {  	s22 =	sadd.s32 $0x1, s22  }
0x2d: {  	p0 =	sne.s32 s22, $0xA0  }
.Ltmp4:
0x2e: {  	_ = 	snop;
	(pc) =	sbr.rel @!p0 .LBB2_12-.Ltmp4, $1  }
0x2f: {  	_ =	sdelay $0x3  }
.LBB2_4:
0x30: {  	s0 =	smul.u32 $0xFA, s22;
	_ =	sdelay $0x1  }
0x31: {  	s23 =	sadd.s32 s2, s0  }
0x32: {  	[tilespmem:s10], [sflag:$0x1] =	stream.linear.gather [hbm4b:s23+s21], $0x7D0, $0x38;
	[tilespmem:$0xF280] =	vst v63  }
0x33: {  	s30 =	sadd.s32 s5, s0  }
0x34: {  	[tilespmem:s11], [sflag:$0x1] =	stream.linear.gather [hbm4b:s30+s21], $0x7D0, $0x38;
	[tilespmem:$0xF280] =	vst v63  }
0x35: {  	s0 =	sadd.s32 s3, s0  }
0x36: {  	[tilespmem:s12], [sflag:$0x1] =	stream.linear.gather [hbm4b:s0+s21], $0x7D0, $0x38;
	[tilespmem:$0xF280] =	vst v63  }
0x37: {  	_ =	swait.ge [sflag:s13], $0x7D0  }
0x38: {  	[sflag:s13] =	ssyncset.done $0x0  }
0x39: {  	[sflag:s13] =	ssyncadd.s32 $0xFFFFF830  }
0x3a: {  	_ =	swait.ge [sflag:s13], $0x7D0  }
0x3b: {  	[sflag:s13] =	ssyncset.done $0x0  }
0x3c: {  	[sflag:s13] =	ssyncadd.s32 $0xFFFFF830  }
0x3d: {  	_ =	swait.ge [sflag:s13], $0x7D0  }
0x3e: {  	[sflag:s13] =	ssyncset.done $0x0  }
0x3f: {  	s31 =	simm.s32 $0x0;
	[sflag:s13] =	ssyncadd.s32 $0xFFFFF830  }
0x40: {  	v7 =	vld [tilespmem:s31+$0xB880];
	_ =	sdelay $0x1  }
0x41: {  	v8 =	vld [tilespmem:s31+$0xC080];
	_ =	sdelay $0x2  }
0x42: {  	vm1 =	vge.s32 v7, v0;
	vm2 =	vlt.s32 v7, v1  }
0x43: {  	v7 =	vsub.s32 v7, v0;
	vm1 =	vmand vm1, vm2  }
0x44: {  	v9 =	vld [tilespmem:s31+$0xC880];
	[tilespmem:s21+$0xD080] =	vst.msk vm1, v7;
	v7 =	vadd.s32 $0x4E20, v8  }
0x45: {  	[tilespmem:s21+$0xD900] =	vst.msk vm1, v7;
	v7 =	vmpcnt.ones.xlane vm1;
	_ =	sdelay $0x1  }
0x46: {  	(v2sf) =	vpush v7, $0x0;
	_ =	sdelay $0x3  }
0x47: {  	s25 =	simm.s32 $0x10;
	[tilespmem:s21+$0xE180] =	vst.msk vm1, v9  }
0x48: {  	v8 =	vld [tilespmem:s25+$0xC080]  }
0x49: {  	s24 =	simm.s32 $0x80;
	s23 =	simm.s32 $0x0;
	v7 =	vld [tilespmem:s25+$0xC880]  }
.LBB2_5:
0x4a: {  	p0 =	sne.s32 s24, $0x1F00;
	v9 =	vld [tilespmem:s25+$0xB880];
	_ =	sdelay $0x4  }
0x4b: {  	vm1 =	vge.s32 v9, v0;
	vm2 =	vlt.s32 v9, v1;
	v9 =	vsub.s32 v9, v0  }
0x4c: {  	vm1 =	vmand vm1, vm2  }
0x4d: {  	v10 =	vmpcnt.ones.xlane vm1  }
0x4e: {  	s0 =	spop (v2sf)  }
0x4f: {  	(v2sf) =	vpush v10, $0x0;
	s23 =	sadd.s32 s23, s0  }
0x50: {  	v8 =	vadd.s32 $0x4E20, v8;
	[tilespmem:s23+$0xD080] =	vst.msk vm1, v9  }
.Ltmp5:
0x51: {  	[tilespmem:s23+$0xD900] =	vst.msk vm1, v8;
	(pc) =	sbr.rel @p0 .LBB2_5-.Ltmp5, $4  }
0x52: {  	s25 =	sshra.s32 s24, $0x2;
	[tilespmem:s23+$0xE180] =	vst.msk vm1, v7  }
0x53: {  	v8 =	vld [tilespmem:s25+$0xC080]  }
0x54: {  	v7 =	vld [tilespmem:s25+$0xC880]  }
0x55: {  	s24 =	sadd.s32 $0x40, s24  }
0x56: {  	v9 =	vld [tilespmem:s25+$0xB880];
	_ =	sdelay $0x4  }
0x57: {  	vm1 =	vge.s32 v9, v0;
	vm2 =	vlt.s32 v9, v1  }
0x58: {  	vm1 =	vmand vm1, vm2  }
0x59: {  	v10 =	vmpcnt.ones.xlane vm1;
	_ =	sdelay $0x1  }
0x5a: {  	(v2sf) =	vpush v10, $0x0;
	_ =	sdelay $0xd  }
0x5b: {  	s0 =	spop (v2sf)  }
0x5c: {  	s0 =	sadd.s32 s23, s0;
	s30 =	spop (v2sf)  }
0x5d: {  	s24 =	sadd.s32 s0, s30  }
0x5e: {  	s31 =	sadd.s32 $0xF, s24  }
0x5f: {  	v9 =	vsub.s32 v9, v0;
	s23 =	sshrl.u32 s31, $0x4  }
0x60: {  	v8 =	vadd.s32 $0x4E20, v8;
	[tilespmem:s0+$0xD080] =	vst.msk vm1, v9;
	p0 =	seq.s32 s23, $0x0  }
.Ltmp6:
0x61: {  	[tilespmem:s0+$0xD900] =	vst.msk vm1, v8;
	(pc) =	sbr.rel @p0 .LBB2_11-.Ltmp6, $4  }
0x62: {  	[tilespmem:s0+$0xE180] =	vst.msk vm1, v7  }
0x63: {  	[tilespmem:s24+$0xD080] =	vst v4  }
0x64: {  	[tilespmem:s24+$0xD900] =	vst v5  }
0x65: {  	[tilespmem:s24+$0xE180] =	vst v3  }
0x66: {  	s24 =	simm.s32 $0x0;
	s25 =	simm.s32 $0xE180;
	s26 =	simm.s32 $0xD080  }
.LBB2_8:
0x67: {  	s0 =	sshll.u32 s24, $0x4  }
0x68: {  	v7 =	vld [tilespmem:s0+$0xD900];
	_ =	sdelay $0x4  }
0x69: {  	[tilespmem:$0xF200] =	vst v7;
	v7 =	vmov s26  }
0x6a: {  	[tilespmem:s18], [sflag:$0x2] =	stream.indirect.gather [hbm4b:s6+s16], $0x80, s17, s16, $0xb8;
	[tilespmem:$0xF280] =	vst v63  }
0x6b: {  	_ =	swait.ge [sflag:s19], $0x800  }
0x6c: {  	[sflag:s19] =	ssyncset.done $0x0  }
0x6d: {  	s1 =	simm.s32 $0x0;
	[sflag:s19] =	ssyncadd.s32 $0xFFFFF800  }
0x6e: {  	v8 =	vld.idx.msk [tilespmem:v7+s1+$0x0 ss:$0x1], $0xffff;
	_ =	sdelay $0x4  }
0x6f: {  	(v2sf) =	vpush v8, $0x0;
	_ =	sdelay $0xb  }
0x70: {  	v8 =	vmov s25;
	_ =	sdelay $0x2  }
0x71: {  	s29 =	spop (v2sf)  }
0x72: {  	s28 =	sshll.u32 s29, $0x6  }
0x73: {  	v9 =	vld.idx.msk [tilespmem:v8+s1+$0x0 ss:$0x1], $0xffff;
	s1 =	sshra.s32 s28, $0x2  }
0x74: {  	v10 =	vld [tilespmem:s1+$0xA400];
	_ =	sdelay $0x3  }
0x75: {  	v11 =	vsel vm0, v9, v6  }
0x76: {  	v10 =	vadd.f32 v11, v10;
	_ =	sdelay $0x1  }
0x77: {  	s28 =	simm.s32 $0xEA40;
	[tilespmem:s1+$0xA400] =	vst v10  }
0x78: {  	s1 =	sshll.u32 s29, $0x9;
	v10 =	vld [tilespmem:s28+$0xFFFFFFC0]  }
0x79: {  	s30 =	sshra.s32 s1, $0x2  }
0x7a: {  	v11 =	vld [tilespmem:s30+$0x0]  }
0x7b: {  	v9 =	vbroadcast v9, $0x0;
	_ =	sdelay $0x1  }
0x7c: {  	v10 =	vmul.f32 v10, v9;
	_ =	sdelay $0x1  }
0x7d: {  	v10 =	vmax.f32 v11, v10  }
0x7e: {  	[tilespmem:s30+$0x0] =	vst v10  }
0x7f: {  	v10 =	vld [tilespmem:s28+$0xFFFFFFD0];
	_ =	sdelay $0x1  }
0x80: {  	v11 =	vld [tilespmem:s30+$0x10];
	_ =	sdelay $0x2  }
0x81: {  	v10 =	vmul.f32 v10, v9;
	_ =	sdelay $0x1  }
0x82: {  	v10 =	vmax.f32 v11, v10  }
0x83: {  	[tilespmem:s30+$0x10] =	vst v10  }
0x84: {  	v10 =	vld [tilespmem:s28+$0xFFFFFFE0];
	_ =	sdelay $0x1  }
0x85: {  	v11 =	vld [tilespmem:s30+$0x20];
	_ =	sdelay $0x2  }
0x86: {  	v10 =	vmul.f32 v10, v9;
	_ =	sdelay $0x1  }
0x87: {  	v10 =	vmax.f32 v11, v10  }
0x88: {  	[tilespmem:s30+$0x20] =	vst v10  }
0x89: {  	v10 =	vld [tilespmem:s28+$0xFFFFFFF0];
	_ =	sdelay $0x1  }
0x8a: {  	v11 =	vld [tilespmem:s30+$0x30];
	_ =	sdelay $0x2  }
0x8b: {  	v10 =	vmul.f32 v10, v9;
	_ =	sdelay $0x1  }
0x8c: {  	v10 =	vmax.f32 v11, v10  }
0x8d: {  	[tilespmem:s30+$0x30] =	vst v10  }
0x8e: {  	v10 =	vld [tilespmem:s28+$0x0];
	_ =	sdelay $0x1  }
0x8f: {  	v11 =	vld [tilespmem:s30+$0x40];
	_ =	sdelay $0x2  }
0x90: {  	v10 =	vmul.f32 v10, v9;
	_ =	sdelay $0x1  }
0x91: {  	v10 =	vmax.f32 v11, v10  }
0x92: {  	[tilespmem:s30+$0x40] =	vst v10  }
0x93: {  	v10 =	vld [tilespmem:s28+$0x10];
	_ =	sdelay $0x1  }
0x94: {  	v11 =	vld [tilespmem:s30+$0x50];
	_ =	sdelay $0x2  }
0x95: {  	v10 =	vmul.f32 v10, v9;
	_ =	sdelay $0x1  }
0x96: {  	v10 =	vmax.f32 v11, v10  }
0x97: {  	[tilespmem:s30+$0x50] =	vst v10  }
0x98: {  	v10 =	vld [tilespmem:s28+$0x20];
	_ =	sdelay $0x1  }
0x99: {  	v11 =	vld [tilespmem:s30+$0x60];
	_ =	sdelay $0x2  }
0x9a: {  	v10 =	vmul.f32 v10, v9;
	_ =	sdelay $0x1  }
0x9b: {  	v10 =	vmax.f32 v11, v10  }
0x9c: {  	[tilespmem:s30+$0x60] =	vst v10  }
0x9d: {  	v10 =	vld [tilespmem:s28+$0x30];
	_ =	sdelay $0x1  }
0x9e: {  	v11 =	vld [tilespmem:s30+$0x70];
	_ =	sdelay $0x2  }
0x9f: {  	v9 =	vmul.f32 v10, v9;
	_ =	sdelay $0x1  }
0xa0: {  	s31 =	simm.s32 $0x8;
	s29 =	simm.s32 $0x4;
	v9 =	vmax.f32 v11, v9  }
.LBB2_9:
0xa1: {  	s1 =	sshra.s32 s29, $0x2  }
0xa2: {  	[tilespmem:s30+$0x70] =	vst v9;
	s28 =	sadd.s32 $0x80, s28;
	s29 =	smov.u32 s31;
	s0 =	sadd.s32 $0x4, s31  }
0xa3: {  	p0 =	sne.s32 s31, $0x3C;
	v9 =	vld.idx.msk [tilespmem:v7+s1+$0x0 ss:$0x1], $0xffff;
	_ =	sdelay $0x5  }
0xa4: {  	(v2sf) =	vpush v9, $0x0;
	_ =	sdelay $0xe  }
0xa5: {  	s30 =	spop (v2sf)  }
0xa6: {  	v9 =	vld.idx.msk [tilespmem:v8+s1+$0x0 ss:$0x1], $0xffff;
	s1 =	sshll.u32 s30, $0x6;
	s30 =	sshll.u32 s30, $0x9  }
0xa7: {  	s1 =	sshra.s32 s1, $0x2  }
0xa8: {  	v10 =	vld [tilespmem:s1+$0xA400];
	_ =	sdelay $0x3  }
0xa9: {  	v11 =	vsel vm0, v9, v6  }
0xaa: {  	v10 =	vadd.f32 v11, v10;
	_ =	sdelay $0x1  }
0xab: {  	[tilespmem:s1+$0xA400] =	vst v10  }
0xac: {  	v10 =	vld [tilespmem:s28+$0xFFFFFFC0]  }
0xad: {  	s30 =	sshra.s32 s30, $0x2  }
0xae: {  	v11 =	vld [tilespmem:s30+$0x0]  }
0xaf: {  	v9 =	vbroadcast v9, $0x0;
	_ =	sdelay $0x1  }
0xb0: {  	v10 =	vmul.f32 v10, v9;
	_ =	sdelay $0x1  }
0xb1: {  	v10 =	vmax.f32 v11, v10  }
0xb2: {  	[tilespmem:s30+$0x0] =	vst v10  }
0xb3: {  	v10 =	vld [tilespmem:s28+$0xFFFFFFD0];
	_ =	sdelay $0x1  }
0xb4: {  	v11 =	vld [tilespmem:s30+$0x10];
	_ =	sdelay $0x2  }
0xb5: {  	v10 =	vmul.f32 v10, v9;
	_ =	sdelay $0x1  }
0xb6: {  	v10 =	vmax.f32 v11, v10  }
0xb7: {  	[tilespmem:s30+$0x10] =	vst v10  }
0xb8: {  	v10 =	vld [tilespmem:s28+$0xFFFFFFE0];
	_ =	sdelay $0x1  }
0xb9: {  	v11 =	vld [tilespmem:s30+$0x20];
	_ =	sdelay $0x2  }
0xba: {  	v10 =	vmul.f32 v10, v9;
	_ =	sdelay $0x1  }
0xbb: {  	v10 =	vmax.f32 v11, v10  }
0xbc: {  	[tilespmem:s30+$0x20] =	vst v10  }
0xbd: {  	v10 =	vld [tilespmem:s28+$0xFFFFFFF0];
	_ =	sdelay $0x1  }
0xbe: {  	v11 =	vld [tilespmem:s30+$0x30];
	_ =	sdelay $0x2  }
0xbf: {  	v10 =	vmul.f32 v10, v9;
	_ =	sdelay $0x1  }
0xc0: {  	v10 =	vmax.f32 v11, v10  }
0xc1: {  	[tilespmem:s30+$0x30] =	vst v10  }
0xc2: {  	v10 =	vld [tilespmem:s28+$0x0];
	_ =	sdelay $0x1  }
0xc3: {  	v11 =	vld [tilespmem:s30+$0x40];
	_ =	sdelay $0x2  }
0xc4: {  	v10 =	vmul.f32 v10, v9;
	_ =	sdelay $0x1  }
0xc5: {  	v10 =	vmax.f32 v11, v10  }
0xc6: {  	[tilespmem:s30+$0x40] =	vst v10  }
0xc7: {  	v10 =	vld [tilespmem:s28+$0x10];
	_ =	sdelay $0x1  }
0xc8: {  	v11 =	vld [tilespmem:s30+$0x50];
	_ =	sdelay $0x2  }
0xc9: {  	v10 =	vmul.f32 v10, v9;
	_ =	sdelay $0x1  }
0xca: {  	v10 =	vmax.f32 v11, v10  }
0xcb: {  	[tilespmem:s30+$0x50] =	vst v10  }
0xcc: {  	v10 =	vld [tilespmem:s28+$0x20];
	_ =	sdelay $0x1  }
0xcd: {  	v11 =	vld [tilespmem:s30+$0x60];
	_ =	sdelay $0x2  }
0xce: {  	v10 =	vmul.f32 v10, v9;
	_ =	sdelay $0x1  }
0xcf: {  	v10 =	vmax.f32 v11, v10  }
0xd0: {  	[tilespmem:s30+$0x60] =	vst v10  }
0xd1: {  	v10 =	vld [tilespmem:s28+$0x30];
	_ =	sdelay $0x1  }
0xd2: {  	v11 =	vld [tilespmem:s30+$0x70]  }
.Ltmp7:
0xd3: {  	(pc) =	sbr.rel @p0 .LBB2_9-.Ltmp7, $3  }
0xd4: {  	_ = 	snop  }
0xd5: {  	v9 =	vmul.f32 v10, v9;
	_ =	sdelay $0x1  }
0xd6: {  	s31 =	smov.u32 s0;
	v9 =	vmax.f32 v11, v9  }
0xd7: {  	_ =	sdelay $0x2  }
0xd8: {  	s0 =	sshra.s32 s29, $0x2;
	[tilespmem:s30+$0x70] =	vst v9  }
0xd9: {  	v7 =	vld.idx.msk [tilespmem:v7+s0+$0x0 ss:$0x1], $0xffff;
	_ =	sdelay $0x4  }
0xda: {  	(v2sf) =	vpush v7, $0x0;
	_ =	sdelay $0xe  }
0xdb: {  	s1 =	spop (v2sf)  }
0xdc: {  	s31 =	sshll.u32 s1, $0x6  }
0xdd: {  	v7 =	vld.idx.msk [tilespmem:v8+s0+$0x0 ss:$0x1], $0xffff;
	s30 =	sshra.s32 s31, $0x2  }
0xde: {  	v8 =	vld [tilespmem:s30+$0xA400];
	_ =	sdelay $0x3  }
0xdf: {  	v55 =	vsel vm0, v7, v6  }
0xe0: {  	v8 =	vadd.f32 v55, v8;
	_ =	sdelay $0x1  }
0xe1: {  	s28 =	sadd.s32 $0x80, s28;
	[tilespmem:s30+$0xA400] =	vst v8  }
0xe2: {  	s31 =	sshll.u32 s1, $0x9;
	v8 =	vld [tilespmem:s28+$0xFFFFFFC0]  }
0xe3: {  	s0 =	sshra.s32 s31, $0x2  }
0xe4: {  	v56 =	vld [tilespmem:s0+$0x0]  }
0xe5: {  	v7 =	vbroadcast v7, $0x0;
	_ =	sdelay $0x1  }
0xe6: {  	v8 =	vmul.f32 v8, v7;
	_ =	sdelay $0x1  }
0xe7: {  	v8 =	vmax.f32 v56, v8  }
0xe8: {  	[tilespmem:s0+$0x0] =	vst v8  }
0xe9: {  	v8 =	vld [tilespmem:s28+$0xFFFFFFD0];
	_ =	sdelay $0x1  }
0xea: {  	v57 =	vld [tilespmem:s0+$0x10];
	_ =	sdelay $0x2  }
0xeb: {  	v8 =	vmul.f32 v8, v7;
	_ =	sdelay $0x1  }
0xec: {  	v8 =	vmax.f32 v57, v8  }
0xed: {  	[tilespmem:s0+$0x10] =	vst v8  }
0xee: {  	v8 =	vld [tilespmem:s28+$0xFFFFFFE0];
	_ =	sdelay $0x1  }
0xef: {  	v58 =	vld [tilespmem:s0+$0x20];
	_ =	sdelay $0x2  }
0xf0: {  	v8 =	vmul.f32 v8, v7;
	_ =	sdelay $0x1  }
0xf1: {  	v8 =	vmax.f32 v58, v8  }
0xf2: {  	[tilespmem:s0+$0x20] =	vst v8  }
0xf3: {  	v8 =	vld [tilespmem:s28+$0xFFFFFFF0];
	_ =	sdelay $0x1  }
0xf4: {  	v59 =	vld [tilespmem:s0+$0x30];
	_ =	sdelay $0x2  }
0xf5: {  	v8 =	vmul.f32 v8, v7;
	_ =	sdelay $0x1  }
0xf6: {  	v8 =	vmax.f32 v59, v8  }
0xf7: {  	[tilespmem:s0+$0x30] =	vst v8  }
0xf8: {  	v8 =	vld [tilespmem:s28+$0x0];
	_ =	sdelay $0x1  }
0xf9: {  	v60 =	vld [tilespmem:s0+$0x40];
	_ =	sdelay $0x2  }
0xfa: {  	v8 =	vmul.f32 v8, v7;
	_ =	sdelay $0x1  }
0xfb: {  	v8 =	vmax.f32 v60, v8  }
0xfc: {  	[tilespmem:s0+$0x40] =	vst v8  }
0xfd: {  	v8 =	vld [tilespmem:s28+$0x10];
	_ =	sdelay $0x1  }
0xfe: {  	v61 =	vld [tilespmem:s0+$0x50];
	_ =	sdelay $0x2  }
0xff: {  	v8 =	vmul.f32 v8, v7;
	_ =	sdelay $0x1  }
0x100: {  	v8 =	vmax.f32 v61, v8  }
0x101: {  	[tilespmem:s0+$0x50] =	vst v8  }
0x102: {  	v8 =	vld [tilespmem:s28+$0x20];
	_ =	sdelay $0x1  }
0x103: {  	v62 =	vld [tilespmem:s0+$0x60];
	_ =	sdelay $0x2  }
0x104: {  	v8 =	vmul.f32 v8, v7;
	_ =	sdelay $0x1  }
0x105: {  	v8 =	vmax.f32 v62, v8  }
0x106: {  	[tilespmem:s0+$0x60] =	vst v8  }
0x107: {  	v8 =	vld [tilespmem:s28+$0x30];
	_ =	sdelay $0x1  }
0x108: {  	s24 =	sadd.s32 $0x1, s24;
	v63 =	vld [tilespmem:s0+$0x70]  }
0x109: {  	p0 =	sne.s32 s24, s23  }
.Ltmp8:
0x10a: {  	_ = 	snop;
	(pc) =	sbr.rel @p0 .LBB2_8-.Ltmp8, $4  }
.Ltmp9:
0x10b: {  	v7 =	vmul.f32 v8, v7;
	(pc) =	sbr.rel @!p0 .LBB2_11-.Ltmp9, $4  }
0x10c: {  	_ = 	snop  }
0x10d: {  	v7 =	vmax.f32 v63, v7  }
0x10e: {  	s25 =	sadd.s32 $0x10, s25;
	s26 =	sadd.s32 $0x10, s26;
	[tilespmem:s0+$0x70] =	vst v7  }
0x10f: {  	_ = 	snop  }
.LBB2_13:
0x110: {  	_ =	sfence.sel $0x180000  }
0x111: {  	[bflag:$0x0] =	sbarrier.arrive $0xFFFF  }
0x112: {  	_ =	strace $0x90000047  }
0x113: {  	s0 =	stileid.u32;
	[bflag:$0x2] =	sbarrier.arrive $0xFFFF  }
0x114: {  	p0 =	sne.s32 s0, $0x0;
	s0 =	rddreg [dreg:$0x3]  }
0x115: {  	s0 =	sadd.s32 @!p0 $0x100000, s0  }
0x116: {  	[sflag:s0] =	ssyncadd.tile.s32 @!p0 $0x1;
	_ =	shalt  }
.Lfunc_end2:
_tile_overlayer_lowered:
.L_overlay_start_2:
0x117: {  	(tag) =	ssettag $0x2  }
0x118: {  	s0 =	rddreg [dreg:$0x0];
	s2 =	stileid.u32  }
0x119: {  	s1 =	rddreg [dreg:$0x1];
	p0 =	sne.s32 s2, $0x0  }
0x11a: {  	s3 =	rddreg [dreg:$0x2];
	[bflag:$0x3] =	sbarrier.arrive $0xFFFF;
	s2 =	simm.s32 @!p0 $0x1C03  }
0x11b: {  	[timem:s3], [sflag:s2] =	dma.local @!p0 [hbm:s0], s1  }
0x11c: {  	s0 =	simm.s32 @!p0 $0x3  }
0x11d: {  	_ =	swait.ge @!p0 [sflag:s0], s1  }
0x11e: {  	s1 =	ssub.s32 @!p0 $0x0, s1;
	[sflag:s0] =	ssyncset.done @!p0 $0x0  }
0x11f: {  	[sflag:s0] =	ssyncadd.s32 @!p0 s1  }
0x120: {  	[bflag:$0x3] =	sbarrier.arrive $0xFFFF  }
0x121: {  	_ =	shalt  }

</sc_bundles>
